<compile_context>
chip_gen: v7x
topology: tpu7x:2x2x1
jax: 0.10.2.dev20260603
libtpu: 0.0.44.dev20260713+nightly
codegen_flags: <defaults>
</compile_context>

<pallas_src>
import functools

import jax
import jax.numpy as jnp
from jax import lax
from jax.experimental import pallas as pl
from jax.experimental.pallas import tpu as pltpu
from jax.experimental.pallas import tpu_sc as plsc

N = 10000
NP = 10240
E = 320000
NC = 2
NS = 16
CHUNK = 125
NCHUNK = E // CHUNK
SEG_ROWS = NCHUNK // NS
DEG_ROWS = NCHUNK // (NC * NS)
RPT = NP // NS
DEG_W = 16


def _seg_loop(u_ref, idx_s, idx_d, b0, b1, acc, s0, s1, nrows):
    pltpu.async_copy(u_ref.at[idx_s.at[0]], b0, s0)

    def step(jj, carry):
        j0 = 2 * jj
        j1 = j0 + 1
        j2 = jnp.minimum(j0 + 2, nrows - 1)
        pltpu.make_async_copy(u_ref.at[idx_s.at[j0]], b0, s0).wait()
        pltpu.async_copy(u_ref.at[idx_s.at[j1]], b1, s1)
        pltpu.sync_copy(b0, acc.at[idx_d.at[j0]], add=True)
        pltpu.make_async_copy(u_ref.at[idx_s.at[j1]], b1, s1).wait()
        pltpu.async_copy(u_ref.at[idx_s.at[j2]], b0, s0)
        pltpu.sync_copy(b1, acc.at[idx_d.at[j1]], add=True)
        return carry

    lax.fori_loop(0, nrows // 2, step, 0)
    pltpu.make_async_copy(u_ref.at[idx_s.at[nrows - 1]], b0, s0).wait()


NT = NP // NC
TR = 128
NDR = NT + TR
HSTRIPE = NT // NS


def _seg1_body(u_ref, src_ref, dstd_ref, out_ref, idx_s, idx_d, b0, b1,
               acc, s0, s1):
    c = lax.axis_index("c")
    s = lax.axis_index("s")
    w = c * NS + s
    pltpu.sync_copy(src_ref.at[pl.ds(w * DEG_ROWS, DEG_ROWS)], idx_s)
    for h in range(2):
        pltpu.sync_copy(dstd_ref.at[h, pl.ds(w * DEG_ROWS, DEG_ROWS)], idx_d)
        pltpu.sync_copy(u_ref.at[pl.ds(h * NT + s * HSTRIPE, HSTRIPE)],
                        acc.at[pl.ds(s * HSTRIPE, HSTRIPE)])
        plsc.subcore_barrier()
        _seg_loop(u_ref, idx_s, idx_d, b0, b1, acc, s0, s1, DEG_ROWS)
        plsc.subcore_barrier()
        pltpu.sync_copy(acc.at[pl.ds(s * HSTRIPE, HSTRIPE)],
                        out_ref.at[c, h, pl.ds(s * HSTRIPE, HSTRIPE)])


def _segment_sum1(u1, src_chunks, dstd):
    mesh = plsc.VectorSubcoreMesh(core_axis_name="c", subcore_axis_name="s")
    return pl.kernel(
        _seg1_body,
        out_type=jax.ShapeDtypeStruct((NC, 2, NT, 128), jnp.float32),
        mesh=mesh,
        scratch_types=[
            pltpu.VMEM((DEG_ROWS, CHUNK), jnp.int32),
            pltpu.VMEM((DEG_ROWS, CHUNK), jnp.int32),
            pltpu.VMEM((CHUNK, 128), jnp.float32),
            pltpu.VMEM((CHUNK, 128), jnp.float32),
            pltpu.VMEM_SHARED((NDR, 128), jnp.float32),
            pltpu.SemaphoreType.DMA,
            pltpu.SemaphoreType.DMA,
        ],
    )(u1, src_chunks, dstd)


def _seg2_body(u_ref, srcg_ref, dstd_ref, out_ref, idx_s, idx_d, b0, b1,
               acc, s0, s1):
    c = lax.axis_index("c")
    s = lax.axis_index("s")
    pltpu.sync_copy(srcg_ref.at[c, pl.ds(s * SEG_ROWS, SEG_ROWS)], idx_s)
    for h in range(2):
        pltpu.sync_copy(dstd_ref.at[h, pl.ds(s * SEG_ROWS, SEG_ROWS)], idx_d)
        pltpu.sync_copy(
            u_ref.at[pl.ds(c * NP + h * NT + s * HSTRIPE, HSTRIPE)],
            acc.at[pl.ds(s * HSTRIPE, HSTRIPE)])
        plsc.subcore_barrier()
        _seg_loop(u_ref, idx_s, idx_d, b0, b1, acc, s0, s1, SEG_ROWS)
        plsc.subcore_barrier()
        pltpu.sync_copy(acc.at[pl.ds(s * HSTRIPE, HSTRIPE)],
                        out_ref.at[c, h, pl.ds(s * HSTRIPE, HSTRIPE)])


def _segment_sum2(u_flat, srcg, dstd):
    mesh = plsc.VectorSubcoreMesh(core_axis_name="c", subcore_axis_name="s")
    return pl.kernel(
        _seg2_body,
        out_type=jax.ShapeDtypeStruct((NC, 2, NT, 128), jnp.float32),
        mesh=mesh,
        scratch_types=[
            pltpu.VMEM((SEG_ROWS, CHUNK), jnp.int32),
            pltpu.VMEM((SEG_ROWS, CHUNK), jnp.int32),
            pltpu.VMEM((CHUNK, 128), jnp.float32),
            pltpu.VMEM((CHUNK, 128), jnp.float32),
            pltpu.VMEM_SHARED((NDR, 128), jnp.float32),
            pltpu.SemaphoreType.DMA,
            pltpu.SemaphoreType.DMA,
        ],
    )(u_flat, srcg, dstd)


DSTRIPE = NDR // NS


def _deg_body(dstd_ref, out_ref, idx_v, ones_v, acc):
    c = lax.axis_index("c")
    s = lax.axis_index("s")
    pltpu.sync_copy(dstd_ref.at[c, pl.ds(s * SEG_ROWS, SEG_ROWS)], idx_v)
    for i in range(CHUNK):
        ones_v[i] = jnp.full((DEG_W,), 1.0, jnp.float32)
    base = s * DSTRIPE
    pltpu.sync_copy(ones_v, acc.at[pl.ds(base, CHUNK)])
    pltpu.sync_copy(ones_v, acc.at[pl.ds(base + CHUNK, CHUNK)])
    pltpu.sync_copy(ones_v.at[pl.ds(0, DSTRIPE - 2 * CHUNK)],
                    acc.at[pl.ds(base + 2 * CHUNK, DSTRIPE - 2 * CHUNK)])
    plsc.subcore_barrier()

    def step(j, carry):
        pltpu.sync_copy(ones_v, acc.at[idx_v.at[j]], add=True)
        return carry

    lax.fori_loop(0, SEG_ROWS, step, 0)
    plsc.subcore_barrier()
    pltpu.sync_copy(acc.at[pl.ds(base, DSTRIPE)],
                    out_ref.at[c, pl.ds(base, DSTRIPE)])


def _degree(dstd):
    mesh = plsc.VectorSubcoreMesh(core_axis_name="c", subcore_axis_name="s")
    return pl.kernel(
        _deg_body,
        out_type=jax.ShapeDtypeStruct((NC, NDR, DEG_W), jnp.float32),
        mesh=mesh,
        scratch_types=[
            pltpu.VMEM((SEG_ROWS, CHUNK), jnp.int32),
            pltpu.VMEM((CHUNK, DEG_W), jnp.float32),
            pltpu.VMEM_SHARED((NDR, DEG_W), jnp.float32),
        ],
    )(dstd)


def _leaky(v):
    return jnp.where(v >= 0, v, 0.01 * v)



def _tc1_body(deg_ref, x_ref, dinv_ref, u_ref):
    deg = jnp.concatenate(
        [deg_ref[0, :NT, 0:1], deg_ref[1, :NT, 0:1]], axis=0)
    row = lax.broadcasted_iota(jnp.int32, (NP, 1), 0)
    dinv = jnp.where(row < N, lax.rsqrt(deg), 0.0)
    dinv_ref[...] = dinv
    u_ref[...] = x_ref[...] * dinv


def _tc1(deg, xpad):
    return pl.pallas_call(
        _tc1_body,
        out_shape=(
            jax.ShapeDtypeStruct((NP, 1), jnp.float32),
            jax.ShapeDtypeStruct((NP, 128), jnp.float32),
        ),
    )(deg, xpad)


_B2 = 640
_G2 = NP // _B2


def _tc2_body(pacc_ref, u1_ref, dinv_ref, w_ref, b_ref, u2_ref):
    dinv = dinv_ref[...]
    p = (pacc_ref[0] + pacc_ref[1] - u1_ref[...]) * dinv
    h = jnp.dot(p, w_ref[...], preferred_element_type=jnp.float32) + b_ref[...]
    u2 = _leaky(h) * dinv
    u2_ref[0] = u2[:, :128]
    u2_ref[1] = u2[:, 128:]


def _tc2(pacc, u1, dinv, w1, b1):
    return pl.pallas_call(
        _tc2_body,
        grid=(_G2,),
        in_specs=[
            pl.BlockSpec((NC, _B2, 128), lambda i: (0, i, 0)),
            pl.BlockSpec((_B2, 128), lambda i: (i, 0)),
            pl.BlockSpec((_B2, 1), lambda i: (i, 0)),
            pl.BlockSpec((128, 256), lambda i: (0, 0)),
            pl.BlockSpec((1, 256), lambda i: (0, 0)),
        ],
        out_specs=pl.BlockSpec((NC, _B2, 128), lambda i: (0, i, 0)),
        out_shape=jax.ShapeDtypeStruct((NC, NP, 128), jnp.float32),
    )(pacc, u1, dinv, w1, b1)


_B3 = 1000
_G3 = N // _B3


def _tc3_body(pacc_ref, dinv_ref, w_ref, b_ref, wm1_ref, bm1_ref, wm2_ref,
              bm2_ref, out_ref, acc_ref):
    i = pl.program_id(0)
    p = jnp.concatenate([pacc_ref[0], pacc_ref[1]], axis=1) * dinv_ref[...]
    h = _leaky(jnp.dot(p, w_ref[...], preferred_element_type=jnp.float32)
               + b_ref[...])
    part = jnp.sum(h, axis=0, keepdims=True)

    @pl.when(i == 0)
    def _():
        acc_ref[...] = part

    @pl.when(i > 0)
    def _():
        acc_ref[...] += part

    @pl.when(i == _G3 - 1)
    def _():
        g = acc_ref[...] * (1.0 / N)
        m = _leaky(jnp.dot(g, wm1_ref[...], preferred_element_type=jnp.float32)
                   + bm1_ref[...])
        out_ref[...] = _leaky(
            jnp.dot(m, wm2_ref[...], preferred_element_type=jnp.float32)
            + bm2_ref[...])


def _tc3(pacc, dinv, w2, b2, wm1, bm1, wm2, bm2):
    return pl.pallas_call(
        _tc3_body,
        grid=(_G3,),
        in_specs=[
            pl.BlockSpec((NC, _B3, 128), lambda i: (0, i, 0)),
            pl.BlockSpec((_B3, 1), lambda i: (i, 0)),
            pl.BlockSpec((256, 256), lambda i: (0, 0)),
            pl.BlockSpec((1, 256), lambda i: (0, 0)),
            pl.BlockSpec((256, 512), lambda i: (0, 0)),
            pl.BlockSpec((1, 512), lambda i: (0, 0)),
            pl.BlockSpec((512, 128), lambda i: (0, 0)),
            pl.BlockSpec((1, 128), lambda i: (0, 0)),
        ],
        out_specs=pl.BlockSpec((1, 128), lambda i: (0, 0)),
        out_shape=jax.ShapeDtypeStruct((1, 128), jnp.float32),
        scratch_shapes=[pltpu.VMEM((1, 256), jnp.float32)],
    )(pacc, dinv, w2, b2, wm1, bm1, wm2, bm2)


def kernel(x, edge_index, W1, b1, W2, b2, Wm1, bm1, Wm2, bm2):
    src = edge_index[0]
    dst = edge_index[1]
    src_chunks = src.reshape(NCHUNK, CHUNK)
    dst_chunks = dst.reshape(NCHUNK, CHUNK)
    srcg = jnp.stack([src, src + NP]).reshape(NC, NCHUNK, CHUNK)
    xpad = jnp.pad(x, ((0, NP - N), (0, 0)))
    dstd = jnp.stack(
        [jnp.where(dst < NT, dst, NT + (dst & (TR - 1))),
         jnp.where(dst >= NT, dst - NT, NT + (dst & (TR - 1)))],
    ).reshape(NC, NCHUNK, CHUNK)

    deg = _degree(dstd)
    dinv, u1 = _tc1(deg, xpad)

    p1 = _segment_sum1(u1, src_chunks, dstd).reshape(NC, NP, 128)
    u2 = _tc2(p1, u1, dinv, W1, b1.reshape(1, 256))

    u2_flat = u2.reshape(NC * NP, 128)
    p2 = _segment_sum2(u2_flat, srcg, dstd).reshape(NC, NP, 128)
    return _tc3(p2, dinv, W2, b2.reshape(1, 256), Wm1, bm1.reshape(1, 512),
                Wm2, bm2.reshape(1, 128))

# --- scband reference (transcript-rebuilt; emitter-appended) ---
"""Pipeline reference for scband-gcn-proxy-30227979829767 (READ-ONLY COPY).

The authoritative reference and input builder live on the scoring server;
editing this copy changes nothing except your own understanding.
"""

import jax, jax.numpy as jnp
import numpy as np

N_NODES = 10000
N_EDGES = 320000
D_IN = 128
D_GCN = [256, 256]
D_MLP = [512, 128]


def setup_inputs(seed: int = 0) -> dict:
    key = jax.random.key(seed)
    ks = jax.random.split(key, 12)
    x = jax.random.normal(ks[0], (N_NODES, D_IN), dtype=jnp.float32)
    edge_index = jax.random.randint(ks[1], (2, N_EDGES), 0, N_NODES, dtype=jnp.int32)
    def lin(k, fan_in, fan_out):
        bound = 1.0 / np.sqrt(fan_in)
        kw, kb = jax.random.split(k)
        W = jax.random.uniform(kw, (fan_in, fan_out), minval=-bound, maxval=bound, dtype=jnp.float32)
        b = jax.random.uniform(kb, (fan_out,), minval=-bound, maxval=bound, dtype=jnp.float32)
        return W, b
    W1, b1 = lin(ks[2], D_IN, D_GCN[0])
    W2, b2 = lin(ks[3], D_GCN[0], D_GCN[1])
    Wm1, bm1 = lin(ks[4], D_GCN[1], D_MLP[0])
    Wm2, bm2 = lin(ks[5], D_MLP[0], D_MLP[1])
    return {"x": x, "edge_index": edge_index, "W1": W1, "b1": b1, "W2": W2, "b2": b2,
            "Wm1": Wm1, "bm1": bm1, "Wm2": Wm2, "bm2": bm2}


def _leaky_relu(x):
    return jnp.where(x >= 0, x, 0.01 * x)


def _gcn_conv(x, edge_index, W, b):
    # GCNConv with added self-loops and symmetric normalization D^-1/2 (A+I) D^-1/2
    n = x.shape[0]
    loop = jnp.arange(n, dtype=edge_index.dtype)
    src = jnp.concatenate([edge_index[0], loop])
    dst = jnp.concatenate([edge_index[1], loop])
    deg = jax.ops.segment_sum(jnp.ones(src.shape[0], dtype=x.dtype), dst, num_segments=n)
    dinv = jnp.where(deg > 0, jax.lax.rsqrt(deg), 0.0)
    norm = dinv[src] * dinv[dst]
    h = x @ W
    msg = h[src] * norm[:, None]
    out = jax.ops.segment_sum(msg, dst, num_segments=n)
    return out + b


def reference(x, edge_index, W1, b1, W2, b2, Wm1, bm1, Wm2, bm2):
    # GCN stack (dropout is identity in eval mode)
    h = _leaky_relu(_gcn_conv(x, edge_index, W1, b1))
    h = _leaky_relu(_gcn_conv(h, edge_index, W2, b2))
    # global_mean_pool with a single graph (batch = zeros)
    g = jnp.mean(h, axis=0, keepdims=True)
    # MLP head
    g = _leaky_relu(g @ Wm1 + bm1)
    g = _leaky_relu(g @ Wm2 + bm2)
    return g

if __name__ == "__main__":
    import jax
    _d = setup_inputs()
    print(jax.jit(kernel)(*tuple(_d.values())))

</pallas_src>

<mosaic_0001>
#map = affine_map<(d0, d1) -> (0, 0, 0)>
module attributes {stable_mosaic.version = 14 : i64} {
  func.func @_deg_body(%arg0: i32, %arg1: i32, %arg2: memref<2x2560x125xi32, #tpu.memory_space<hbm>>, %arg3: memref<2x5248x16xf32, #tpu.memory_space<hbm>>, %arg4: memref<160x125xi32, #tpu.memory_space<vmem>>, %arg5: memref<125x16xf32, #tpu.memory_space<vmem>>, %arg6: memref<5248x16xf32, #tpu.memory_space<vmem_shared>>) attributes {dimension_semantics = [#tpu.dimension_semantics<core_parallel>, #tpu.dimension_semantics<subcore_parallel>], iteration_bounds = array<i64: 2, 16>, scalar_prefetch = 0 : i64, scratch_operands = 3 : i64, tpu.core_type = #tpu.core_type<sc_vector_subcore>, window_params = [{transform_indices = #map}, {transform_indices = #map}]} {
    %mul3A = arith.constant 160 : i32
    %mul3A_0 = arith.muli %arg1, %mul3A : i32
    "tpu.region"() ({
      %run_scoped3A = tpu.sem_alloc : memref<!tpu.dma_semaphore, #tpu.memory_space<semaphore_mem>>
      %dma_start3A = arith.constant 0 : i32
      %dma_start3A_1010 = tpu.memref_slice %arg2[%arg0, %mul3A_0, %dma_start3A] : memref<2x2560x125xi32, #tpu.memory_space<hbm>> -> memref<1x160x125xi32, #tpu.memory_space<hbm>>
      %dma_start3A_1011 = tpu.memref_squeeze %dma_start3A_1010 : memref<1x160x125xi32, #tpu.memory_space<hbm>> -> memref<160x125xi32, #tpu.memory_space<hbm>>
      %dma_start3A_1012 = arith.constant 0 : i32
      %dma_start3A_1013 = tpu.memref_slice %arg2[%arg0, %mul3A_0, %dma_start3A_1012] : memref<2x2560x125xi32, #tpu.memory_space<hbm>> -> memref<1x160x125xi32, #tpu.memory_space<hbm>>
      %dma_start3A_1014 = tpu.memref_squeeze %dma_start3A_1013 : memref<1x160x125xi32, #tpu.memory_space<hbm>> -> memref<160x125xi32, #tpu.memory_space<hbm>>
      tpu.enqueue_dma source(%dma_start3A_1014 : memref<160x125xi32, #tpu.memory_space<hbm>>) target(%arg4 : memref<160x125xi32, #tpu.memory_space<vmem>>) target_semaphore(%run_scoped3A : memref<!tpu.dma_semaphore, #tpu.memory_space<semaphore_mem>>)
      %dma_wait3A = arith.constant 0 : i32
      %dma_wait3A_1015 = tpu.memref_slice %arg2[%arg0, %mul3A_0, %dma_wait3A] : memref<2x2560x125xi32, #tpu.memory_space<hbm>> -> memref<1x160x125xi32, #tpu.memory_space<hbm>>
      %dma_wait3A_1016 = tpu.memref_squeeze %dma_wait3A_1015 : memref<1x160x125xi32, #tpu.memory_space<hbm>> -> memref<160x125xi32, #tpu.memory_space<hbm>>
      %dma_wait3A_1017 = arith.constant 0 : i32
      %dma_wait3A_1018 = tpu.memref_slice %arg2[%arg0, %mul3A_0, %dma_wait3A_1017] : memref<2x2560x125xi32, #tpu.memory_space<hbm>> -> memref<1x160x125xi32, #tpu.memory_space<hbm>>
      %dma_wait3A_1019 = tpu.memref_squeeze %dma_wait3A_1018 : memref<1x160x125xi32, #tpu.memory_space<hbm>> -> memref<160x125xi32, #tpu.memory_space<hbm>>
      tpu.wait_dma2 semaphore(%run_scoped3A : memref<!tpu.dma_semaphore, #tpu.memory_space<semaphore_mem>>) src(%dma_wait3A_1019 : memref<160x125xi32, #tpu.memory_space<hbm>>) dst(%arg4 : memref<160x125xi32, #tpu.memory_space<vmem>>)
      tpu.yield
    }) : () -> ()
    %broadcast_in_dim3A = arith.constant 1.000000e+00 : f32
    %broadcast_in_dim3A_1 = vector.broadcast %broadcast_in_dim3A : f32 to vector<16xf32>
    %swap3A = arith.constant 0 : i32
    %swap3A_2 = arith.index_cast %swap3A : i32 to index
    %swap3A_3 = arith.constant 0 : index
    %swap3A_4 = tpu.vector_load %arg5[%swap3A_2, %swap3A_3] {strides = array<i32>} : memref<125x16xf32, #tpu.memory_space<vmem>>, vector<1x16xf32>,
    %swap3A_5 = vector.shape_cast %swap3A_4 : vector<1x16xf32> to vector<16xf32>
    %swap3A_6 = vector.shape_cast %broadcast_in_dim3A_1 : vector<16xf32> to vector<1x16xf32>
    tpu.vector_store %arg5[%swap3A_2, %swap3A_3], %swap3A_6 {strides = array<i32>} : memref<125x16xf32, #tpu.memory_space<vmem>>, vector<1x16xf32>,
    %broadcast_in_dim3A_7 = arith.constant 1.000000e+00 : f32
    %broadcast_in_dim3A_8 = vector.broadcast %broadcast_in_dim3A_7 : f32 to vector<16xf32>
    %swap3A_9 = arith.constant 1 : i32
    %swap3A_10 = arith.index_cast %swap3A_9 : i32 to index
    %swap3A_11 = arith.constant 0 : index
    %swap3A_12 = tpu.vector_load %arg5[%swap3A_10, %swap3A_11] {strides = array<i32>} : memref<125x16xf32, #tpu.memory_space<vmem>>, vector<1x16xf32>,
    %swap3A_13 = vector.shape_cast %swap3A_12 : vector<1x16xf32> to vector<16xf32>
    %swap3A_14 = vector.shape_cast %broadcast_in_dim3A_8 : vector<16xf32> to vector<1x16xf32>
    tpu.vector_store %arg5[%swap3A_10, %swap3A_11], %swap3A_14 {strides = array<i32>} : memref<125x16xf32, #tpu.memory_space<vmem>>, vector<1x16xf32>,
    %broadcast_in_dim3A_15 = arith.constant 1.000000e+00 : f32
    %broadcast_in_dim3A_16 = vector.broadcast %broadcast_in_dim3A_15 : f32 to vector<16xf32>
    %swap3A_17 = arith.constant 2 : i32
    %swap3A_18 = arith.index_cast %swap3A_17 : i32 to index
    %swap3A_19 = arith.constant 0 : index
    %swap3A_20 = tpu.vector_load %arg5[%swap3A_18, %swap3A_19] {strides = array<i32>} : memref<125x16xf32, #tpu.memory_space<vmem>>, vector<1x16xf32>,
    %swap3A_21 = vector.shape_cast %swap3A_20 : vector<1x16xf32> to vector<16xf32>
    %swap3A_22 = vector.shape_cast %broadcast_in_dim3A_16 : vector<16xf32> to vector<1x16xf32>
    tpu.vector_store %arg5[%swap3A_18, %swap3A_19], %swap3A_22 {strides = array<i32>} : memref<125x16xf32, #tpu.memory_space<vmem>>, vector<1x16xf32>,
    %broadcast_in_dim3A_23 = arith.constant 1.000000e+00 : f32
    %broadcast_in_dim3A_24 = vector.broadcast %broadcast_in_dim3A_23 : f32 to vector<16xf32>
    %swap3A_25 = arith.constant 3 : i32
    %swap3A_26 = arith.index_cast %swap3A_25 : i32 to index
    %swap3A_27 = arith.constant 0 : index
    %swap3A_28 = tpu.vector_load %arg5[%swap3A_26, %swap3A_27] {strides = array<i32>} : memref<125x16xf32, #tpu.memory_space<vmem>>, vector<1x16xf32>,
    %swap3A_29 = vector.shape_cast %swap3A_28 : vector<1x16xf32> to vector<16xf32>
    %swap3A_30 = vector.shape_cast %broadcast_in_dim3A_24 : vector<16xf32> to vector<1x16xf32>
    tpu.vector_store %arg5[%swap3A_26, %swap3A_27], %swap3A_30 {strides = array<i32>} : memref<125x16xf32, #tpu.memory_space<vmem>>, vector<1x16xf32>,
    %broadcast_in_dim3A_31 = arith.constant 1.000000e+00 : f32
    %broadcast_in_dim3A_32 = vector.broadcast %broadcast_in_dim3A_31 : f32 to vector<16xf32>
    %swap3A_33 = arith.constant 4 : i32
    %swap3A_34 = arith.index_cast %swap3A_33 : i32 to index
    %swap3A_35 = arith.constant 0 : index
    %swap3A_36 = tpu.vector_load %arg5[%swap3A_34, %swap3A_35] {strides = array<i32>} : memref<125x16xf32, #tpu.memory_space<vmem>>, vector<1x16xf32>,
    %swap3A_37 = vector.shape_cast %swap3A_36 : vector<1x16xf32> to vector<16xf32>
    %swap3A_38 = vector.shape_cast %broadcast_in_dim3A_32 : vector<16xf32> to vector<1x16xf32>
    tpu.vector_store %arg5[%swap3A_34, %swap3A_35], %swap3A_38 {strides = array<i32>} : memref<125x16xf32, #tpu.memory_space<vmem>>, vector<1x16xf32>,
    %broadcast_in_dim3A_39 = arith.constant 1.000000e+00 : f32
    %broadcast_in_dim3A_40 = vector.broadcast %broadcast_in_dim3A_39 : f32 to vector<16xf32>
    %swap3A_41 = arith.constant 5 : i32
    %swap3A_42 = arith.index_cast %swap3A_41 : i32 to index
    %swap3A_43 = arith.constant 0 : index
    %swap3A_44 = tpu.vector_load %arg5[%swap3A_42, %swap3A_43] {strides = array<i32>} : memref<125x16xf32, #tpu.memory_space<vmem>>, vector<1x16xf32>,
    %swap3A_45 = vector.shape_cast %swap3A_44 : vector<1x16xf32> to vector<16xf32>
    %swap3A_46 = vector.shape_cast %broadcast_in_dim3A_40 : vector<16xf32> to vector<1x16xf32>
    tpu.vector_store %arg5[%swap3A_42, %swap3A_43], %swap3A_46 {strides = array<i32>} : memref<125x16xf32, #tpu.memory_space<vmem>>, vector<1x16xf32>,
    %broadcast_in_dim3A_47 = arith.constant 1.000000e+00 : f32
    %broadcast_in_dim3A_48 = vector.broadcast %broadcast_in_dim3A_47 : f32 to vector<16xf32>
    %swap3A_49 = arith.constant 6 : i32
    %swap3A_50 = arith.index_cast %swap3A_49 : i32 to index
    %swap3A_51 = arith.constant 0 : index
    %swap3A_52 = tpu.vector_load %arg5[%swap3A_50, %swap3A_51] {strides = array<i32>} : memref<125x16xf32, #tpu.memory_space<vmem>>, vector<1x16xf32>,
    %swap3A_53 = vector.shape_cast %swap3A_52 : vector<1x16xf32> to vector<16xf32>
    %swap3A_54 = vector.shape_cast %broadcast_in_dim3A_48 : vector<16xf32> to vector<1x16xf32>
    tpu.vector_store %arg5[%swap3A_50, %swap3A_51], %swap3A_54 {strides = array<i32>} : memref<125x16xf32, #tpu.memory_space<vmem>>, vector<1x16xf32>,
    %broadcast_in_dim3A_55 = arith.constant 1.000000e+00 : f32
    %broadcast_in_dim3A_56 = vector.broadcast %broadcast_in_dim3A_55 : f32 to vector<16xf32>
    %swap3A_57 = arith.constant 7 : i32
    %swap3A_58 = arith.index_cast %swap3A_57 : i32 to index
    %swap3A_59 = arith.constant 0 : index
    %swap3A_60 = tpu.vector_load %arg5[%swap3A_58, %swap3A_59] {strides = array<i32>} : memref<125x16xf32, #tpu.memory_space<vmem>>, vector<1x16xf32>,
    %swap3A_61 = vector.shape_cast %swap3A_60 : vector<1x16xf32> to vector<16xf32>
    %swap3A_62 = vector.shape_cast %broadcast_in_dim3A_56 : vector<16xf32> to vector<1x16xf32>
    tpu.vector_store %arg5[%swap3A_58, %swap3A_59], %swap3A_62 {strides = array<i32>} : memref<125x16xf32, #tpu.memory_space<vmem>>, vector<1x16xf32>,
    %broadcast_in_dim3A_63 = arith.constant 1.000000e+00 : f32
    %broadcast_in_dim3A_64 = vector.broadcast %broadcast_in_dim3A_63 : f32 to vector<16xf32>
    %swap3A_65 = arith.constant 8 : i32
    %swap3A_66 = arith.index_cast %swap3A_65 : i32 to index
    %swap3A_67 = arith.constant 0 : index
    %swap3A_68 = tpu.vector_load %arg5[%swap3A_66, %swap3A_67] {strides = array<i32>} : memref<125x16xf32, #tpu.memory_space<vmem>>, vector<1x16xf32>,
    %swap3A_69 = vector.shape_cast %swap3A_68 : vector<1x16xf32> to vector<16xf32>
    %swap3A_70 = vector.shape_cast %broadcast_in_dim3A_64 : vector<16xf32> to vector<1x16xf32>
    tpu.vector_store %arg5[%swap3A_66, %swap3A_67], %swap3A_70 {strides = array<i32>} : memref<125x16xf32, #tpu.memory_space<vmem>>, vector<1x16xf32>,
    %broadcast_in_dim3A_71 = arith.constant 1.000000e+00 : f32
    %broadcast_in_dim3A_72 = vector.broadcast %broadcast_in_dim3A_71 : f32 to vector<16xf32>
    %swap3A_73 = arith.constant 9 : i32
    %swap3A_74 = arith.index_cast %swap3A_73 : i32 to index
    %swap3A_75 = arith.constant 0 : index
    %swap3A_76 = tpu.vector_load %arg5[%swap3A_74, %swap3A_75] {strides = array<i32>} : memref<125x16xf32, #tpu.memory_space<vmem>>, vector<1x16xf32>,
    %swap3A_77 = vector.shape_cast %swap3A_76 : vector<1x16xf32> to vector<16xf32>
    %swap3A_78 = vector.shape_cast %broadcast_in_dim3A_72 : vector<16xf32> to vector<1x16xf32>
    tpu.vector_store %arg5[%swap3A_74, %swap3A_75], %swap3A_78 {strides = array<i32>} : memref<125x16xf32, #tpu.memory_space<vmem>>, vector<1x16xf32>,
    %broadcast_in_dim3A_79 = arith.constant 1.000000e+00 : f32
    %broadcast_in_dim3A_80 = vector.broadcast %broadcast_in_dim3A_79 : f32 to vector<16xf32>
    %swap3A_81 = arith.constant 10 : i32
    %swap3A_82 = arith.index_cast %swap3A_81 : i32 to index
    %swap3A_83 = arith.constant 0 : index
    %swap3A_84 = tpu.vector_load %arg5[%swap3A_82, %swap3A_83] {strides = array<i32>} : memref<125x16xf32, #tpu.memory_space<vmem>>, vector<1x16xf32>,
    %swap3A_85 = vector.shape_cast %swap3A_84 : vector<1x16xf32> to vector<16xf32>
    %swap3A_86 = vector.shape_cast %broadcast_in_dim3A_80 : vector<16xf32> to vector<1x16xf32>
    tpu.vector_store %arg5[%swap3A_82, %swap3A_83], %swap3A_86 {strides = array<i32>} : memref<125x16xf32, #tpu.memory_space<vmem>>, vector<1x16xf32>,
    %broadcast_in_dim3A_87 = arith.constant 1.000000e+00 : f32
    %broadcast_in_dim3A_88 = vector.broadcast %broadcast_in_dim3A_87 : f32 to vector<16xf32>
    %swap3A_89 = arith.constant 11 : i32
    %swap3A_90 = arith.index_cast %swap3A_89 : i32 to index
    %swap3A_91 = arith.constant 0 : index
    %swap3A_92 = tpu.vector_load %arg5[%swap3A_90, %swap3A_91] {strides = array<i32>} : memref<125x16xf32, #tpu.memory_space<vmem>>, vector<1x16xf32>,
    %swap3A_93 = vector.shape_cast %swap3A_92 : vector<1x16xf32> to vector<16xf32>
    %swap3A_94 = vector.shape_cast %broadcast_in_dim3A_88 : vector<16xf32> to vector<1x16xf32>
    tpu.vector_store %arg5[%swap3A_90, %swap3A_91], %swap3A_94 {strides = array<i32>} : memref<125x16xf32, #tpu.memory_space<vmem>>, vector<1x16xf32>,
    %broadcast_in_dim3A_95 = arith.constant 1.000000e+00 : f32
    %broadcast_in_dim3A_96 = vector.broadcast %broadcast_in_dim3A_95 : f32 to vector<16xf32>
    %swap3A_97 = arith.constant 12 : i32
    %swap3A_98 = arith.index_cast %swap3A_97 : i32 to index
    %swap3A_99 = arith.constant 0 : index
    %swap3A_100 = tpu.vector_load %arg5[%swap3A_98, %swap3A_99] {strides = array<i32>} : memref<125x16xf32, #tpu.memory_space<vmem>>, vector<1x16xf32>,
    %swap3A_101 = vector.shape_cast %swap3A_100 : vector<1x16xf32> to vector<16xf32>
    %swap3A_102 = vector.shape_cast %broadcast_in_dim3A_96 : vector<16xf32> to vector<1x16xf32>
    tpu.vector_store %arg5[%swap3A_98, %swap3A_99], %swap3A_102 {strides = array<i32>} : memref<125x16xf32, #tpu.memory_space<vmem>>, vector<1x16xf32>,
    %broadcast_in_dim3A_103 = arith.constant 1.000000e+00 : f32
    %broadcast_in_dim3A_104 = vector.broadcast %broadcast_in_dim3A_103 : f32 to vector<16xf32>
    %swap3A_105 = arith.constant 13 : i32
    %swap3A_106 = arith.index_cast %swap3A_105 : i32 to index
    %swap3A_107 = arith.constant 0 : index
    %swap3A_108 = tpu.vector_load %arg5[%swap3A_106, %swap3A_107] {strides = array<i32>} : memref<125x16xf32, #tpu.memory_space<vmem>>, vector<1x16xf32>,
    %swap3A_109 = vector.shape_cast %swap3A_108 : vector<1x16xf32> to vector<16xf32>
    %swap3A_110 = vector.shape_cast %broadcast_in_dim3A_104 : vector<16xf32> to vector<1x16xf32>
    tpu.vector_store %arg5[%swap3A_106, %swap3A_107], %swap3A_110 {strides = array<i32>} : memref<125x16xf32, #tpu.memory_space<vmem>>, vector<1x16xf32>,
    %broadcast_in_dim3A_111 = arith.constant 1.000000e+00 : f32
    %broadcast_in_dim3A_112 = vector.broadcast %broadcast_in_dim3A_111 : f32 to vector<16xf32>
    %swap3A_113 = arith.constant 14 : i32
    %swap3A_114 = arith.index_cast %swap3A_113 : i32 to index
    %swap3A_115 = arith.constant 0 : index
    %swap3A_116 = tpu.vector_load %arg5[%swap3A_114, %swap3A_115] {strides = array<i32>} : memref<125x16xf32, #tpu.memory_space<vmem>>, vector<1x16xf32>,
    %swap3A_117 = vector.shape_cast %swap3A_116 : vector<1x16xf32> to vector<16xf32>
    %swap3A_118 = vector.shape_cast %broadcast_in_dim3A_112 : vector<16xf32> to vector<1x16xf32>
    tpu.vector_store %arg5[%swap3A_114, %swap3A_115], %swap3A_118 {strides = array<i32>} : memref<125x16xf32, #tpu.memory_space<vmem>>, vector<1x16xf32>,
    %broadcast_in_dim3A_119 = arith.constant 1.000000e+00 : f32
    %broadcast_in_dim3A_120 = vector.broadcast %broadcast_in_dim3A_119 : f32 to vector<16xf32>
    %swap3A_121 = arith.constant 15 : i32
    %swap3A_122 = arith.index_cast %swap3A_121 : i32 to index
    %swap3A_123 = arith.constant 0 : index
    %swap3A_124 = tpu.vector_load %arg5[%swap3A_122, %swap3A_123] {strides = array<i32>} : memref<125x16xf32, #tpu.memory_space<vmem>>, vector<1x16xf32>,
    %swap3A_125 = vector.shape_cast %swap3A_124 : vector<1x16xf32> to vector<16xf32>
    %swap3A_126 = vector.shape_cast %broadcast_in_dim3A_120 : vector<16xf32> to vector<1x16xf32>
    tpu.vector_store %arg5[%swap3A_122, %swap3A_123], %swap3A_126 {strides = array<i32>} : memref<125x16xf32, #tpu.memory_space<vmem>>, vector<1x16xf32>,
    %broadcast_in_dim3A_127 = arith.constant 1.000000e+00 : f32
    %broadcast_in_dim3A_128 = vector.broadcast %broadcast_in_dim3A_127 : f32 to vector<16xf32>
    %swap3A_129 = arith.constant 16 : i32
    %swap3A_130 = arith.index_cast %swap3A_129 : i32 to index
    %swap3A_131 = arith.constant 0 : index
    %swap3A_132 = tpu.vector_load %arg5[%swap3A_130, %swap3A_131] {strides = array<i32>} : memref<125x16xf32, #tpu.memory_space<vmem>>, vector<1x16xf32>,
    %swap3A_133 = vector.shape_cast %swap3A_132 : vector<1x16xf32> to vector<16xf32>
    %swap3A_134 = vector.shape_cast %broadcast_in_dim3A_128 : vector<16xf32> to vector<1x16xf32>
    tpu.vector_store %arg5[%swap3A_130, %swap3A_131], %swap3A_134 {strides = array<i32>} : memref<125x16xf32, #tpu.memory_space<vmem>>, vector<1x16xf32>,
    %broadcast_in_dim3A_135 = arith.constant 1.000000e+00 : f32
    %broadcast_in_dim3A_136 = vector.broadcast %broadcast_in_dim3A_135 : f32 to vector<16xf32>
    %swap3A_137 = arith.constant 17 : i32
    %swap3A_138 = arith.index_cast %swap3A_137 : i32 to index
    %swap3A_139 = arith.constant 0 : index
    %swap3A_140 = tpu.vector_load %arg5[%swap3A_138, %swap3A_139] {strides = array<i32>} : memref<125x16xf32, #tpu.memory_space<vmem>>, vector<1x16xf32>,
    %swap3A_141 = vector.shape_cast %swap3A_140 : vector<1x16xf32> to vector<16xf32>
    %swap3A_142 = vector.shape_cast %broadcast_in_dim3A_136 : vector<16xf32> to vector<1x16xf32>
    tpu.vector_store %arg5[%swap3A_138, %swap3A_139], %swap3A_142 {strides = array<i32>} : memref<125x16xf32, #tpu.memory_space<vmem>>, vector<1x16xf32>,
    %broadcast_in_dim3A_143 = arith.constant 1.000000e+00 : f32
    %broadcast_in_dim3A_144 = vector.broadcast %broadcast_in_dim3A_143 : f32 to vector<16xf32>
    %swap3A_145 = arith.constant 18 : i32
    %swap3A_146 = arith.index_cast %swap3A_145 : i32 to index
    %swap3A_147 = arith.constant 0 : index
    %swap3A_148 = tpu.vector_load %arg5[%swap3A_146, %swap3A_147] {strides = array<i32>} : memref<125x16xf32, #tpu.memory_space<vmem>>, vector<1x16xf32>,
    %swap3A_149 = vector.shape_cast %swap3A_148 : vector<1x16xf32> to vector<16xf32>
    %swap3A_150 = vector.shape_cast %broadcast_in_dim3A_144 : vector<16xf32> to vector<1x16xf32>
    tpu.vector_store %arg5[%swap3A_146, %swap3A_147], %swap3A_150 {strides = array<i32>} : memref<125x16xf32, #tpu.memory_space<vmem>>, vector<1x16xf32>,
    %broadcast_in_dim3A_151 = arith.constant 1.000000e+00 : f32
    %broadcast_in_dim3A_152 = vector.broadcast %broadcast_in_dim3A_151 : f32 to vector<16xf32>
    %swap3A_153 = arith.constant 19 : i32
    %swap3A_154 = arith.index_cast %swap3A_153 : i32 to index
    %swap3A_155 = arith.constant 0 : index
    %swap3A_156 = tpu.vector_load %arg5[%swap3A_154, %swap3A_155] {strides = array<i32>} : memref<125x16xf32, #tpu.memory_space<vmem>>, vector<1x16xf32>,
    %swap3A_157 = vector.shape_cast %swap3A_156 : vector<1x16xf32> to vector<16xf32>
    %swap3A_158 = vector.shape_cast %broadcast_in_dim3A_152 : vector<16xf32> to vector<1x16xf32>
    tpu.vector_store %arg5[%swap3A_154, %swap3A_155], %swap3A_158 {strides = array<i32>} : memref<125x16xf32, #tpu.memory_space<vmem>>, vector<1x16xf32>,
    %broadcast_in_dim3A_159 = arith.constant 1.000000e+00 : f32
    %broadcast_in_dim3A_160 = vector.broadcast %broadcast_in_dim3A_159 : f32 to vector<16xf32>
    %swap3A_161 = arith.constant 20 : i32
    %swap3A_162 = arith.index_cast %swap3A_161 : i32 to index
    %swap3A_163 = arith.constant 0 : index
    %swap3A_164 = tpu.vector_load %arg5[%swap3A_162, %swap3A_163] {strides = array<i32>} : memref<125x16xf32, #tpu.memory_space<vmem>>, vector<1x16xf32>,
    %swap3A_165 = vector.shape_cast %swap3A_164 : vector<1x16xf32> to vector<16xf32>
    %swap3A_166 = vector.shape_cast %broadcast_in_dim3A_160 : vector<16xf32> to vector<1x16xf32>
    tpu.vector_store %arg5[%swap3A_162, %swap3A_163], %swap3A_166 {strides = array<i32>} : memref<125x16xf32, #tpu.memory_space<vmem>>, vector<1x16xf32>,
    %broadcast_in_dim3A_167 = arith.constant 1.000000e+00 : f32
    %broadcast_in_dim3A_168 = vector.broadcast %broadcast_in_dim3A_167 : f32 to vector<16xf32>
    %swap3A_169 = arith.constant 21 : i32
    %swap3A_170 = arith.index_cast %swap3A_169 : i32 to index
    %swap3A_171 = arith.constant 0 : index
    %swap3A_172 = tpu.vector_load %arg5[%swap3A_170, %swap3A_171] {strides = array<i32>} : memref<125x16xf32, #tpu.memory_space<vmem>>, vector<1x16xf32>,
    %swap3A_173 = vector.shape_cast %swap3A_172 : vector<1x16xf32> to vector<16xf32>
    %swap3A_174 = vector.shape_cast %broadcast_in_dim3A_168 : vector<16xf32> to vector<1x16xf32>
    tpu.vector_store %arg5[%swap3A_170, %swap3A_171], %swap3A_174 {strides = array<i32>} : memref<125x16xf32, #tpu.memory_space<vmem>>, vector<1x16xf32>,
    %broadcast_in_dim3A_175 = arith.constant 1.000000e+00 : f32
    %broadcast_in_dim3A_176 = vector.broadcast %broadcast_in_dim3A_175 : f32 to vector<16xf32>
    %swap3A_177 = arith.constant 22 : i32
    %swap3A_178 = arith.index_cast %swap3A_177 : i32 to index
    %swap3A_179 = arith.constant 0 : index
    %swap3A_180 = tpu.vector_load %arg5[%swap3A_178, %swap3A_179] {strides = array<i32>} : memref<125x16xf32, #tpu.memory_space<vmem>>, vector<1x16xf32>,
    %swap3A_181 = vector.shape_cast %swap3A_180 : vector<1x16xf32> to vector<16xf32>
    %swap3A_182 = vector.shape_cast %broadcast_in_dim3A_176 : vector<16xf32> to vector<1x16xf32>
    tpu.vector_store %arg5[%swap3A_178, %swap3A_179], %swap3A_182 {strides = array<i32>} : memref<125x16xf32, #tpu.memory_space<vmem>>, vector<1x16xf32>,
    %broadcast_in_dim3A_183 = arith.constant 1.000000e+00 : f32
    %broadcast_in_dim3A_184 = vector.broadcast %broadcast_in_dim3A_183 : f32 to vector<16xf32>
    %swap3A_185 = arith.constant 23 : i32
    %swap3A_186 = arith.index_cast %swap3A_185 : i32 to index
    %swap3A_187 = arith.constant 0 : index
    %swap3A_188 = tpu.vector_load %arg5[%swap3A_186, %swap3A_187] {strides = array<i32>} : memref<125x16xf32, #tpu.memory_space<vmem>>, vector<1x16xf32>,
    %swap3A_189 = vector.shape_cast %swap3A_188 : vector<1x16xf32> to vector<16xf32>
    %swap3A_190 = vector.shape_cast %broadcast_in_dim3A_184 : vector<16xf32> to vector<1x16xf32>
    tpu.vector_store %arg5[%swap3A_186, %swap3A_187], %swap3A_190 {strides = array<i32>} : memref<125x16xf32, #tpu.memory_space<vmem>>, vector<1x16xf32>,
    %broadcast_in_dim3A_191 = arith.constant 1.000000e+00 : f32
    %broadcast_in_dim3A_192 = vector.broadcast %broadcast_in_dim3A_191 : f32 to vector<16xf32>
    %swap3A_193 = arith.constant 24 : i32
    %swap3A_194 = arith.index_cast %swap3A_193 : i32 to index
    %swap3A_195 = arith.constant 0 : index
    %swap3A_196 = tpu.vector_load %arg5[%swap3A_194, %swap3A_195] {strides = array<i32>} : memref<125x16xf32, #tpu.memory_space<vmem>>, vector<1x16xf32>,
    %swap3A_197 = vector.shape_cast %swap3A_196 : vector<1x16xf32> to vector<16xf32>
    %swap3A_198 = vector.shape_cast %broadcast_in_dim3A_192 : vector<16xf32> to vector<1x16xf32>
    tpu.vector_store %arg5[%swap3A_194, %swap3A_195], %swap3A_198 {strides = array<i32>} : memref<125x16xf32, #tpu.memory_space<vmem>>, vector<1x16xf32>,
    %broadcast_in_dim3A_199 = arith.constant 1.000000e+00 : f32
    %broadcast_in_dim3A_200 = vector.broadcast %broadcast_in_dim3A_199 : f32 to vector<16xf32>
    %swap3A_201 = arith.constant 25 : i32
    %swap3A_202 = arith.index_cast %swap3A_201 : i32 to index
    %swap3A_203 = arith.constant 0 : index
    %swap3A_204 = tpu.vector_load %arg5[%swap3A_202, %swap3A_203] {strides = array<i32>} : memref<125x16xf32, #tpu.memory_space<vmem>>, vector<1x16xf32>,
    %swap3A_205 = vector.shape_cast %swap3A_204 : vector<1x16xf32> to vector<16xf32>
    %swap3A_206 = vector.shape_cast %broadcast_in_dim3A_200 : vector<16xf32> to vector<1x16xf32>
    tpu.vector_store %arg5[%swap3A_202, %swap3A_203], %swap3A_206 {strides = array<i32>} : memref<125x16xf32, #tpu.memory_space<vmem>>, vector<1x16xf32>,
    %broadcast_in_dim3A_207 = arith.constant 1.000000e+00 : f32
    %broadcast_in_dim3A_208 = vector.broadcast %broadcast_in_dim3A_207 : f32 to vector<16xf32>
    %swap3A_209 = arith.constant 26 : i32
    %swap3A_210 = arith.index_cast %swap3A_209 : i32 to index
    %swap3A_211 = arith.constant 0 : index
    %swap3A_212 = tpu.vector_load %arg5[%swap3A_210, %swap3A_211] {strides = array<i32>} : memref<125x16xf32, #tpu.memory_space<vmem>>, vector<1x16xf32>,
    %swap3A_213 = vector.shape_cast %swap3A_212 : vector<1x16xf32> to vector<16xf32>
    %swap3A_214 = vector.shape_cast %broadcast_in_dim3A_208 : vector<16xf32> to vector<1x16xf32>
    tpu.vector_store %arg5[%swap3A_210, %swap3A_211], %swap3A_214 {strides = array<i32>} : memref<125x16xf32, #tpu.memory_space<vmem>>, vector<1x16xf32>,
    %broadcast_in_dim3A_215 = arith.constant 1.000000e+00 : f32
    %broadcast_in_dim3A_216 = vector.broadcast %broadcast_in_dim3A_215 : f32 to vector<16xf32>
    %swap3A_217 = arith.constant 27 : i32
    %swap3A_218 = arith.index_cast %swap3A_217 : i32 to index
    %swap3A_219 = arith.constant 0 : index
    %swap3A_220 = tpu.vector_load %arg5[%swap3A_218, %swap3A_219] {strides = array<i32>} : memref<125x16xf32, #tpu.memory_space<vmem>>, vector<1x16xf32>,
    %swap3A_221 = vector.shape_cast %swap3A_220 : vector<1x16xf32> to vector<16xf32>
    %swap3A_222 = vector.shape_cast %broadcast_in_dim3A_216 : vector<16xf32> to vector<1x16xf32>
    tpu.vector_store %arg5[%swap3A_218, %swap3A_219], %swap3A_222 {strides = array<i32>} : memref<125x16xf32, #tpu.memory_space<vmem>>, vector<1x16xf32>,
    %broadcast_in_dim3A_223 = arith.constant 1.000000e+00 : f32
    %broadcast_in_dim3A_224 = vector.broadcast %broadcast_in_dim3A_223 : f32 to vector<16xf32>
    %swap3A_225 = arith.constant 28 : i32
    %swap3A_226 = arith.index_cast %swap3A_225 : i32 to index
    %swap3A_227 = arith.constant 0 : index
    %swap3A_228 = tpu.vector_load %arg5[%swap3A_226, %swap3A_227] {strides = array<i32>} : memref<125x16xf32, #tpu.memory_space<vmem>>, vector<1x16xf32>,
    %swap3A_229 = vector.shape_cast %swap3A_228 : vector<1x16xf32> to vector<16xf32>
    %swap3A_230 = vector.shape_cast %broadcast_in_dim3A_224 : vector<16xf32> to vector<1x16xf32>
    tpu.vector_store %arg5[%swap3A_226, %swap3A_227], %swap3A_230 {strides = array<i32>} : memref<125x16xf32, #tpu.memory_space<vmem>>, vector<1x16xf32>,
    %broadcast_in_dim3A_231 = arith.constant 1.000000e+00 : f32
    %broadcast_in_dim3A_232 = vector.broadcast %broadcast_in_dim3A_231 : f32 to vector<16xf32>
    %swap3A_233 = arith.constant 29 : i32
    %swap3A_234 = arith.index_cast %swap3A_233 : i32 to index
    %swap3A_235 = arith.constant 0 : index
    %swap3A_236 = tpu.vector_load %arg5[%swap3A_234, %swap3A_235] {strides = array<i32>} : memref<125x16xf32, #tpu.memory_space<vmem>>, vector<1x16xf32>,
    %swap3A_237 = vector.shape_cast %swap3A_236 : vector<1x16xf32> to vector<16xf32>
    %swap3A_238 = vector.shape_cast %broadcast_in_dim3A_232 : vector<16xf32> to vector<1x16xf32>
    tpu.vector_store %arg5[%swap3A_234, %swap3A_235], %swap3A_238 {strides = array<i32>} : memref<125x16xf32, #tpu.memory_space<vmem>>, vector<1x16xf32>,
    %broadcast_in_dim3A_239 = arith.constant 1.000000e+00 : f32
    %broadcast_in_dim3A_240 = vector.broadcast %broadcast_in_dim3A_239 : f32 to vector<16xf32>
    %swap3A_241 = arith.constant 30 : i32
    %swap3A_242 = arith.index_cast %swap3A_241 : i32 to index
    %swap3A_243 = arith.constant 0 : index
    %swap3A_244 = tpu.vector_load %arg5[%swap3A_242, %swap3A_243] {strides = array<i32>} : memref<125x16xf32, #tpu.memory_space<vmem>>, vector<1x16xf32>,
    %swap3A_245 = vector.shape_cast %swap3A_244 : vector<1x16xf32> to vector<16xf32>
    %swap3A_246 = vector.shape_cast %broadcast_in_dim3A_240 : vector<16xf32> to vector<1x16xf32>
    tpu.vector_store %arg5[%swap3A_242, %swap3A_243], %swap3A_246 {strides = array<i32>} : memref<125x16xf32, #tpu.memory_space<vmem>>, vector<1x16xf32>,
    %broadcast_in_dim3A_247 = arith.constant 1.000000e+00 : f32
    %broadcast_in_dim3A_248 = vector.broadcast %broadcast_in_dim3A_247 : f32 to vector<16xf32>
    %swap3A_249 = arith.constant 31 : i32
    %swap3A_250 = arith.index_cast %swap3A_249 : i32 to index
    %swap3A_251 = arith.constant 0 : index
    %swap3A_252 = tpu.vector_load %arg5[%swap3A_250, %swap3A_251] {strides = array<i32>} : memref<125x16xf32, #tpu.memory_space<vmem>>, vector<1x16xf32>,
    %swap3A_253 = vector.shape_cast %swap3A_252 : vector<1x16xf32> to vector<16xf32>
    %swap3A_254 = vector.shape_cast %broadcast_in_dim3A_248 : vector<16xf32> to vector<1x16xf32>
    tpu.vector_store %arg5[%swap3A_250, %swap3A_251], %swap3A_254 {strides = array<i32>} : memref<125x16xf32, #tpu.memory_space<vmem>>, vector<1x16xf32>,
    %broadcast_in_dim3A_255 = arith.constant 1.000000e+00 : f32
    %broadcast_in_dim3A_256 = vector.broadcast %broadcast_in_dim3A_255 : f32 to vector<16xf32>
    %swap3A_257 = arith.constant 32 : i32
    %swap3A_258 = arith.index_cast %swap3A_257 : i32 to index
    %swap3A_259 = arith.constant 0 : index
    %swap3A_260 = tpu.vector_load %arg5[%swap3A_258, %swap3A_259] {strides = array<i32>} : memref<125x16xf32, #tpu.memory_space<vmem>>, vector<1x16xf32>,
    %swap3A_261 = vector.shape_cast %swap3A_260 : vector<1x16xf32> to vector<16xf32>
    %swap3A_262 = vector.shape_cast %broadcast_in_dim3A_256 : vector<16xf32> to vector<1x16xf32>
    tpu.vector_store %arg5[%swap3A_258, %swap3A_259], %swap3A_262 {strides = array<i32>} : memref<125x16xf32, #tpu.memory_space<vmem>>, vector<1x16xf32>,
    %broadcast_in_dim3A_263 = arith.constant 1.000000e+00 : f32
    %broadcast_in_dim3A_264 = vector.broadcast %broadcast_in_dim3A_263 : f32 to vector<16xf32>
    %swap3A_265 = arith.constant 33 : i32
    %swap3A_266 = arith.index_cast %swap3A_265 : i32 to index
    %swap3A_267 = arith.constant 0 : index
    %swap3A_268 = tpu.vector_load %arg5[%swap3A_266, %swap3A_267] {strides = array<i32>} : memref<125x16xf32, #tpu.memory_space<vmem>>, vector<1x16xf32>,
    %swap3A_269 = vector.shape_cast %swap3A_268 : vector<1x16xf32> to vector<16xf32>
    %swap3A_270 = vector.shape_cast %broadcast_in_dim3A_264 : vector<16xf32> to vector<1x16xf32>
    tpu.vector_store %arg5[%swap3A_266, %swap3A_267], %swap3A_270 {strides = array<i32>} : memref<125x16xf32, #tpu.memory_space<vmem>>, vector<1x16xf32>,
    %broadcast_in_dim3A_271 = arith.constant 1.000000e+00 : f32
    %broadcast_in_dim3A_272 = vector.broadcast %broadcast_in_dim3A_271 : f32 to vector<16xf32>
    %swap3A_273 = arith.constant 34 : i32
    %swap3A_274 = arith.index_cast %swap3A_273 : i32 to index
    %swap3A_275 = arith.constant 0 : index
    %swap3A_276 = tpu.vector_load %arg5[%swap3A_274, %swap3A_275] {strides = array<i32>} : memref<125x16xf32, #tpu.memory_space<vmem>>, vector<1x16xf32>,
    %swap3A_277 = vector.shape_cast %swap3A_276 : vector<1x16xf32> to vector<16xf32>
    %swap3A_278 = vector.shape_cast %broadcast_in_dim3A_272 : vector<16xf32> to vector<1x16xf32>
    tpu.vector_store %arg5[%swap3A_274, %swap3A_275], %swap3A_278 {strides = array<i32>} : memref<125x16xf32, #tpu.memory_space<vmem>>, vector<1x16xf32>,
    %broadcast_in_dim3A_279 = arith.constant 1.000000e+00 : f32
    %broadcast_in_dim3A_280 = vector.broadcast %broadcast_in_dim3A_279 : f32 to vector<16xf32>
    %swap3A_281 = arith.constant 35 : i32
    %swap3A_282 = arith.index_cast %swap3A_281 : i32 to index
    %swap3A_283 = arith.constant 0 : index
    %swap3A_284 = tpu.vector_load %arg5[%swap3A_282, %swap3A_283] {strides = array<i32>} : memref<125x16xf32, #tpu.memory_space<vmem>>, vector<1x16xf32>,
    %swap3A_285 = vector.shape_cast %swap3A_284 : vector<1x16xf32> to vector<16xf32>
    %swap3A_286 = vector.shape_cast %broadcast_in_dim3A_280 : vector<16xf32> to vector<1x16xf32>
    tpu.vector_store %arg5[%swap3A_282, %swap3A_283], %swap3A_286 {strides = array<i32>} : memref<125x16xf32, #tpu.memory_space<vmem>>, vector<1x16xf32>,
    %broadcast_in_dim3A_287 = arith.constant 1.000000e+00 : f32
    %broadcast_in_dim3A_288 = vector.broadcast %broadcast_in_dim3A_287 : f32 to vector<16xf32>
    %swap3A_289 = arith.constant 36 : i32
    %swap3A_290 = arith.index_cast %swap3A_289 : i32 to index
    %swap3A_291 = arith.constant 0 : index
    %swap3A_292 = tpu.vector_load %arg5[%swap3A_290, %swap3A_291] {strides = array<i32>} : memref<125x16xf32, #tpu.memory_space<vmem>>, vector<1x16xf32>,
    %swap3A_293 = vector.shape_cast %swap3A_292 : vector<1x16xf32> to vector<16xf32>
    %swap3A_294 = vector.shape_cast %broadcast_in_dim3A_288 : vector<16xf32> to vector<1x16xf32>
    tpu.vector_store %arg5[%swap3A_290, %swap3A_291], %swap3A_294 {strides = array<i32>} : memref<125x16xf32, #tpu.memory_space<vmem>>, vector<1x16xf32>,
    %broadcast_in_dim3A_295 = arith.constant 1.000000e+00 : f32
    %broadcast_in_dim3A_296 = vector.broadcast %broadcast_in_dim3A_295 : f32 to vector<16xf32>
    %swap3A_297 = arith.constant 37 : i32
    %swap3A_298 = arith.index_cast %swap3A_297 : i32 to index
    %swap3A_299 = arith.constant 0 : index
    %swap3A_300 = tpu.vector_load %arg5[%swap3A_298, %swap3A_299] {strides = array<i32>} : memref<125x16xf32, #tpu.memory_space<vmem>>, vector<1x16xf32>,
    %swap3A_301 = vector.shape_cast %swap3A_300 : vector<1x16xf32> to vector<16xf32>
    %swap3A_302 = vector.shape_cast %broadcast_in_dim3A_296 : vector<16xf32> to vector<1x16xf32>
    tpu.vector_store %arg5[%swap3A_298, %swap3A_299], %swap3A_302 {strides = array<i32>} : memref<125x16xf32, #tpu.memory_space<vmem>>, vector<1x16xf32>,
    %broadcast_in_dim3A_303 = arith.constant 1.000000e+00 : f32
    %broadcast_in_dim3A_304 = vector.broadcast %broadcast_in_dim3A_303 : f32 to vector<16xf32>
    %swap3A_305 = arith.constant 38 : i32
    %swap3A_306 = arith.index_cast %swap3A_305 : i32 to index
    %swap3A_307 = arith.constant 0 : index
    %swap3A_308 = tpu.vector_load %arg5[%swap3A_306, %swap3A_307] {strides = array<i32>} : memref<125x16xf32, #tpu.memory_space<vmem>>, vector<1x16xf32>,
    %swap3A_309 = vector.shape_cast %swap3A_308 : vector<1x16xf32> to vector<16xf32>
    %swap3A_310 = vector.shape_cast %broadcast_in_dim3A_304 : vector<16xf32> to vector<1x16xf32>
    tpu.vector_store %arg5[%swap3A_306, %swap3A_307], %swap3A_310 {strides = array<i32>} : memref<125x16xf32, #tpu.memory_space<vmem>>, vector<1x16xf32>,
    %broadcast_in_dim3A_311 = arith.constant 1.000000e+00 : f32
    %broadcast_in_dim3A_312 = vector.broadcast %broadcast_in_dim3A_311 : f32 to vector<16xf32>
    %swap3A_313 = arith.constant 39 : i32
    %swap3A_314 = arith.index_cast %swap3A_313 : i32 to index
    %swap3A_315 = arith.constant 0 : index
    %swap3A_316 = tpu.vector_load %arg5[%swap3A_314, %swap3A_315] {strides = array<i32>} : memref<125x16xf32, #tpu.memory_space<vmem>>, vector<1x16xf32>,
    %swap3A_317 = vector.shape_cast %swap3A_316 : vector<1x16xf32> to vector<16xf32>
    %swap3A_318 = vector.shape_cast %broadcast_in_dim3A_312 : vector<16xf32> to vector<1x16xf32>
    tpu.vector_store %arg5[%swap3A_314, %swap3A_315], %swap3A_318 {strides = array<i32>} : memref<125x16xf32, #tpu.memory_space<vmem>>, vector<1x16xf32>,
    %broadcast_in_dim3A_319 = arith.constant 1.000000e+00 : f32
    %broadcast_in_dim3A_320 = vector.broadcast %broadcast_in_dim3A_319 : f32 to vector<16xf32>
    %swap3A_321 = arith.constant 40 : i32
    %swap3A_322 = arith.index_cast %swap3A_321 : i32 to index
    %swap3A_323 = arith.constant 0 : index
    %swap3A_324 = tpu.vector_load %arg5[%swap3A_322, %swap3A_323] {strides = array<i32>} : memref<125x16xf32, #tpu.memory_space<vmem>>, vector<1x16xf32>,
    %swap3A_325 = vector.shape_cast %swap3A_324 : vector<1x16xf32> to vector<16xf32>
    %swap3A_326 = vector.shape_cast %broadcast_in_dim3A_320 : vector<16xf32> to vector<1x16xf32>
    tpu.vector_store %arg5[%swap3A_322, %swap3A_323], %swap3A_326 {strides = array<i32>} : memref<125x16xf32, #tpu.memory_space<vmem>>, vector<1x16xf32>,
    %broadcast_in_dim3A_327 = arith.constant 1.000000e+00 : f32
    %broadcast_in_dim3A_328 = vector.broadcast %broadcast_in_dim3A_327 : f32 to vector<16xf32>
    %swap3A_329 = arith.constant 41 : i32
    %swap3A_330 = arith.index_cast %swap3A_329 : i32 to index
    %swap3A_331 = arith.constant 0 : index
    %swap3A_332 = tpu.vector_load %arg5[%swap3A_330, %swap3A_331] {strides = array<i32>} : memref<125x16xf32, #tpu.memory_space<vmem>>, vector<1x16xf32>,
    %swap3A_333 = vector.shape_cast %swap3A_332 : vector<1x16xf32> to vector<16xf32>
    %swap3A_334 = vector.shape_cast %broadcast_in_dim3A_328 : vector<16xf32> to vector<1x16xf32>
    tpu.vector_store %arg5[%swap3A_330, %swap3A_331], %swap3A_334 {strides = array<i32>} : memref<125x16xf32, #tpu.memory_space<vmem>>, vector<1x16xf32>,
    %broadcast_in_dim3A_335 = arith.constant 1.000000e+00 : f32
    %broadcast_in_dim3A_336 = vector.broadcast %broadcast_in_dim3A_335 : f32 to vector<16xf32>
    %swap3A_337 = arith.constant 42 : i32
    %swap3A_338 = arith.index_cast %swap3A_337 : i32 to index
    %swap3A_339 = arith.constant 0 : index
    %swap3A_340 = tpu.vector_load %arg5[%swap3A_338, %swap3A_339] {strides = array<i32>} : memref<125x16xf32, #tpu.memory_space<vmem>>, vector<1x16xf32>,
    %swap3A_341 = vector.shape_cast %swap3A_340 : vector<1x16xf32> to vector<16xf32>
    %swap3A_342 = vector.shape_cast %broadcast_in_dim3A_336 : vector<16xf32> to vector<1x16xf32>
    tpu.vector_store %arg5[%swap3A_338, %swap3A_339], %swap3A_342 {strides = array<i32>} : memref<125x16xf32, #tpu.memory_space<vmem>>, vector<1x16xf32>,
    %broadcast_in_dim3A_343 = arith.constant 1.000000e+00 : f32
    %broadcast_in_dim3A_344 = vector.broadcast %broadcast_in_dim3A_343 : f32 to vector<16xf32>
    %swap3A_345 = arith.constant 43 : i32
    %swap3A_346 = arith.index_cast %swap3A_345 : i32 to index
    %swap3A_347 = arith.constant 0 : index
    %swap3A_348 = tpu.vector_load %arg5[%swap3A_346, %swap3A_347] {strides = array<i32>} : memref<125x16xf32, #tpu.memory_space<vmem>>, vector<1x16xf32>,
    %swap3A_349 = vector.shape_cast %swap3A_348 : vector<1x16xf32> to vector<16xf32>
    %swap3A_350 = vector.shape_cast %broadcast_in_dim3A_344 : vector<16xf32> to vector<1x16xf32>
    tpu.vector_store %arg5[%swap3A_346, %swap3A_347], %swap3A_350 {strides = array<i32>} : memref<125x16xf32, #tpu.memory_space<vmem>>, vector<1x16xf32>,
    %broadcast_in_dim3A_351 = arith.constant 1.000000e+00 : f32
    %broadcast_in_dim3A_352 = vector.broadcast %broadcast_in_dim3A_351 : f32 to vector<16xf32>
    %swap3A_353 = arith.constant 44 : i32
    %swap3A_354 = arith.index_cast %swap3A_353 : i32 to index
    %swap3A_355 = arith.constant 0 : index
    %swap3A_356 = tpu.vector_load %arg5[%swap3A_354, %swap3A_355] {strides = array<i32>} : memref<125x16xf32, #tpu.memory_space<vmem>>, vector<1x16xf32>,
    %swap3A_357 = vector.shape_cast %swap3A_356 : vector<1x16xf32> to vector<16xf32>
    %swap3A_358 = vector.shape_cast %broadcast_in_dim3A_352 : vector<16xf32> to vector<1x16xf32>
    tpu.vector_store %arg5[%swap3A_354, %swap3A_355], %swap3A_358 {strides = array<i32>} : memref<125x16xf32, #tpu.memory_space<vmem>>, vector<1x16xf32>,
    %broadcast_in_dim3A_359 = arith.constant 1.000000e+00 : f32
    %broadcast_in_dim3A_360 = vector.broadcast %broadcast_in_dim3A_359 : f32 to vector<16xf32>
    %swap3A_361 = arith.constant 45 : i32
    %swap3A_362 = arith.index_cast %swap3A_361 : i32 to index
    %swap3A_363 = arith.constant 0 : index
    %swap3A_364 = tpu.vector_load %arg5[%swap3A_362, %swap3A_363] {strides = array<i32>} : memref<125x16xf32, #tpu.memory_space<vmem>>, vector<1x16xf32>,
    %swap3A_365 = vector.shape_cast %swap3A_364 : vector<1x16xf32> to vector<16xf32>
    %swap3A_366 = vector.shape_cast %broadcast_in_dim3A_360 : vector<16xf32> to vector<1x16xf32>
    tpu.vector_store %arg5[%swap3A_362, %swap3A_363], %swap3A_366 {strides = array<i32>} : memref<125x16xf32, #tpu.memory_space<vmem>>, vector<1x16xf32>,
    %broadcast_in_dim3A_367 = arith.constant 1.000000e+00 : f32
    %broadcast_in_dim3A_368 = vector.broadcast %broadcast_in_dim3A_367 : f32 to vector<16xf32>
    %swap3A_369 = arith.constant 46 : i32
    %swap3A_370 = arith.index_cast %swap3A_369 : i32 to index
    %swap3A_371 = arith.constant 0 : index
    %swap3A_372 = tpu.vector_load %arg5[%swap3A_370, %swap3A_371] {strides = array<i32>} : memref<125x16xf32, #tpu.memory_space<vmem>>, vector<1x16xf32>,
    %swap3A_373 = vector.shape_cast %swap3A_372 : vector<1x16xf32> to vector<16xf32>
    %swap3A_374 = vector.shape_cast %broadcast_in_dim3A_368 : vector<16xf32> to vector<1x16xf32>
    tpu.vector_store %arg5[%swap3A_370, %swap3A_371], %swap3A_374 {strides = array<i32>} : memref<125x16xf32, #tpu.memory_space<vmem>>, vector<1x16xf32>,
    %broadcast_in_dim3A_375 = arith.constant 1.000000e+00 : f32
    %broadcast_in_dim3A_376 = vector.broadcast %broadcast_in_dim3A_375 : f32 to vector<16xf32>
    %swap3A_377 = arith.constant 47 : i32
    %swap3A_378 = arith.index_cast %swap3A_377 : i32 to index
    %swap3A_379 = arith.constant 0 : index
    %swap3A_380 = tpu.vector_load %arg5[%swap3A_378, %swap3A_379] {strides = array<i32>} : memref<125x16xf32, #tpu.memory_space<vmem>>, vector<1x16xf32>,
    %swap3A_381 = vector.shape_cast %swap3A_380 : vector<1x16xf32> to vector<16xf32>
    %swap3A_382 = vector.shape_cast %broadcast_in_dim3A_376 : vector<16xf32> to vector<1x16xf32>
    tpu.vector_store %arg5[%swap3A_378, %swap3A_379], %swap3A_382 {strides = array<i32>} : memref<125x16xf32, #tpu.memory_space<vmem>>, vector<1x16xf32>,
    %broadcast_in_dim3A_383 = arith.constant 1.000000e+00 : f32
    %broadcast_in_dim3A_384 = vector.broadcast %broadcast_in_dim3A_383 : f32 to vector<16xf32>
    %swap3A_385 = arith.constant 48 : i32
    %swap3A_386 = arith.index_cast %swap3A_385 : i32 to index
    %swap3A_387 = arith.constant 0 : index
    %swap3A_388 = tpu.vector_load %arg5[%swap3A_386, %swap3A_387] {strides = array<i32>} : memref<125x16xf32, #tpu.memory_space<vmem>>, vector<1x16xf32>,
    %swap3A_389 = vector.shape_cast %swap3A_388 : vector<1x16xf32> to vector<16xf32>
    %swap3A_390 = vector.shape_cast %broadcast_in_dim3A_384 : vector<16xf32> to vector<1x16xf32>
    tpu.vector_store %arg5[%swap3A_386, %swap3A_387], %swap3A_390 {strides = array<i32>} : memref<125x16xf32, #tpu.memory_space<vmem>>, vector<1x16xf32>,
    %broadcast_in_dim3A_391 = arith.constant 1.000000e+00 : f32
    %broadcast_in_dim3A_392 = vector.broadcast %broadcast_in_dim3A_391 : f32 to vector<16xf32>
    %swap3A_393 = arith.constant 49 : i32
    %swap3A_394 = arith.index_cast %swap3A_393 : i32 to index
    %swap3A_395 = arith.constant 0 : index
    %swap3A_396 = tpu.vector_load %arg5[%swap3A_394, %swap3A_395] {strides = array<i32>} : memref<125x16xf32, #tpu.memory_space<vmem>>, vector<1x16xf32>,
    %swap3A_397 = vector.shape_cast %swap3A_396 : vector<1x16xf32> to vector<16xf32>
    %swap3A_398 = vector.shape_cast %broadcast_in_dim3A_392 : vector<16xf32> to vector<1x16xf32>
    tpu.vector_store %arg5[%swap3A_394, %swap3A_395], %swap3A_398 {strides = array<i32>} : memref<125x16xf32, #tpu.memory_space<vmem>>, vector<1x16xf32>,
    %broadcast_in_dim3A_399 = arith.constant 1.000000e+00 : f32
    %broadcast_in_dim3A_400 = vector.broadcast %broadcast_in_dim3A_399 : f32 to vector<16xf32>
    %swap3A_401 = arith.constant 50 : i32
    %swap3A_402 = arith.index_cast %swap3A_401 : i32 to index
    %swap3A_403 = arith.constant 0 : index
    %swap3A_404 = tpu.vector_load %arg5[%swap3A_402, %swap3A_403] {strides = array<i32>} : memref<125x16xf32, #tpu.memory_space<vmem>>, vector<1x16xf32>,
    %swap3A_405 = vector.shape_cast %swap3A_404 : vector<1x16xf32> to vector<16xf32>
    %swap3A_406 = vector.shape_cast %broadcast_in_dim3A_400 : vector<16xf32> to vector<1x16xf32>
    tpu.vector_store %arg5[%swap3A_402, %swap3A_403], %swap3A_406 {strides = array<i32>} : memref<125x16xf32, #tpu.memory_space<vmem>>, vector<1x16xf32>,
    %broadcast_in_dim3A_407 = arith.constant 1.000000e+00 : f32
    %broadcast_in_dim3A_408 = vector.broadcast %broadcast_in_dim3A_407 : f32 to vector<16xf32>
    %swap3A_409 = arith.constant 51 : i32
    %swap3A_410 = arith.index_cast %swap3A_409 : i32 to index
    %swap3A_411 = arith.constant 0 : index
    %swap3A_412 = tpu.vector_load %arg5[%swap3A_410, %swap3A_411] {strides = array<i32>} : memref<125x16xf32, #tpu.memory_space<vmem>>, vector<1x16xf32>,
    %swap3A_413 = vector.shape_cast %swap3A_412 : vector<1x16xf32> to vector<16xf32>
    %swap3A_414 = vector.shape_cast %broadcast_in_dim3A_408 : vector<16xf32> to vector<1x16xf32>
    tpu.vector_store %arg5[%swap3A_410, %swap3A_411], %swap3A_414 {strides = array<i32>} : memref<125x16xf32, #tpu.memory_space<vmem>>, vector<1x16xf32>,
    %broadcast_in_dim3A_415 = arith.constant 1.000000e+00 : f32
    %broadcast_in_dim3A_416 = vector.broadcast %broadcast_in_dim3A_415 : f32 to vector<16xf32>
    %swap3A_417 = arith.constant 52 : i32
    %swap3A_418 = arith.index_cast %swap3A_417 : i32 to index
    %swap3A_419 = arith.constant 0 : index
    %swap3A_420 = tpu.vector_load %arg5[%swap3A_418, %swap3A_419] {strides = array<i32>} : memref<125x16xf32, #tpu.memory_space<vmem>>, vector<1x16xf32>,
    %swap3A_421 = vector.shape_cast %swap3A_420 : vector<1x16xf32> to vector<16xf32>
    %swap3A_422 = vector.shape_cast %broadcast_in_dim3A_416 : vector<16xf32> to vector<1x16xf32>
    tpu.vector_store %arg5[%swap3A_418, %swap3A_419], %swap3A_422 {strides = array<i32>} : memref<125x16xf32, #tpu.memory_space<vmem>>, vector<1x16xf32>,
    %broadcast_in_dim3A_423 = arith.constant 1.000000e+00 : f32
    %broadcast_in_dim3A_424 = vector.broadcast %broadcast_in_dim3A_423 : f32 to vector<16xf32>
    %swap3A_425 = arith.constant 53 : i32
    %swap3A_426 = arith.index_cast %swap3A_425 : i32 to index
    %swap3A_427 = arith.constant 0 : index
    %swap3A_428 = tpu.vector_load %arg5[%swap3A_426, %swap3A_427] {strides = array<i32>} : memref<125x16xf32, #tpu.memory_space<vmem>>, vector<1x16xf32>,
    %swap3A_429 = vector.shape_cast %swap3A_428 : vector<1x16xf32> to vector<16xf32>
    %swap3A_430 = vector.shape_cast %broadcast_in_dim3A_424 : vector<16xf32> to vector<1x16xf32>
    tpu.vector_store %arg5[%swap3A_426, %swap3A_427], %swap3A_430 {strides = array<i32>} : memref<125x16xf32, #tpu.memory_space<vmem>>, vector<1x16xf32>,
    %broadcast_in_dim3A_431 = arith.constant 1.000000e+00 : f32
    %broadcast_in_dim3A_432 = vector.broadcast %broadcast_in_dim3A_431 : f32 to vector<16xf32>
    %swap3A_433 = arith.constant 54 : i32
    %swap3A_434 = arith.index_cast %swap3A_433 : i32 to index
    %swap3A_435 = arith.constant 0 : index
    %swap3A_436 = tpu.vector_load %arg5[%swap3A_434, %swap3A_435] {strides = array<i32>} : memref<125x16xf32, #tpu.memory_space<vmem>>, vector<1x16xf32>,
    %swap3A_437 = vector.shape_cast %swap3A_436 : vector<1x16xf32> to vector<16xf32>
    %swap3A_438 = vector.shape_cast %broadcast_in_dim3A_432 : vector<16xf32> to vector<1x16xf32>
    tpu.vector_store %arg5[%swap3A_434, %swap3A_435], %swap3A_438 {strides = array<i32>} : memref<125x16xf32, #tpu.memory_space<vmem>>, vector<1x16xf32>,
    %broadcast_in_dim3A_439 = arith.constant 1.000000e+00 : f32
    %broadcast_in_dim3A_440 = vector.broadcast %broadcast_in_dim3A_439 : f32 to vector<16xf32>
    %swap3A_441 = arith.constant 55 : i32
    %swap3A_442 = arith.index_cast %swap3A_441 : i32 to index
    %swap3A_443 = arith.constant 0 : index
    %swap3A_444 = tpu.vector_load %arg5[%swap3A_442, %swap3A_443] {strides = array<i32>} : memref<125x16xf32, #tpu.memory_space<vmem>>, vector<1x16xf32>,
    %swap3A_445 = vector.shape_cast %swap3A_444 : vector<1x16xf32> to vector<16xf32>
    %swap3A_446 = vector.shape_cast %broadcast_in_dim3A_440 : vector<16xf32> to vector<1x16xf32>
    tpu.vector_store %arg5[%swap3A_442, %swap3A_443], %swap3A_446 {strides = array<i32>} : memref<125x16xf32, #tpu.memory_space<vmem>>, vector<1x16xf32>,
    %broadcast_in_dim3A_447 = arith.constant 1.000000e+00 : f32
    %broadcast_in_dim3A_448 = vector.broadcast %broadcast_in_dim3A_447 : f32 to vector<16xf32>
    %swap3A_449 = arith.constant 56 : i32
    %swap3A_450 = arith.index_cast %swap3A_449 : i32 to index
    %swap3A_451 = arith.constant 0 : index
    %swap3A_452 = tpu.vector_load %arg5[%swap3A_450, %swap3A_451] {strides = array<i32>} : memref<125x16xf32, #tpu.memory_space<vmem>>, vector<1x16xf32>,
    %swap3A_453 = vector.shape_cast %swap3A_452 : vector<1x16xf32> to vector<16xf32>
    %swap3A_454 = vector.shape_cast %broadcast_in_dim3A_448 : vector<16xf32> to vector<1x16xf32>
    tpu.vector_store %arg5[%swap3A_450, %swap3A_451], %swap3A_454 {strides = array<i32>} : memref<125x16xf32, #tpu.memory_space<vmem>>, vector<1x16xf32>,
    %broadcast_in_dim3A_455 = arith.constant 1.000000e+00 : f32
    %broadcast_in_dim3A_456 = vector.broadcast %broadcast_in_dim3A_455 : f32 to vector<16xf32>
    %swap3A_457 = arith.constant 57 : i32
    %swap3A_458 = arith.index_cast %swap3A_457 : i32 to index
    %swap3A_459 = arith.constant 0 : index
    %swap3A_460 = tpu.vector_load %arg5[%swap3A_458, %swap3A_459] {strides = array<i32>} : memref<125x16xf32, #tpu.memory_space<vmem>>, vector<1x16xf32>,
    %swap3A_461 = vector.shape_cast %swap3A_460 : vector<1x16xf32> to vector<16xf32>
    %swap3A_462 = vector.shape_cast %broadcast_in_dim3A_456 : vector<16xf32> to vector<1x16xf32>
    tpu.vector_store %arg5[%swap3A_458, %swap3A_459], %swap3A_462 {strides = array<i32>} : memref<125x16xf32, #tpu.memory_space<vmem>>, vector<1x16xf32>,
    %broadcast_in_dim3A_463 = arith.constant 1.000000e+00 : f32
    %broadcast_in_dim3A_464 = vector.broadcast %broadcast_in_dim3A_463 : f32 to vector<16xf32>
    %swap3A_465 = arith.constant 58 : i32
    %swap3A_466 = arith.index_cast %swap3A_465 : i32 to index
    %swap3A_467 = arith.constant 0 : index
    %swap3A_468 = tpu.vector_load %arg5[%swap3A_466, %swap3A_467] {strides = array<i32>} : memref<125x16xf32, #tpu.memory_space<vmem>>, vector<1x16xf32>,
    %swap3A_469 = vector.shape_cast %swap3A_468 : vector<1x16xf32> to vector<16xf32>
    %swap3A_470 = vector.shape_cast %broadcast_in_dim3A_464 : vector<16xf32> to vector<1x16xf32>
    tpu.vector_store %arg5[%swap3A_466, %swap3A_467], %swap3A_470 {strides = array<i32>} : memref<125x16xf32, #tpu.memory_space<vmem>>, vector<1x16xf32>,
    %broadcast_in_dim3A_471 = arith.constant 1.000000e+00 : f32
    %broadcast_in_dim3A_472 = vector.broadcast %broadcast_in_dim3A_471 : f32 to vector<16xf32>
    %swap3A_473 = arith.constant 59 : i32
    %swap3A_474 = arith.index_cast %swap3A_473 : i32 to index
    %swap3A_475 = arith.constant 0 : index
    %swap3A_476 = tpu.vector_load %arg5[%swap3A_474, %swap3A_475] {strides = array<i32>} : memref<125x16xf32, #tpu.memory_space<vmem>>, vector<1x16xf32>,
    %swap3A_477 = vector.shape_cast %swap3A_476 : vector<1x16xf32> to vector<16xf32>
    %swap3A_478 = vector.shape_cast %broadcast_in_dim3A_472 : vector<16xf32> to vector<1x16xf32>
    tpu.vector_store %arg5[%swap3A_474, %swap3A_475], %swap3A_478 {strides = array<i32>} : memref<125x16xf32, #tpu.memory_space<vmem>>, vector<1x16xf32>,
    %broadcast_in_dim3A_479 = arith.constant 1.000000e+00 : f32
    %broadcast_in_dim3A_480 = vector.broadcast %broadcast_in_dim3A_479 : f32 to vector<16xf32>
    %swap3A_481 = arith.constant 60 : i32
    %swap3A_482 = arith.index_cast %swap3A_481 : i32 to index
    %swap3A_483 = arith.constant 0 : index
    %swap3A_484 = tpu.vector_load %arg5[%swap3A_482, %swap3A_483] {strides = array<i32>} : memref<125x16xf32, #tpu.memory_space<vmem>>, vector<1x16xf32>,
    %swap3A_485 = vector.shape_cast %swap3A_484 : vector<1x16xf32> to vector<16xf32>
    %swap3A_486 = vector.shape_cast %broadcast_in_dim3A_480 : vector<16xf32> to vector<1x16xf32>
    tpu.vector_store %arg5[%swap3A_482, %swap3A_483], %swap3A_486 {strides = array<i32>} : memref<125x16xf32, #tpu.memory_space<vmem>>, vector<1x16xf32>,
    %broadcast_in_dim3A_487 = arith.constant 1.000000e+00 : f32
    %broadcast_in_dim3A_488 = vector.broadcast %broadcast_in_dim3A_487 : f32 to vector<16xf32>
    %swap3A_489 = arith.constant 61 : i32
    %swap3A_490 = arith.index_cast %swap3A_489 : i32 to index
    %swap3A_491 = arith.constant 0 : index
    %swap3A_492 = tpu.vector_load %arg5[%swap3A_490, %swap3A_491] {strides = array<i32>} : memref<125x16xf32, #tpu.memory_space<vmem>>, vector<1x16xf32>,
    %swap3A_493 = vector.shape_cast %swap3A_492 : vector<1x16xf32> to vector<16xf32>
    %swap3A_494 = vector.shape_cast %broadcast_in_dim3A_488 : vector<16xf32> to vector<1x16xf32>
    tpu.vector_store %arg5[%swap3A_490, %swap3A_491], %swap3A_494 {strides = array<i32>} : memref<125x16xf32, #tpu.memory_space<vmem>>, vector<1x16xf32>,
    %broadcast_in_dim3A_495 = arith.constant 1.000000e+00 : f32
    %broadcast_in_dim3A_496 = vector.broadcast %broadcast_in_dim3A_495 : f32 to vector<16xf32>
    %swap3A_497 = arith.constant 62 : i32
    %swap3A_498 = arith.index_cast %swap3A_497 : i32 to index
    %swap3A_499 = arith.constant 0 : index
    %swap3A_500 = tpu.vector_load %arg5[%swap3A_498, %swap3A_499] {strides = array<i32>} : memref<125x16xf32, #tpu.memory_space<vmem>>, vector<1x16xf32>,
    %swap3A_501 = vector.shape_cast %swap3A_500 : vector<1x16xf32> to vector<16xf32>
    %swap3A_502 = vector.shape_cast %broadcast_in_dim3A_496 : vector<16xf32> to vector<1x16xf32>
    tpu.vector_store %arg5[%swap3A_498, %swap3A_499], %swap3A_502 {strides = array<i32>} : memref<125x16xf32, #tpu.memory_space<vmem>>, vector<1x16xf32>,
    %broadcast_in_dim3A_503 = arith.constant 1.000000e+00 : f32
    %broadcast_in_dim3A_504 = vector.broadcast %broadcast_in_dim3A_503 : f32 to vector<16xf32>
    %swap3A_505 = arith.constant 63 : i32
    %swap3A_506 = arith.index_cast %swap3A_505 : i32 to index
    %swap3A_507 = arith.constant 0 : index
    %swap3A_508 = tpu.vector_load %arg5[%swap3A_506, %swap3A_507] {strides = array<i32>} : memref<125x16xf32, #tpu.memory_space<vmem>>, vector<1x16xf32>,
    %swap3A_509 = vector.shape_cast %swap3A_508 : vector<1x16xf32> to vector<16xf32>
    %swap3A_510 = vector.shape_cast %broadcast_in_dim3A_504 : vector<16xf32> to vector<1x16xf32>
    tpu.vector_store %arg5[%swap3A_506, %swap3A_507], %swap3A_510 {strides = array<i32>} : memref<125x16xf32, #tpu.memory_space<vmem>>, vector<1x16xf32>,
    %broadcast_in_dim3A_511 = arith.constant 1.000000e+00 : f32
    %broadcast_in_dim3A_512 = vector.broadcast %broadcast_in_dim3A_511 : f32 to vector<16xf32>
    %swap3A_513 = arith.constant 64 : i32
    %swap3A_514 = arith.index_cast %swap3A_513 : i32 to index
    %swap3A_515 = arith.constant 0 : index
    %swap3A_516 = tpu.vector_load %arg5[%swap3A_514, %swap3A_515] {strides = array<i32>} : memref<125x16xf32, #tpu.memory_space<vmem>>, vector<1x16xf32>,
    %swap3A_517 = vector.shape_cast %swap3A_516 : vector<1x16xf32> to vector<16xf32>
    %swap3A_518 = vector.shape_cast %broadcast_in_dim3A_512 : vector<16xf32> to vector<1x16xf32>
    tpu.vector_store %arg5[%swap3A_514, %swap3A_515], %swap3A_518 {strides = array<i32>} : memref<125x16xf32, #tpu.memory_space<vmem>>, vector<1x16xf32>,
    %broadcast_in_dim3A_519 = arith.constant 1.000000e+00 : f32
    %broadcast_in_dim3A_520 = vector.broadcast %broadcast_in_dim3A_519 : f32 to vector<16xf32>
    %swap3A_521 = arith.constant 65 : i32
    %swap3A_522 = arith.index_cast %swap3A_521 : i32 to index
    %swap3A_523 = arith.constant 0 : index
    %swap3A_524 = tpu.vector_load %arg5[%swap3A_522, %swap3A_523] {strides = array<i32>} : memref<125x16xf32, #tpu.memory_space<vmem>>, vector<1x16xf32>,
    %swap3A_525 = vector.shape_cast %swap3A_524 : vector<1x16xf32> to vector<16xf32>
    %swap3A_526 = vector.shape_cast %broadcast_in_dim3A_520 : vector<16xf32> to vector<1x16xf32>
    tpu.vector_store %arg5[%swap3A_522, %swap3A_523], %swap3A_526 {strides = array<i32>} : memref<125x16xf32, #tpu.memory_space<vmem>>, vector<1x16xf32>,
    %broadcast_in_dim3A_527 = arith.constant 1.000000e+00 : f32
    %broadcast_in_dim3A_528 = vector.broadcast %broadcast_in_dim3A_527 : f32 to vector<16xf32>
    %swap3A_529 = arith.constant 66 : i32
    %swap3A_530 = arith.index_cast %swap3A_529 : i32 to index
    %swap3A_531 = arith.constant 0 : index
    %swap3A_532 = tpu.vector_load %arg5[%swap3A_530, %swap3A_531] {strides = array<i32>} : memref<125x16xf32, #tpu.memory_space<vmem>>, vector<1x16xf32>,
    %swap3A_533 = vector.shape_cast %swap3A_532 : vector<1x16xf32> to vector<16xf32>
    %swap3A_534 = vector.shape_cast %broadcast_in_dim3A_528 : vector<16xf32> to vector<1x16xf32>
    tpu.vector_store %arg5[%swap3A_530, %swap3A_531], %swap3A_534 {strides = array<i32>} : memref<125x16xf32, #tpu.memory_space<vmem>>, vector<1x16xf32>,
    %broadcast_in_dim3A_535 = arith.constant 1.000000e+00 : f32
    %broadcast_in_dim3A_536 = vector.broadcast %broadcast_in_dim3A_535 : f32 to vector<16xf32>
    %swap3A_537 = arith.constant 67 : i32
    %swap3A_538 = arith.index_cast %swap3A_537 : i32 to index
    %swap3A_539 = arith.constant 0 : index
    %swap3A_540 = tpu.vector_load %arg5[%swap3A_538, %swap3A_539] {strides = array<i32>} : memref<125x16xf32, #tpu.memory_space<vmem>>, vector<1x16xf32>,
    %swap3A_541 = vector.shape_cast %swap3A_540 : vector<1x16xf32> to vector<16xf32>
    %swap3A_542 = vector.shape_cast %broadcast_in_dim3A_536 : vector<16xf32> to vector<1x16xf32>
    tpu.vector_store %arg5[%swap3A_538, %swap3A_539], %swap3A_542 {strides = array<i32>} : memref<125x16xf32, #tpu.memory_space<vmem>>, vector<1x16xf32>,
    %broadcast_in_dim3A_543 = arith.constant 1.000000e+00 : f32
    %broadcast_in_dim3A_544 = vector.broadcast %broadcast_in_dim3A_543 : f32 to vector<16xf32>
    %swap3A_545 = arith.constant 68 : i32
    %swap3A_546 = arith.index_cast %swap3A_545 : i32 to index
    %swap3A_547 = arith.constant 0 : index
    %swap3A_548 = tpu.vector_load %arg5[%swap3A_546, %swap3A_547] {strides = array<i32>} : memref<125x16xf32, #tpu.memory_space<vmem>>, vector<1x16xf32>,
    %swap3A_549 = vector.shape_cast %swap3A_548 : vector<1x16xf32> to vector<16xf32>
    %swap3A_550 = vector.shape_cast %broadcast_in_dim3A_544 : vector<16xf32> to vector<1x16xf32>
    tpu.vector_store %arg5[%swap3A_546, %swap3A_547], %swap3A_550 {strides = array<i32>} : memref<125x16xf32, #tpu.memory_space<vmem>>, vector<1x16xf32>,
    %broadcast_in_dim3A_551 = arith.constant 1.000000e+00 : f32
    %broadcast_in_dim3A_552 = vector.broadcast %broadcast_in_dim3A_551 : f32 to vector<16xf32>
    %swap3A_553 = arith.constant 69 : i32
    %swap3A_554 = arith.index_cast %swap3A_553 : i32 to index
    %swap3A_555 = arith.constant 0 : index
    %swap3A_556 = tpu.vector_load %arg5[%swap3A_554, %swap3A_555] {strides = array<i32>} : memref<125x16xf32, #tpu.memory_space<vmem>>, vector<1x16xf32>,
    %swap3A_557 = vector.shape_cast %swap3A_556 : vector<1x16xf32> to vector<16xf32>
    %swap3A_558 = vector.shape_cast %broadcast_in_dim3A_552 : vector<16xf32> to vector<1x16xf32>
    tpu.vector_store %arg5[%swap3A_554, %swap3A_555], %swap3A_558 {strides = array<i32>} : memref<125x16xf32, #tpu.memory_space<vmem>>, vector<1x16xf32>,
    %broadcast_in_dim3A_559 = arith.constant 1.000000e+00 : f32
    %broadcast_in_dim3A_560 = vector.broadcast %broadcast_in_dim3A_559 : f32 to vector<16xf32>
    %swap3A_561 = arith.constant 70 : i32
    %swap3A_562 = arith.index_cast %swap3A_561 : i32 to index
    %swap3A_563 = arith.constant 0 : index
    %swap3A_564 = tpu.vector_load %arg5[%swap3A_562, %swap3A_563] {strides = array<i32>} : memref<125x16xf32, #tpu.memory_space<vmem>>, vector<1x16xf32>,
    %swap3A_565 = vector.shape_cast %swap3A_564 : vector<1x16xf32> to vector<16xf32>
    %swap3A_566 = vector.shape_cast %broadcast_in_dim3A_560 : vector<16xf32> to vector<1x16xf32>
    tpu.vector_store %arg5[%swap3A_562, %swap3A_563], %swap3A_566 {strides = array<i32>} : memref<125x16xf32, #tpu.memory_space<vmem>>, vector<1x16xf32>,
    %broadcast_in_dim3A_567 = arith.constant 1.000000e+00 : f32
    %broadcast_in_dim3A_568 = vector.broadcast %broadcast_in_dim3A_567 : f32 to vector<16xf32>
    %swap3A_569 = arith.constant 71 : i32
    %swap3A_570 = arith.index_cast %swap3A_569 : i32 to index
    %swap3A_571 = arith.constant 0 : index
    %swap3A_572 = tpu.vector_load %arg5[%swap3A_570, %swap3A_571] {strides = array<i32>} : memref<125x16xf32, #tpu.memory_space<vmem>>, vector<1x16xf32>,
    %swap3A_573 = vector.shape_cast %swap3A_572 : vector<1x16xf32> to vector<16xf32>
    %swap3A_574 = vector.shape_cast %broadcast_in_dim3A_568 : vector<16xf32> to vector<1x16xf32>
    tpu.vector_store %arg5[%swap3A_570, %swap3A_571], %swap3A_574 {strides = array<i32>} : memref<125x16xf32, #tpu.memory_space<vmem>>, vector<1x16xf32>,
    %broadcast_in_dim3A_575 = arith.constant 1.000000e+00 : f32
    %broadcast_in_dim3A_576 = vector.broadcast %broadcast_in_dim3A_575 : f32 to vector<16xf32>
    %swap3A_577 = arith.constant 72 : i32
    %swap3A_578 = arith.index_cast %swap3A_577 : i32 to index
    %swap3A_579 = arith.constant 0 : index
    %swap3A_580 = tpu.vector_load %arg5[%swap3A_578, %swap3A_579] {strides = array<i32>} : memref<125x16xf32, #tpu.memory_space<vmem>>, vector<1x16xf32>,
    %swap3A_581 = vector.shape_cast %swap3A_580 : vector<1x16xf32> to vector<16xf32>
    %swap3A_582 = vector.shape_cast %broadcast_in_dim3A_576 : vector<16xf32> to vector<1x16xf32>
    tpu.vector_store %arg5[%swap3A_578, %swap3A_579], %swap3A_582 {strides = array<i32>} : memref<125x16xf32, #tpu.memory_space<vmem>>, vector<1x16xf32>,
    %broadcast_in_dim3A_583 = arith.constant 1.000000e+00 : f32
    %broadcast_in_dim3A_584 = vector.broadcast %broadcast_in_dim3A_583 : f32 to vector<16xf32>
    %swap3A_585 = arith.constant 73 : i32
    %swap3A_586 = arith.index_cast %swap3A_585 : i32 to index
    %swap3A_587 = arith.constant 0 : index
    %swap3A_588 = tpu.vector_load %arg5[%swap3A_586, %swap3A_587] {strides = array<i32>} : memref<125x16xf32, #tpu.memory_space<vmem>>, vector<1x16xf32>,
    %swap3A_589 = vector.shape_cast %swap3A_588 : vector<1x16xf32> to vector<16xf32>
    %swap3A_590 = vector.shape_cast %broadcast_in_dim3A_584 : vector<16xf32> to vector<1x16xf32>
    tpu.vector_store %arg5[%swap3A_586, %swap3A_587], %swap3A_590 {strides = array<i32>} : memref<125x16xf32, #tpu.memory_space<vmem>>, vector<1x16xf32>,
    %broadcast_in_dim3A_591 = arith.constant 1.000000e+00 : f32
    %broadcast_in_dim3A_592 = vector.broadcast %broadcast_in_dim3A_591 : f32 to vector<16xf32>
    %swap3A_593 = arith.constant 74 : i32
    %swap3A_594 = arith.index_cast %swap3A_593 : i32 to index
    %swap3A_595 = arith.constant 0 : index
    %swap3A_596 = tpu.vector_load %arg5[%swap3A_594, %swap3A_595] {strides = array<i32>} : memref<125x16xf32, #tpu.memory_space<vmem>>, vector<1x16xf32>,
    %swap3A_597 = vector.shape_cast %swap3A_596 : vector<1x16xf32> to vector<16xf32>
    %swap3A_598 = vector.shape_cast %broadcast_in_dim3A_592 : vector<16xf32> to vector<1x16xf32>
    tpu.vector_store %arg5[%swap3A_594, %swap3A_595], %swap3A_598 {strides = array<i32>} : memref<125x16xf32, #tpu.memory_space<vmem>>, vector<1x16xf32>,
    %broadcast_in_dim3A_599 = arith.constant 1.000000e+00 : f32
    %broadcast_in_dim3A_600 = vector.broadcast %broadcast_in_dim3A_599 : f32 to vector<16xf32>
    %swap3A_601 = arith.constant 75 : i32
    %swap3A_602 = arith.index_cast %swap3A_601 : i32 to index
    %swap3A_603 = arith.constant 0 : index
    %swap3A_604 = tpu.vector_load %arg5[%swap3A_602, %swap3A_603] {strides = array<i32>} : memref<125x16xf32, #tpu.memory_space<vmem>>, vector<1x16xf32>,
    %swap3A_605 = vector.shape_cast %swap3A_604 : vector<1x16xf32> to vector<16xf32>
    %swap3A_606 = vector.shape_cast %broadcast_in_dim3A_600 : vector<16xf32> to vector<1x16xf32>
    tpu.vector_store %arg5[%swap3A_602, %swap3A_603], %swap3A_606 {strides = array<i32>} : memref<125x16xf32, #tpu.memory_space<vmem>>, vector<1x16xf32>,
    %broadcast_in_dim3A_607 = arith.constant 1.000000e+00 : f32
    %broadcast_in_dim3A_608 = vector.broadcast %broadcast_in_dim3A_607 : f32 to vector<16xf32>
    %swap3A_609 = arith.constant 76 : i32
    %swap3A_610 = arith.index_cast %swap3A_609 : i32 to index
    %swap3A_611 = arith.constant 0 : index
    %swap3A_612 = tpu.vector_load %arg5[%swap3A_610, %swap3A_611] {strides = array<i32>} : memref<125x16xf32, #tpu.memory_space<vmem>>, vector<1x16xf32>,
    %swap3A_613 = vector.shape_cast %swap3A_612 : vector<1x16xf32> to vector<16xf32>
    %swap3A_614 = vector.shape_cast %broadcast_in_dim3A_608 : vector<16xf32> to vector<1x16xf32>
    tpu.vector_store %arg5[%swap3A_610, %swap3A_611], %swap3A_614 {strides = array<i32>} : memref<125x16xf32, #tpu.memory_space<vmem>>, vector<1x16xf32>,
    %broadcast_in_dim3A_615 = arith.constant 1.000000e+00 : f32
    %broadcast_in_dim3A_616 = vector.broadcast %broadcast_in_dim3A_615 : f32 to vector<16xf32>
    %swap3A_617 = arith.constant 77 : i32
    %swap3A_618 = arith.index_cast %swap3A_617 : i32 to index
    %swap3A_619 = arith.constant 0 : index
    %swap3A_620 = tpu.vector_load %arg5[%swap3A_618, %swap3A_619] {strides = array<i32>} : memref<125x16xf32, #tpu.memory_space<vmem>>, vector<1x16xf32>,
    %swap3A_621 = vector.shape_cast %swap3A_620 : vector<1x16xf32> to vector<16xf32>
    %swap3A_622 = vector.shape_cast %broadcast_in_dim3A_616 : vector<16xf32> to vector<1x16xf32>
    tpu.vector_store %arg5[%swap3A_618, %swap3A_619], %swap3A_622 {strides = array<i32>} : memref<125x16xf32, #tpu.memory_space<vmem>>, vector<1x16xf32>,
    %broadcast_in_dim3A_623 = arith.constant 1.000000e+00 : f32
    %broadcast_in_dim3A_624 = vector.broadcast %broadcast_in_dim3A_623 : f32 to vector<16xf32>
    %swap3A_625 = arith.constant 78 : i32
    %swap3A_626 = arith.index_cast %swap3A_625 : i32 to index
    %swap3A_627 = arith.constant 0 : index
    %swap3A_628 = tpu.vector_load %arg5[%swap3A_626, %swap3A_627] {strides = array<i32>} : memref<125x16xf32, #tpu.memory_space<vmem>>, vector<1x16xf32>,
    %swap3A_629 = vector.shape_cast %swap3A_628 : vector<1x16xf32> to vector<16xf32>
    %swap3A_630 = vector.shape_cast %broadcast_in_dim3A_624 : vector<16xf32> to vector<1x16xf32>
    tpu.vector_store %arg5[%swap3A_626, %swap3A_627], %swap3A_630 {strides = array<i32>} : memref<125x16xf32, #tpu.memory_space<vmem>>, vector<1x16xf32>,
    %broadcast_in_dim3A_631 = arith.constant 1.000000e+00 : f32
    %broadcast_in_dim3A_632 = vector.broadcast %broadcast_in_dim3A_631 : f32 to vector<16xf32>
    %swap3A_633 = arith.constant 79 : i32
    %swap3A_634 = arith.index_cast %swap3A_633 : i32 to index
    %swap3A_635 = arith.constant 0 : index
    %swap3A_636 = tpu.vector_load %arg5[%swap3A_634, %swap3A_635] {strides = array<i32>} : memref<125x16xf32, #tpu.memory_space<vmem>>, vector<1x16xf32>,
    %swap3A_637 = vector.shape_cast %swap3A_636 : vector<1x16xf32> to vector<16xf32>
    %swap3A_638 = vector.shape_cast %broadcast_in_dim3A_632 : vector<16xf32> to vector<1x16xf32>
    tpu.vector_store %arg5[%swap3A_634, %swap3A_635], %swap3A_638 {strides = array<i32>} : memref<125x16xf32, #tpu.memory_space<vmem>>, vector<1x16xf32>,
    %broadcast_in_dim3A_639 = arith.constant 1.000000e+00 : f32
    %broadcast_in_dim3A_640 = vector.broadcast %broadcast_in_dim3A_639 : f32 to vector<16xf32>
    %swap3A_641 = arith.constant 80 : i32
    %swap3A_642 = arith.index_cast %swap3A_641 : i32 to index
    %swap3A_643 = arith.constant 0 : index
    %swap3A_644 = tpu.vector_load %arg5[%swap3A_642, %swap3A_643] {strides = array<i32>} : memref<125x16xf32, #tpu.memory_space<vmem>>, vector<1x16xf32>,
    %swap3A_645 = vector.shape_cast %swap3A_644 : vector<1x16xf32> to vector<16xf32>
    %swap3A_646 = vector.shape_cast %broadcast_in_dim3A_640 : vector<16xf32> to vector<1x16xf32>
    tpu.vector_store %arg5[%swap3A_642, %swap3A_643], %swap3A_646 {strides = array<i32>} : memref<125x16xf32, #tpu.memory_space<vmem>>, vector<1x16xf32>,
    %broadcast_in_dim3A_647 = arith.constant 1.000000e+00 : f32
    %broadcast_in_dim3A_648 = vector.broadcast %broadcast_in_dim3A_647 : f32 to vector<16xf32>
    %swap3A_649 = arith.constant 81 : i32
    %swap3A_650 = arith.index_cast %swap3A_649 : i32 to index
    %swap3A_651 = arith.constant 0 : index
    %swap3A_652 = tpu.vector_load %arg5[%swap3A_650, %swap3A_651] {strides = array<i32>} : memref<125x16xf32, #tpu.memory_space<vmem>>, vector<1x16xf32>,
    %swap3A_653 = vector.shape_cast %swap3A_652 : vector<1x16xf32> to vector<16xf32>
    %swap3A_654 = vector.shape_cast %broadcast_in_dim3A_648 : vector<16xf32> to vector<1x16xf32>
    tpu.vector_store %arg5[%swap3A_650, %swap3A_651], %swap3A_654 {strides = array<i32>} : memref<125x16xf32, #tpu.memory_space<vmem>>, vector<1x16xf32>,
    %broadcast_in_dim3A_655 = arith.constant 1.000000e+00 : f32
    %broadcast_in_dim3A_656 = vector.broadcast %broadcast_in_dim3A_655 : f32 to vector<16xf32>
    %swap3A_657 = arith.constant 82 : i32
    %swap3A_658 = arith.index_cast %swap3A_657 : i32 to index
    %swap3A_659 = arith.constant 0 : index
    %swap3A_660 = tpu.vector_load %arg5[%swap3A_658, %swap3A_659] {strides = array<i32>} : memref<125x16xf32, #tpu.memory_space<vmem>>, vector<1x16xf32>,
    %swap3A_661 = vector.shape_cast %swap3A_660 : vector<1x16xf32> to vector<16xf32>
    %swap3A_662 = vector.shape_cast %broadcast_in_dim3A_656 : vector<16xf32> to vector<1x16xf32>
    tpu.vector_store %arg5[%swap3A_658, %swap3A_659], %swap3A_662 {strides = array<i32>} : memref<125x16xf32, #tpu.memory_space<vmem>>, vector<1x16xf32>,
    %broadcast_in_dim3A_663 = arith.constant 1.000000e+00 : f32
    %broadcast_in_dim3A_664 = vector.broadcast %broadcast_in_dim3A_663 : f32 to vector<16xf32>
    %swap3A_665 = arith.constant 83 : i32
    %swap3A_666 = arith.index_cast %swap3A_665 : i32 to index
    %swap3A_667 = arith.constant 0 : index
    %swap3A_668 = tpu.vector_load %arg5[%swap3A_666, %swap3A_667] {strides = array<i32>} : memref<125x16xf32, #tpu.memory_space<vmem>>, vector<1x16xf32>,
    %swap3A_669 = vector.shape_cast %swap3A_668 : vector<1x16xf32> to vector<16xf32>
    %swap3A_670 = vector.shape_cast %broadcast_in_dim3A_664 : vector<16xf32> to vector<1x16xf32>
    tpu.vector_store %arg5[%swap3A_666, %swap3A_667], %swap3A_670 {strides = array<i32>} : memref<125x16xf32, #tpu.memory_space<vmem>>, vector<1x16xf32>,
    %broadcast_in_dim3A_671 = arith.constant 1.000000e+00 : f32
    %broadcast_in_dim3A_672 = vector.broadcast %broadcast_in_dim3A_671 : f32 to vector<16xf32>
    %swap3A_673 = arith.constant 84 : i32
    %swap3A_674 = arith.index_cast %swap3A_673 : i32 to index
    %swap3A_675 = arith.constant 0 : index
    %swap3A_676 = tpu.vector_load %arg5[%swap3A_674, %swap3A_675] {strides = array<i32>} : memref<125x16xf32, #tpu.memory_space<vmem>>, vector<1x16xf32>,
    %swap3A_677 = vector.shape_cast %swap3A_676 : vector<1x16xf32> to vector<16xf32>
    %swap3A_678 = vector.shape_cast %broadcast_in_dim3A_672 : vector<16xf32> to vector<1x16xf32>
    tpu.vector_store %arg5[%swap3A_674, %swap3A_675], %swap3A_678 {strides = array<i32>} : memref<125x16xf32, #tpu.memory_space<vmem>>, vector<1x16xf32>,
    %broadcast_in_dim3A_679 = arith.constant 1.000000e+00 : f32
    %broadcast_in_dim3A_680 = vector.broadcast %broadcast_in_dim3A_679 : f32 to vector<16xf32>
    %swap3A_681 = arith.constant 85 : i32
    %swap3A_682 = arith.index_cast %swap3A_681 : i32 to index
    %swap3A_683 = arith.constant 0 : index
    %swap3A_684 = tpu.vector_load %arg5[%swap3A_682, %swap3A_683] {strides = array<i32>} : memref<125x16xf32, #tpu.memory_space<vmem>>, vector<1x16xf32>,
    %swap3A_685 = vector.shape_cast %swap3A_684 : vector<1x16xf32> to vector<16xf32>
    %swap3A_686 = vector.shape_cast %broadcast_in_dim3A_680 : vector<16xf32> to vector<1x16xf32>
    tpu.vector_store %arg5[%swap3A_682, %swap3A_683], %swap3A_686 {strides = array<i32>} : memref<125x16xf32, #tpu.memory_space<vmem>>, vector<1x16xf32>,
    %broadcast_in_dim3A_687 = arith.constant 1.000000e+00 : f32
    %broadcast_in_dim3A_688 = vector.broadcast %broadcast_in_dim3A_687 : f32 to vector<16xf32>
    %swap3A_689 = arith.constant 86 : i32
    %swap3A_690 = arith.index_cast %swap3A_689 : i32 to index
    %swap3A_691 = arith.constant 0 : index
    %swap3A_692 = tpu.vector_load %arg5[%swap3A_690, %swap3A_691] {strides = array<i32>} : memref<125x16xf32, #tpu.memory_space<vmem>>, vector<1x16xf32>,
    %swap3A_693 = vector.shape_cast %swap3A_692 : vector<1x16xf32> to vector<16xf32>
    %swap3A_694 = vector.shape_cast %broadcast_in_dim3A_688 : vector<16xf32> to vector<1x16xf32>
    tpu.vector_store %arg5[%swap3A_690, %swap3A_691], %swap3A_694 {strides = array<i32>} : memref<125x16xf32, #tpu.memory_space<vmem>>, vector<1x16xf32>,
    %broadcast_in_dim3A_695 = arith.constant 1.000000e+00 : f32
    %broadcast_in_dim3A_696 = vector.broadcast %broadcast_in_dim3A_695 : f32 to vector<16xf32>
    %swap3A_697 = arith.constant 87 : i32
    %swap3A_698 = arith.index_cast %swap3A_697 : i32 to index
    %swap3A_699 = arith.constant 0 : index
    %swap3A_700 = tpu.vector_load %arg5[%swap3A_698, %swap3A_699] {strides = array<i32>} : memref<125x16xf32, #tpu.memory_space<vmem>>, vector<1x16xf32>,
    %swap3A_701 = vector.shape_cast %swap3A_700 : vector<1x16xf32> to vector<16xf32>
    %swap3A_702 = vector.shape_cast %broadcast_in_dim3A_696 : vector<16xf32> to vector<1x16xf32>
    tpu.vector_store %arg5[%swap3A_698, %swap3A_699], %swap3A_702 {strides = array<i32>} : memref<125x16xf32, #tpu.memory_space<vmem>>, vector<1x16xf32>,
    %broadcast_in_dim3A_703 = arith.constant 1.000000e+00 : f32
    %broadcast_in_dim3A_704 = vector.broadcast %broadcast_in_dim3A_703 : f32 to vector<16xf32>
    %swap3A_705 = arith.constant 88 : i32
    %swap3A_706 = arith.index_cast %swap3A_705 : i32 to index
    %swap3A_707 = arith.constant 0 : index
    %swap3A_708 = tpu.vector_load %arg5[%swap3A_706, %swap3A_707] {strides = array<i32>} : memref<125x16xf32, #tpu.memory_space<vmem>>, vector<1x16xf32>,
    %swap3A_709 = vector.shape_cast %swap3A_708 : vector<1x16xf32> to vector<16xf32>
    %swap3A_710 = vector.shape_cast %broadcast_in_dim3A_704 : vector<16xf32> to vector<1x16xf32>
    tpu.vector_store %arg5[%swap3A_706, %swap3A_707], %swap3A_710 {strides = array<i32>} : memref<125x16xf32, #tpu.memory_space<vmem>>, vector<1x16xf32>,
    %broadcast_in_dim3A_711 = arith.constant 1.000000e+00 : f32
    %broadcast_in_dim3A_712 = vector.broadcast %broadcast_in_dim3A_711 : f32 to vector<16xf32>
    %swap3A_713 = arith.constant 89 : i32
    %swap3A_714 = arith.index_cast %swap3A_713 : i32 to index
    %swap3A_715 = arith.constant 0 : index
    %swap3A_716 = tpu.vector_load %arg5[%swap3A_714, %swap3A_715] {strides = array<i32>} : memref<125x16xf32, #tpu.memory_space<vmem>>, vector<1x16xf32>,
    %swap3A_717 = vector.shape_cast %swap3A_716 : vector<1x16xf32> to vector<16xf32>
    %swap3A_718 = vector.shape_cast %broadcast_in_dim3A_712 : vector<16xf32> to vector<1x16xf32>
    tpu.vector_store %arg5[%swap3A_714, %swap3A_715], %swap3A_718 {strides = array<i32>} : memref<125x16xf32, #tpu.memory_space<vmem>>, vector<1x16xf32>,
    %broadcast_in_dim3A_719 = arith.constant 1.000000e+00 : f32
    %broadcast_in_dim3A_720 = vector.broadcast %broadcast_in_dim3A_719 : f32 to vector<16xf32>
    %swap3A_721 = arith.constant 90 : i32
    %swap3A_722 = arith.index_cast %swap3A_721 : i32 to index
    %swap3A_723 = arith.constant 0 : index
    %swap3A_724 = tpu.vector_load %arg5[%swap3A_722, %swap3A_723] {strides = array<i32>} : memref<125x16xf32, #tpu.memory_space<vmem>>, vector<1x16xf32>,
    %swap3A_725 = vector.shape_cast %swap3A_724 : vector<1x16xf32> to vector<16xf32>
    %swap3A_726 = vector.shape_cast %broadcast_in_dim3A_720 : vector<16xf32> to vector<1x16xf32>
    tpu.vector_store %arg5[%swap3A_722, %swap3A_723], %swap3A_726 {strides = array<i32>} : memref<125x16xf32, #tpu.memory_space<vmem>>, vector<1x16xf32>,
    %broadcast_in_dim3A_727 = arith.constant 1.000000e+00 : f32
    %broadcast_in_dim3A_728 = vector.broadcast %broadcast_in_dim3A_727 : f32 to vector<16xf32>
    %swap3A_729 = arith.constant 91 : i32
    %swap3A_730 = arith.index_cast %swap3A_729 : i32 to index
    %swap3A_731 = arith.constant 0 : index
    %swap3A_732 = tpu.vector_load %arg5[%swap3A_730, %swap3A_731] {strides = array<i32>} : memref<125x16xf32, #tpu.memory_space<vmem>>, vector<1x16xf32>,
    %swap3A_733 = vector.shape_cast %swap3A_732 : vector<1x16xf32> to vector<16xf32>
    %swap3A_734 = vector.shape_cast %broadcast_in_dim3A_728 : vector<16xf32> to vector<1x16xf32>
    tpu.vector_store %arg5[%swap3A_730, %swap3A_731], %swap3A_734 {strides = array<i32>} : memref<125x16xf32, #tpu.memory_space<vmem>>, vector<1x16xf32>,
    %broadcast_in_dim3A_735 = arith.constant 1.000000e+00 : f32
    %broadcast_in_dim3A_736 = vector.broadcast %broadcast_in_dim3A_735 : f32 to vector<16xf32>
    %swap3A_737 = arith.constant 92 : i32
    %swap3A_738 = arith.index_cast %swap3A_737 : i32 to index
    %swap3A_739 = arith.constant 0 : index
    %swap3A_740 = tpu.vector_load %arg5[%swap3A_738, %swap3A_739] {strides = array<i32>} : memref<125x16xf32, #tpu.memory_space<vmem>>, vector<1x16xf32>,
    %swap3A_741 = vector.shape_cast %swap3A_740 : vector<1x16xf32> to vector<16xf32>
    %swap3A_742 = vector.shape_cast %broadcast_in_dim3A_736 : vector<16xf32> to vector<1x16xf32>
    tpu.vector_store %arg5[%swap3A_738, %swap3A_739], %swap3A_742 {strides = array<i32>} : memref<125x16xf32, #tpu.memory_space<vmem>>, vector<1x16xf32>,
    %broadcast_in_dim3A_743 = arith.constant 1.000000e+00 : f32
    %broadcast_in_dim3A_744 = vector.broadcast %broadcast_in_dim3A_743 : f32 to vector<16xf32>
    %swap3A_745 = arith.constant 93 : i32
    %swap3A_746 = arith.index_cast %swap3A_745 : i32 to index
    %swap3A_747 = arith.constant 0 : index
    %swap3A_748 = tpu.vector_load %arg5[%swap3A_746, %swap3A_747] {strides = array<i32>} : memref<125x16xf32, #tpu.memory_space<vmem>>, vector<1x16xf32>,
    %swap3A_749 = vector.shape_cast %swap3A_748 : vector<1x16xf32> to vector<16xf32>
    %swap3A_750 = vector.shape_cast %broadcast_in_dim3A_744 : vector<16xf32> to vector<1x16xf32>
    tpu.vector_store %arg5[%swap3A_746, %swap3A_747], %swap3A_750 {strides = array<i32>} : memref<125x16xf32, #tpu.memory_space<vmem>>, vector<1x16xf32>,
    %broadcast_in_dim3A_751 = arith.constant 1.000000e+00 : f32
    %broadcast_in_dim3A_752 = vector.broadcast %broadcast_in_dim3A_751 : f32 to vector<16xf32>
    %swap3A_753 = arith.constant 94 : i32
    %swap3A_754 = arith.index_cast %swap3A_753 : i32 to index
    %swap3A_755 = arith.constant 0 : index
    %swap3A_756 = tpu.vector_load %arg5[%swap3A_754, %swap3A_755] {strides = array<i32>} : memref<125x16xf32, #tpu.memory_space<vmem>>, vector<1x16xf32>,
    %swap3A_757 = vector.shape_cast %swap3A_756 : vector<1x16xf32> to vector<16xf32>
    %swap3A_758 = vector.shape_cast %broadcast_in_dim3A_752 : vector<16xf32> to vector<1x16xf32>
    tpu.vector_store %arg5[%swap3A_754, %swap3A_755], %swap3A_758 {strides = array<i32>} : memref<125x16xf32, #tpu.memory_space<vmem>>, vector<1x16xf32>,
    %broadcast_in_dim3A_759 = arith.constant 1.000000e+00 : f32
    %broadcast_in_dim3A_760 = vector.broadcast %broadcast_in_dim3A_759 : f32 to vector<16xf32>
    %swap3A_761 = arith.constant 95 : i32
    %swap3A_762 = arith.index_cast %swap3A_761 : i32 to index
    %swap3A_763 = arith.constant 0 : index
    %swap3A_764 = tpu.vector_load %arg5[%swap3A_762, %swap3A_763] {strides = array<i32>} : memref<125x16xf32, #tpu.memory_space<vmem>>, vector<1x16xf32>,
    %swap3A_765 = vector.shape_cast %swap3A_764 : vector<1x16xf32> to vector<16xf32>
    %swap3A_766 = vector.shape_cast %broadcast_in_dim3A_760 : vector<16xf32> to vector<1x16xf32>
    tpu.vector_store %arg5[%swap3A_762, %swap3A_763], %swap3A_766 {strides = array<i32>} : memref<125x16xf32, #tpu.memory_space<vmem>>, vector<1x16xf32>,
    %broadcast_in_dim3A_767 = arith.constant 1.000000e+00 : f32
    %broadcast_in_dim3A_768 = vector.broadcast %broadcast_in_dim3A_767 : f32 to vector<16xf32>
    %swap3A_769 = arith.constant 96 : i32
    %swap3A_770 = arith.index_cast %swap3A_769 : i32 to index
    %swap3A_771 = arith.constant 0 : index
    %swap3A_772 = tpu.vector_load %arg5[%swap3A_770, %swap3A_771] {strides = array<i32>} : memref<125x16xf32, #tpu.memory_space<vmem>>, vector<1x16xf32>,
    %swap3A_773 = vector.shape_cast %swap3A_772 : vector<1x16xf32> to vector<16xf32>
    %swap3A_774 = vector.shape_cast %broadcast_in_dim3A_768 : vector<16xf32> to vector<1x16xf32>
    tpu.vector_store %arg5[%swap3A_770, %swap3A_771], %swap3A_774 {strides = array<i32>} : memref<125x16xf32, #tpu.memory_space<vmem>>, vector<1x16xf32>,
    %broadcast_in_dim3A_775 = arith.constant 1.000000e+00 : f32
    %broadcast_in_dim3A_776 = vector.broadcast %broadcast_in_dim3A_775 : f32 to vector<16xf32>
    %swap3A_777 = arith.constant 97 : i32
    %swap3A_778 = arith.index_cast %swap3A_777 : i32 to index
    %swap3A_779 = arith.constant 0 : index
    %swap3A_780 = tpu.vector_load %arg5[%swap3A_778, %swap3A_779] {strides = array<i32>} : memref<125x16xf32, #tpu.memory_space<vmem>>, vector<1x16xf32>,
    %swap3A_781 = vector.shape_cast %swap3A_780 : vector<1x16xf32> to vector<16xf32>
    %swap3A_782 = vector.shape_cast %broadcast_in_dim3A_776 : vector<16xf32> to vector<1x16xf32>
    tpu.vector_store %arg5[%swap3A_778, %swap3A_779], %swap3A_782 {strides = array<i32>} : memref<125x16xf32, #tpu.memory_space<vmem>>, vector<1x16xf32>,
    %broadcast_in_dim3A_783 = arith.constant 1.000000e+00 : f32
    %broadcast_in_dim3A_784 = vector.broadcast %broadcast_in_dim3A_783 : f32 to vector<16xf32>
    %swap3A_785 = arith.constant 98 : i32
    %swap3A_786 = arith.index_cast %swap3A_785 : i32 to index
    %swap3A_787 = arith.constant 0 : index
    %swap3A_788 = tpu.vector_load %arg5[%swap3A_786, %swap3A_787] {strides = array<i32>} : memref<125x16xf32, #tpu.memory_space<vmem>>, vector<1x16xf32>,
    %swap3A_789 = vector.shape_cast %swap3A_788 : vector<1x16xf32> to vector<16xf32>
    %swap3A_790 = vector.shape_cast %broadcast_in_dim3A_784 : vector<16xf32> to vector<1x16xf32>
    tpu.vector_store %arg5[%swap3A_786, %swap3A_787], %swap3A_790 {strides = array<i32>} : memref<125x16xf32, #tpu.memory_space<vmem>>, vector<1x16xf32>,
    %broadcast_in_dim3A_791 = arith.constant 1.000000e+00 : f32
    %broadcast_in_dim3A_792 = vector.broadcast %broadcast_in_dim3A_791 : f32 to vector<16xf32>
    %swap3A_793 = arith.constant 99 : i32
    %swap3A_794 = arith.index_cast %swap3A_793 : i32 to index
    %swap3A_795 = arith.constant 0 : index
    %swap3A_796 = tpu.vector_load %arg5[%swap3A_794, %swap3A_795] {strides = array<i32>} : memref<125x16xf32, #tpu.memory_space<vmem>>, vector<1x16xf32>,
    %swap3A_797 = vector.shape_cast %swap3A_796 : vector<1x16xf32> to vector<16xf32>
    %swap3A_798 = vector.shape_cast %broadcast_in_dim3A_792 : vector<16xf32> to vector<1x16xf32>
    tpu.vector_store %arg5[%swap3A_794, %swap3A_795], %swap3A_798 {strides = array<i32>} : memref<125x16xf32, #tpu.memory_space<vmem>>, vector<1x16xf32>,
    %broadcast_in_dim3A_799 = arith.constant 1.000000e+00 : f32
    %broadcast_in_dim3A_800 = vector.broadcast %broadcast_in_dim3A_799 : f32 to vector<16xf32>
    %swap3A_801 = arith.constant 100 : i32
    %swap3A_802 = arith.index_cast %swap3A_801 : i32 to index
    %swap3A_803 = arith.constant 0 : index
    %swap3A_804 = tpu.vector_load %arg5[%swap3A_802, %swap3A_803] {strides = array<i32>} : memref<125x16xf32, #tpu.memory_space<vmem>>, vector<1x16xf32>,
    %swap3A_805 = vector.shape_cast %swap3A_804 : vector<1x16xf32> to vector<16xf32>
    %swap3A_806 = vector.shape_cast %broadcast_in_dim3A_800 : vector<16xf32> to vector<1x16xf32>
    tpu.vector_store %arg5[%swap3A_802, %swap3A_803], %swap3A_806 {strides = array<i32>} : memref<125x16xf32, #tpu.memory_space<vmem>>, vector<1x16xf32>,
    %broadcast_in_dim3A_807 = arith.constant 1.000000e+00 : f32
    %broadcast_in_dim3A_808 = vector.broadcast %broadcast_in_dim3A_807 : f32 to vector<16xf32>
    %swap3A_809 = arith.constant 101 : i32
    %swap3A_810 = arith.index_cast %swap3A_809 : i32 to index
    %swap3A_811 = arith.constant 0 : index
    %swap3A_812 = tpu.vector_load %arg5[%swap3A_810, %swap3A_811] {strides = array<i32>} : memref<125x16xf32, #tpu.memory_space<vmem>>, vector<1x16xf32>,
    %swap3A_813 = vector.shape_cast %swap3A_812 : vector<1x16xf32> to vector<16xf32>
    %swap3A_814 = vector.shape_cast %broadcast_in_dim3A_808 : vector<16xf32> to vector<1x16xf32>
    tpu.vector_store %arg5[%swap3A_810, %swap3A_811], %swap3A_814 {strides = array<i32>} : memref<125x16xf32, #tpu.memory_space<vmem>>, vector<1x16xf32>,
    %broadcast_in_dim3A_815 = arith.constant 1.000000e+00 : f32
    %broadcast_in_dim3A_816 = vector.broadcast %broadcast_in_dim3A_815 : f32 to vector<16xf32>
    %swap3A_817 = arith.constant 102 : i32
    %swap3A_818 = arith.index_cast %swap3A_817 : i32 to index
    %swap3A_819 = arith.constant 0 : index
    %swap3A_820 = tpu.vector_load %arg5[%swap3A_818, %swap3A_819] {strides = array<i32>} : memref<125x16xf32, #tpu.memory_space<vmem>>, vector<1x16xf32>,
    %swap3A_821 = vector.shape_cast %swap3A_820 : vector<1x16xf32> to vector<16xf32>
    %swap3A_822 = vector.shape_cast %broadcast_in_dim3A_816 : vector<16xf32> to vector<1x16xf32>
    tpu.vector_store %arg5[%swap3A_818, %swap3A_819], %swap3A_822 {strides = array<i32>} : memref<125x16xf32, #tpu.memory_space<vmem>>, vector<1x16xf32>,
    %broadcast_in_dim3A_823 = arith.constant 1.000000e+00 : f32
    %broadcast_in_dim3A_824 = vector.broadcast %broadcast_in_dim3A_823 : f32 to vector<16xf32>
    %swap3A_825 = arith.constant 103 : i32
    %swap3A_826 = arith.index_cast %swap3A_825 : i32 to index
    %swap3A_827 = arith.constant 0 : index
    %swap3A_828 = tpu.vector_load %arg5[%swap3A_826, %swap3A_827] {strides = array<i32>} : memref<125x16xf32, #tpu.memory_space<vmem>>, vector<1x16xf32>,
    %swap3A_829 = vector.shape_cast %swap3A_828 : vector<1x16xf32> to vector<16xf32>
    %swap3A_830 = vector.shape_cast %broadcast_in_dim3A_824 : vector<16xf32> to vector<1x16xf32>
    tpu.vector_store %arg5[%swap3A_826, %swap3A_827], %swap3A_830 {strides = array<i32>} : memref<125x16xf32, #tpu.memory_space<vmem>>, vector<1x16xf32>,
    %broadcast_in_dim3A_831 = arith.constant 1.000000e+00 : f32
    %broadcast_in_dim3A_832 = vector.broadcast %broadcast_in_dim3A_831 : f32 to vector<16xf32>
    %swap3A_833 = arith.constant 104 : i32
    %swap3A_834 = arith.index_cast %swap3A_833 : i32 to index
    %swap3A_835 = arith.constant 0 : index
    %swap3A_836 = tpu.vector_load %arg5[%swap3A_834, %swap3A_835] {strides = array<i32>} : memref<125x16xf32, #tpu.memory_space<vmem>>, vector<1x16xf32>,
    %swap3A_837 = vector.shape_cast %swap3A_836 : vector<1x16xf32> to vector<16xf32>
    %swap3A_838 = vector.shape_cast %broadcast_in_dim3A_832 : vector<16xf32> to vector<1x16xf32>
    tpu.vector_store %arg5[%swap3A_834, %swap3A_835], %swap3A_838 {strides = array<i32>} : memref<125x16xf32, #tpu.memory_space<vmem>>, vector<1x16xf32>,
    %broadcast_in_dim3A_839 = arith.constant 1.000000e+00 : f32
    %broadcast_in_dim3A_840 = vector.broadcast %broadcast_in_dim3A_839 : f32 to vector<16xf32>
    %swap3A_841 = arith.constant 105 : i32
    %swap3A_842 = arith.index_cast %swap3A_841 : i32 to index
    %swap3A_843 = arith.constant 0 : index
    %swap3A_844 = tpu.vector_load %arg5[%swap3A_842, %swap3A_843] {strides = array<i32>} : memref<125x16xf32, #tpu.memory_space<vmem>>, vector<1x16xf32>,
    %swap3A_845 = vector.shape_cast %swap3A_844 : vector<1x16xf32> to vector<16xf32>
    %swap3A_846 = vector.shape_cast %broadcast_in_dim3A_840 : vector<16xf32> to vector<1x16xf32>
    tpu.vector_store %arg5[%swap3A_842, %swap3A_843], %swap3A_846 {strides = array<i32>} : memref<125x16xf32, #tpu.memory_space<vmem>>, vector<1x16xf32>,
    %broadcast_in_dim3A_847 = arith.constant 1.000000e+00 : f32
    %broadcast_in_dim3A_848 = vector.broadcast %broadcast_in_dim3A_847 : f32 to vector<16xf32>
    %swap3A_849 = arith.constant 106 : i32
    %swap3A_850 = arith.index_cast %swap3A_849 : i32 to index
    %swap3A_851 = arith.constant 0 : index
    %swap3A_852 = tpu.vector_load %arg5[%swap3A_850, %swap3A_851] {strides = array<i32>} : memref<125x16xf32, #tpu.memory_space<vmem>>, vector<1x16xf32>,
    %swap3A_853 = vector.shape_cast %swap3A_852 : vector<1x16xf32> to vector<16xf32>
    %swap3A_854 = vector.shape_cast %broadcast_in_dim3A_848 : vector<16xf32> to vector<1x16xf32>
    tpu.vector_store %arg5[%swap3A_850, %swap3A_851], %swap3A_854 {strides = array<i32>} : memref<125x16xf32, #tpu.memory_space<vmem>>, vector<1x16xf32>,
    %broadcast_in_dim3A_855 = arith.constant 1.000000e+00 : f32
    %broadcast_in_dim3A_856 = vector.broadcast %broadcast_in_dim3A_855 : f32 to vector<16xf32>
    %swap3A_857 = arith.constant 107 : i32
    %swap3A_858 = arith.index_cast %swap3A_857 : i32 to index
    %swap3A_859 = arith.constant 0 : index
    %swap3A_860 = tpu.vector_load %arg5[%swap3A_858, %swap3A_859] {strides = array<i32>} : memref<125x16xf32, #tpu.memory_space<vmem>>, vector<1x16xf32>,
    %swap3A_861 = vector.shape_cast %swap3A_860 : vector<1x16xf32> to vector<16xf32>
    %swap3A_862 = vector.shape_cast %broadcast_in_dim3A_856 : vector<16xf32> to vector<1x16xf32>
    tpu.vector_store %arg5[%swap3A_858, %swap3A_859], %swap3A_862 {strides = array<i32>} : memref<125x16xf32, #tpu.memory_space<vmem>>, vector<1x16xf32>,
    %broadcast_in_dim3A_863 = arith.constant 1.000000e+00 : f32
    %broadcast_in_dim3A_864 = vector.broadcast %broadcast_in_dim3A_863 : f32 to vector<16xf32>
    %swap3A_865 = arith.constant 108 : i32
    %swap3A_866 = arith.index_cast %swap3A_865 : i32 to index
    %swap3A_867 = arith.constant 0 : index
    %swap3A_868 = tpu.vector_load %arg5[%swap3A_866, %swap3A_867] {strides = array<i32>} : memref<125x16xf32, #tpu.memory_space<vmem>>, vector<1x16xf32>,
    %swap3A_869 = vector.shape_cast %swap3A_868 : vector<1x16xf32> to vector<16xf32>
    %swap3A_870 = vector.shape_cast %broadcast_in_dim3A_864 : vector<16xf32> to vector<1x16xf32>
    tpu.vector_store %arg5[%swap3A_866, %swap3A_867], %swap3A_870 {strides = array<i32>} : memref<125x16xf32, #tpu.memory_space<vmem>>, vector<1x16xf32>,
    %broadcast_in_dim3A_871 = arith.constant 1.000000e+00 : f32
    %broadcast_in_dim3A_872 = vector.broadcast %broadcast_in_dim3A_871 : f32 to vector<16xf32>
    %swap3A_873 = arith.constant 109 : i32
    %swap3A_874 = arith.index_cast %swap3A_873 : i32 to index
    %swap3A_875 = arith.constant 0 : index
    %swap3A_876 = tpu.vector_load %arg5[%swap3A_874, %swap3A_875] {strides = array<i32>} : memref<125x16xf32, #tpu.memory_space<vmem>>, vector<1x16xf32>,
    %swap3A_877 = vector.shape_cast %swap3A_876 : vector<1x16xf32> to vector<16xf32>
    %swap3A_878 = vector.shape_cast %broadcast_in_dim3A_872 : vector<16xf32> to vector<1x16xf32>
    tpu.vector_store %arg5[%swap3A_874, %swap3A_875], %swap3A_878 {strides = array<i32>} : memref<125x16xf32, #tpu.memory_space<vmem>>, vector<1x16xf32>,
    %broadcast_in_dim3A_879 = arith.constant 1.000000e+00 : f32
    %broadcast_in_dim3A_880 = vector.broadcast %broadcast_in_dim3A_879 : f32 to vector<16xf32>
    %swap3A_881 = arith.constant 110 : i32
    %swap3A_882 = arith.index_cast %swap3A_881 : i32 to index
    %swap3A_883 = arith.constant 0 : index
    %swap3A_884 = tpu.vector_load %arg5[%swap3A_882, %swap3A_883] {strides = array<i32>} : memref<125x16xf32, #tpu.memory_space<vmem>>, vector<1x16xf32>,
    %swap3A_885 = vector.shape_cast %swap3A_884 : vector<1x16xf32> to vector<16xf32>
    %swap3A_886 = vector.shape_cast %broadcast_in_dim3A_880 : vector<16xf32> to vector<1x16xf32>
    tpu.vector_store %arg5[%swap3A_882, %swap3A_883], %swap3A_886 {strides = array<i32>} : memref<125x16xf32, #tpu.memory_space<vmem>>, vector<1x16xf32>,
    %broadcast_in_dim3A_887 = arith.constant 1.000000e+00 : f32
    %broadcast_in_dim3A_888 = vector.broadcast %broadcast_in_dim3A_887 : f32 to vector<16xf32>
    %swap3A_889 = arith.constant 111 : i32
    %swap3A_890 = arith.index_cast %swap3A_889 : i32 to index
    %swap3A_891 = arith.constant 0 : index
    %swap3A_892 = tpu.vector_load %arg5[%swap3A_890, %swap3A_891] {strides = array<i32>} : memref<125x16xf32, #tpu.memory_space<vmem>>, vector<1x16xf32>,
    %swap3A_893 = vector.shape_cast %swap3A_892 : vector<1x16xf32> to vector<16xf32>
    %swap3A_894 = vector.shape_cast %broadcast_in_dim3A_888 : vector<16xf32> to vector<1x16xf32>
    tpu.vector_store %arg5[%swap3A_890, %swap3A_891], %swap3A_894 {strides = array<i32>} : memref<125x16xf32, #tpu.memory_space<vmem>>, vector<1x16xf32>,
    %broadcast_in_dim3A_895 = arith.constant 1.000000e+00 : f32
    %broadcast_in_dim3A_896 = vector.broadcast %broadcast_in_dim3A_895 : f32 to vector<16xf32>
    %swap3A_897 = arith.constant 112 : i32
    %swap3A_898 = arith.index_cast %swap3A_897 : i32 to index
    %swap3A_899 = arith.constant 0 : index
    %swap3A_900 = tpu.vector_load %arg5[%swap3A_898, %swap3A_899] {strides = array<i32>} : memref<125x16xf32, #tpu.memory_space<vmem>>, vector<1x16xf32>,
    %swap3A_901 = vector.shape_cast %swap3A_900 : vector<1x16xf32> to vector<16xf32>
    %swap3A_902 = vector.shape_cast %broadcast_in_dim3A_896 : vector<16xf32> to vector<1x16xf32>
    tpu.vector_store %arg5[%swap3A_898, %swap3A_899], %swap3A_902 {strides = array<i32>} : memref<125x16xf32, #tpu.memory_space<vmem>>, vector<1x16xf32>,
    %broadcast_in_dim3A_903 = arith.constant 1.000000e+00 : f32
    %broadcast_in_dim3A_904 = vector.broadcast %broadcast_in_dim3A_903 : f32 to vector<16xf32>
    %swap3A_905 = arith.constant 113 : i32
    %swap3A_906 = arith.index_cast %swap3A_905 : i32 to index
    %swap3A_907 = arith.constant 0 : index
    %swap3A_908 = tpu.vector_load %arg5[%swap3A_906, %swap3A_907] {strides = array<i32>} : memref<125x16xf32, #tpu.memory_space<vmem>>, vector<1x16xf32>,
    %swap3A_909 = vector.shape_cast %swap3A_908 : vector<1x16xf32> to vector<16xf32>
    %swap3A_910 = vector.shape_cast %broadcast_in_dim3A_904 : vector<16xf32> to vector<1x16xf32>
    tpu.vector_store %arg5[%swap3A_906, %swap3A_907], %swap3A_910 {strides = array<i32>} : memref<125x16xf32, #tpu.memory_space<vmem>>, vector<1x16xf32>,
    %broadcast_in_dim3A_911 = arith.constant 1.000000e+00 : f32
    %broadcast_in_dim3A_912 = vector.broadcast %broadcast_in_dim3A_911 : f32 to vector<16xf32>
    %swap3A_913 = arith.constant 114 : i32
    %swap3A_914 = arith.index_cast %swap3A_913 : i32 to index
    %swap3A_915 = arith.constant 0 : index
    %swap3A_916 = tpu.vector_load %arg5[%swap3A_914, %swap3A_915] {strides = array<i32>} : memref<125x16xf32, #tpu.memory_space<vmem>>, vector<1x16xf32>,
    %swap3A_917 = vector.shape_cast %swap3A_916 : vector<1x16xf32> to vector<16xf32>
    %swap3A_918 = vector.shape_cast %broadcast_in_dim3A_912 : vector<16xf32> to vector<1x16xf32>
    tpu.vector_store %arg5[%swap3A_914, %swap3A_915], %swap3A_918 {strides = array<i32>} : memref<125x16xf32, #tpu.memory_space<vmem>>, vector<1x16xf32>,
    %broadcast_in_dim3A_919 = arith.constant 1.000000e+00 : f32
    %broadcast_in_dim3A_920 = vector.broadcast %broadcast_in_dim3A_919 : f32 to vector<16xf32>
    %swap3A_921 = arith.constant 115 : i32
    %swap3A_922 = arith.index_cast %swap3A_921 : i32 to index
    %swap3A_923 = arith.constant 0 : index
    %swap3A_924 = tpu.vector_load %arg5[%swap3A_922, %swap3A_923] {strides = array<i32>} : memref<125x16xf32, #tpu.memory_space<vmem>>, vector<1x16xf32>,
    %swap3A_925 = vector.shape_cast %swap3A_924 : vector<1x16xf32> to vector<16xf32>
    %swap3A_926 = vector.shape_cast %broadcast_in_dim3A_920 : vector<16xf32> to vector<1x16xf32>
    tpu.vector_store %arg5[%swap3A_922, %swap3A_923], %swap3A_926 {strides = array<i32>} : memref<125x16xf32, #tpu.memory_space<vmem>>, vector<1x16xf32>,
    %broadcast_in_dim3A_927 = arith.constant 1.000000e+00 : f32
    %broadcast_in_dim3A_928 = vector.broadcast %broadcast_in_dim3A_927 : f32 to vector<16xf32>
    %swap3A_929 = arith.constant 116 : i32
    %swap3A_930 = arith.index_cast %swap3A_929 : i32 to index
    %swap3A_931 = arith.constant 0 : index
    %swap3A_932 = tpu.vector_load %arg5[%swap3A_930, %swap3A_931] {strides = array<i32>} : memref<125x16xf32, #tpu.memory_space<vmem>>, vector<1x16xf32>,
    %swap3A_933 = vector.shape_cast %swap3A_932 : vector<1x16xf32> to vector<16xf32>
    %swap3A_934 = vector.shape_cast %broadcast_in_dim3A_928 : vector<16xf32> to vector<1x16xf32>
    tpu.vector_store %arg5[%swap3A_930, %swap3A_931], %swap3A_934 {strides = array<i32>} : memref<125x16xf32, #tpu.memory_space<vmem>>, vector<1x16xf32>,
    %broadcast_in_dim3A_935 = arith.constant 1.000000e+00 : f32
    %broadcast_in_dim3A_936 = vector.broadcast %broadcast_in_dim3A_935 : f32 to vector<16xf32>
    %swap3A_937 = arith.constant 117 : i32
    %swap3A_938 = arith.index_cast %swap3A_937 : i32 to index
    %swap3A_939 = arith.constant 0 : index
    %swap3A_940 = tpu.vector_load %arg5[%swap3A_938, %swap3A_939] {strides = array<i32>} : memref<125x16xf32, #tpu.memory_space<vmem>>, vector<1x16xf32>,
    %swap3A_941 = vector.shape_cast %swap3A_940 : vector<1x16xf32> to vector<16xf32>
    %swap3A_942 = vector.shape_cast %broadcast_in_dim3A_936 : vector<16xf32> to vector<1x16xf32>
    tpu.vector_store %arg5[%swap3A_938, %swap3A_939], %swap3A_942 {strides = array<i32>} : memref<125x16xf32, #tpu.memory_space<vmem>>, vector<1x16xf32>,
    %broadcast_in_dim3A_943 = arith.constant 1.000000e+00 : f32
    %broadcast_in_dim3A_944 = vector.broadcast %broadcast_in_dim3A_943 : f32 to vector<16xf32>
    %swap3A_945 = arith.constant 118 : i32
    %swap3A_946 = arith.index_cast %swap3A_945 : i32 to index
    %swap3A_947 = arith.constant 0 : index
    %swap3A_948 = tpu.vector_load %arg5[%swap3A_946, %swap3A_947] {strides = array<i32>} : memref<125x16xf32, #tpu.memory_space<vmem>>, vector<1x16xf32>,
    %swap3A_949 = vector.shape_cast %swap3A_948 : vector<1x16xf32> to vector<16xf32>
    %swap3A_950 = vector.shape_cast %broadcast_in_dim3A_944 : vector<16xf32> to vector<1x16xf32>
    tpu.vector_store %arg5[%swap3A_946, %swap3A_947], %swap3A_950 {strides = array<i32>} : memref<125x16xf32, #tpu.memory_space<vmem>>, vector<1x16xf32>,
    %broadcast_in_dim3A_951 = arith.constant 1.000000e+00 : f32
    %broadcast_in_dim3A_952 = vector.broadcast %broadcast_in_dim3A_951 : f32 to vector<16xf32>
    %swap3A_953 = arith.constant 119 : i32
    %swap3A_954 = arith.index_cast %swap3A_953 : i32 to index
    %swap3A_955 = arith.constant 0 : index
    %swap3A_956 = tpu.vector_load %arg5[%swap3A_954, %swap3A_955] {strides = array<i32>} : memref<125x16xf32, #tpu.memory_space<vmem>>, vector<1x16xf32>,
    %swap3A_957 = vector.shape_cast %swap3A_956 : vector<1x16xf32> to vector<16xf32>
    %swap3A_958 = vector.shape_cast %broadcast_in_dim3A_952 : vector<16xf32> to vector<1x16xf32>
    tpu.vector_store %arg5[%swap3A_954, %swap3A_955], %swap3A_958 {strides = array<i32>} : memref<125x16xf32, #tpu.memory_space<vmem>>, vector<1x16xf32>,
    %broadcast_in_dim3A_959 = arith.constant 1.000000e+00 : f32
    %broadcast_in_dim3A_960 = vector.broadcast %broadcast_in_dim3A_959 : f32 to vector<16xf32>
    %swap3A_961 = arith.constant 120 : i32
    %swap3A_962 = arith.index_cast %swap3A_961 : i32 to index
    %swap3A_963 = arith.constant 0 : index
    %swap3A_964 = tpu.vector_load %arg5[%swap3A_962, %swap3A_963] {strides = array<i32>} : memref<125x16xf32, #tpu.memory_space<vmem>>, vector<1x16xf32>,
    %swap3A_965 = vector.shape_cast %swap3A_964 : vector<1x16xf32> to vector<16xf32>
    %swap3A_966 = vector.shape_cast %broadcast_in_dim3A_960 : vector<16xf32> to vector<1x16xf32>
    tpu.vector_store %arg5[%swap3A_962, %swap3A_963], %swap3A_966 {strides = array<i32>} : memref<125x16xf32, #tpu.memory_space<vmem>>, vector<1x16xf32>,
    %broadcast_in_dim3A_967 = arith.constant 1.000000e+00 : f32
    %broadcast_in_dim3A_968 = vector.broadcast %broadcast_in_dim3A_967 : f32 to vector<16xf32>
    %swap3A_969 = arith.constant 121 : i32
    %swap3A_970 = arith.index_cast %swap3A_969 : i32 to index
    %swap3A_971 = arith.constant 0 : index
    %swap3A_972 = tpu.vector_load %arg5[%swap3A_970, %swap3A_971] {strides = array<i32>} : memref<125x16xf32, #tpu.memory_space<vmem>>, vector<1x16xf32>,
    %swap3A_973 = vector.shape_cast %swap3A_972 : vector<1x16xf32> to vector<16xf32>
    %swap3A_974 = vector.shape_cast %broadcast_in_dim3A_968 : vector<16xf32> to vector<1x16xf32>
    tpu.vector_store %arg5[%swap3A_970, %swap3A_971], %swap3A_974 {strides = array<i32>} : memref<125x16xf32, #tpu.memory_space<vmem>>, vector<1x16xf32>,
    %broadcast_in_dim3A_975 = arith.constant 1.000000e+00 : f32
    %broadcast_in_dim3A_976 = vector.broadcast %broadcast_in_dim3A_975 : f32 to vector<16xf32>
    %swap3A_977 = arith.constant 122 : i32
    %swap3A_978 = arith.index_cast %swap3A_977 : i32 to index
    %swap3A_979 = arith.constant 0 : index
    %swap3A_980 = tpu.vector_load %arg5[%swap3A_978, %swap3A_979] {strides = array<i32>} : memref<125x16xf32, #tpu.memory_space<vmem>>, vector<1x16xf32>,
    %swap3A_981 = vector.shape_cast %swap3A_980 : vector<1x16xf32> to vector<16xf32>
    %swap3A_982 = vector.shape_cast %broadcast_in_dim3A_976 : vector<16xf32> to vector<1x16xf32>
    tpu.vector_store %arg5[%swap3A_978, %swap3A_979], %swap3A_982 {strides = array<i32>} : memref<125x16xf32, #tpu.memory_space<vmem>>, vector<1x16xf32>,
    %broadcast_in_dim3A_983 = arith.constant 1.000000e+00 : f32
    %broadcast_in_dim3A_984 = vector.broadcast %broadcast_in_dim3A_983 : f32 to vector<16xf32>
    %swap3A_985 = arith.constant 123 : i32
    %swap3A_986 = arith.index_cast %swap3A_985 : i32 to index
    %swap3A_987 = arith.constant 0 : index
    %swap3A_988 = tpu.vector_load %arg5[%swap3A_986, %swap3A_987] {strides = array<i32>} : memref<125x16xf32, #tpu.memory_space<vmem>>, vector<1x16xf32>,
    %swap3A_989 = vector.shape_cast %swap3A_988 : vector<1x16xf32> to vector<16xf32>
    %swap3A_990 = vector.shape_cast %broadcast_in_dim3A_984 : vector<16xf32> to vector<1x16xf32>
    tpu.vector_store %arg5[%swap3A_986, %swap3A_987], %swap3A_990 {strides = array<i32>} : memref<125x16xf32, #tpu.memory_space<vmem>>, vector<1x16xf32>,
    %broadcast_in_dim3A_991 = arith.constant 1.000000e+00 : f32
    %broadcast_in_dim3A_992 = vector.broadcast %broadcast_in_dim3A_991 : f32 to vector<16xf32>
    %swap3A_993 = arith.constant 124 : i32
    %swap3A_994 = arith.index_cast %swap3A_993 : i32 to index
    %swap3A_995 = arith.constant 0 : index
    %swap3A_996 = tpu.vector_load %arg5[%swap3A_994, %swap3A_995] {strides = array<i32>} : memref<125x16xf32, #tpu.memory_space<vmem>>, vector<1x16xf32>,
    %swap3A_997 = vector.shape_cast %swap3A_996 : vector<1x16xf32> to vector<16xf32>
    %swap3A_998 = vector.shape_cast %broadcast_in_dim3A_992 : vector<16xf32> to vector<1x16xf32>
    tpu.vector_store %arg5[%swap3A_994, %swap3A_995], %swap3A_998 {strides = array<i32>} : memref<125x16xf32, #tpu.memory_space<vmem>>, vector<1x16xf32>,
    %mul3A_999 = arith.constant 328 : i32
    %mul3A_1000 = arith.muli %arg1, %mul3A_999 : i32
    "tpu.region"() ({
      %run_scoped3A = tpu.sem_alloc : memref<!tpu.dma_semaphore, #tpu.memory_space<semaphore_mem>>
      %dma_start3A = arith.constant 0 : i32
      %dma_start3A_1010 = tpu.memref_slice %arg6[%mul3A_1000, %dma_start3A] : memref<5248x16xf32, #tpu.memory_space<vmem_shared>> -> memref<125x16xf32, #tpu.memory_space<vmem_shared>>
      %dma_start3A_1011 = arith.constant 0 : i32
      %dma_start3A_1012 = tpu.memref_slice %arg6[%mul3A_1000, %dma_start3A_1011] : memref<5248x16xf32, #tpu.memory_space<vmem_shared>> -> memref<125x16xf32, #tpu.memory_space<vmem_shared>>
      tpu.enqueue_dma source(%arg5 : memref<125x16xf32, #tpu.memory_space<vmem>>) target(%dma_start3A_1012 : memref<125x16xf32, #tpu.memory_space<vmem_shared>>) target_semaphore(%run_scoped3A : memref<!tpu.dma_semaphore, #tpu.memory_space<semaphore_mem>>)
      %dma_wait3A = arith.constant 0 : i32
      %dma_wait3A_1013 = tpu.memref_slice %arg6[%mul3A_1000, %dma_wait3A] : memref<5248x16xf32, #tpu.memory_space<vmem_shared>> -> memref<125x16xf32, #tpu.memory_space<vmem_shared>>
      %dma_wait3A_1014 = arith.constant 0 : i32
      %dma_wait3A_1015 = tpu.memref_slice %arg6[%mul3A_1000, %dma_wait3A_1014] : memref<5248x16xf32, #tpu.memory_space<vmem_shared>> -> memref<125x16xf32, #tpu.memory_space<vmem_shared>>
      tpu.wait_dma2 semaphore(%run_scoped3A : memref<!tpu.dma_semaphore, #tpu.memory_space<semaphore_mem>>) src(%arg5 : memref<125x16xf32, #tpu.memory_space<vmem>>) dst(%dma_wait3A_1015 : memref<125x16xf32, #tpu.memory_space<vmem_shared>>)
      tpu.yield
    }) : () -> ()
    %add3A = arith.constant 125 : i32
    %add3A_1001 = arith.addi %mul3A_1000, %add3A : i32
    "tpu.region"() ({
      %run_scoped3A = tpu.sem_alloc : memref<!tpu.dma_semaphore, #tpu.memory_space<semaphore_mem>>
      %dma_start3A = arith.constant 0 : i32
      %dma_start3A_1010 = tpu.memref_slice %arg6[%add3A_1001, %dma_start3A] : memref<5248x16xf32, #tpu.memory_space<vmem_shared>> -> memref<125x16xf32, #tpu.memory_space<vmem_shared>>
      %dma_start3A_1011 = arith.constant 0 : i32
      %dma_start3A_1012 = tpu.memref_slice %arg6[%add3A_1001, %dma_start3A_1011] : memref<5248x16xf32, #tpu.memory_space<vmem_shared>> -> memref<125x16xf32, #tpu.memory_space<vmem_shared>>
      tpu.enqueue_dma source(%arg5 : memref<125x16xf32, #tpu.memory_space<vmem>>) target(%dma_start3A_1012 : memref<125x16xf32, #tpu.memory_space<vmem_shared>>) target_semaphore(%run_scoped3A : memref<!tpu.dma_semaphore, #tpu.memory_space<semaphore_mem>>)
      %dma_wait3A = arith.constant 0 : i32
      %dma_wait3A_1013 = tpu.memref_slice %arg6[%add3A_1001, %dma_wait3A] : memref<5248x16xf32, #tpu.memory_space<vmem_shared>> -> memref<125x16xf32, #tpu.memory_space<vmem_shared>>
      %dma_wait3A_1014 = arith.constant 0 : i32
      %dma_wait3A_1015 = tpu.memref_slice %arg6[%add3A_1001, %dma_wait3A_1014] : memref<5248x16xf32, #tpu.memory_space<vmem_shared>> -> memref<125x16xf32, #tpu.memory_space<vmem_shared>>
      tpu.wait_dma2 semaphore(%run_scoped3A : memref<!tpu.dma_semaphore, #tpu.memory_space<semaphore_mem>>) src(%arg5 : memref<125x16xf32, #tpu.memory_space<vmem>>) dst(%dma_wait3A_1015 : memref<125x16xf32, #tpu.memory_space<vmem_shared>>)
      tpu.yield
    }) : () -> ()
    %add3A_1002 = arith.constant 250 : i32
    %add3A_1003 = arith.addi %mul3A_1000, %add3A_1002 : i32
    "tpu.region"() ({
      %run_scoped3A = tpu.sem_alloc : memref<!tpu.dma_semaphore, #tpu.memory_space<semaphore_mem>>
      %dma_start3A = arith.constant 0 : i32
      %dma_start3A_1010 = arith.constant 0 : i32
      %dma_start3A_1011 = tpu.memref_slice %arg5[%dma_start3A, %dma_start3A_1010] : memref<125x16xf32, #tpu.memory_space<vmem>> -> memref<78x16xf32, #tpu.memory_space<vmem>>
      %dma_start3A_1012 = arith.constant 0 : i32
      %dma_start3A_1013 = tpu.memref_slice %arg6[%add3A_1003, %dma_start3A_1012] : memref<5248x16xf32, #tpu.memory_space<vmem_shared>> -> memref<78x16xf32, #tpu.memory_space<vmem_shared>>
      %dma_start3A_1014 = arith.constant 0 : i32
      %dma_start3A_1015 = tpu.memref_slice %arg6[%add3A_1003, %dma_start3A_1014] : memref<5248x16xf32, #tpu.memory_space<vmem_shared>> -> memref<78x16xf32, #tpu.memory_space<vmem_shared>>
      %dma_start3A_1016 = arith.constant 0 : i32
      %dma_start3A_1017 = arith.constant 0 : i32
      %dma_start3A_1018 = tpu.memref_slice %arg5[%dma_start3A_1016, %dma_start3A_1017] : memref<125x16xf32, #tpu.memory_space<vmem>> -> memref<78x16xf32, #tpu.memory_space<vmem>>
      tpu.enqueue_dma source(%dma_start3A_1018 : memref<78x16xf32, #tpu.memory_space<vmem>>) target(%dma_start3A_1015 : memref<78x16xf32, #tpu.memory_space<vmem_shared>>) target_semaphore(%run_scoped3A : memref<!tpu.dma_semaphore, #tpu.memory_space<semaphore_mem>>)
      %dma_wait3A = arith.constant 0 : i32
      %dma_wait3A_1019 = arith.constant 0 : i32
      %dma_wait3A_1020 = tpu.memref_slice %arg5[%dma_wait3A, %dma_wait3A_1019] : memref<125x16xf32, #tpu.memory_space<vmem>> -> memref<78x16xf32, #tpu.memory_space<vmem>>
      %dma_wait3A_1021 = arith.constant 0 : i32
      %dma_wait3A_1022 = tpu.memref_slice %arg6[%add3A_1003, %dma_wait3A_1021] : memref<5248x16xf32, #tpu.memory_space<vmem_shared>> -> memref<78x16xf32, #tpu.memory_space<vmem_shared>>
      %dma_wait3A_1023 = arith.constant 0 : i32
      %dma_wait3A_1024 = tpu.memref_slice %arg6[%add3A_1003, %dma_wait3A_1023] : memref<5248x16xf32, #tpu.memory_space<vmem_shared>> -> memref<78x16xf32, #tpu.memory_space<vmem_shared>>
      %dma_wait3A_1025 = arith.constant 0 : i32
      %dma_wait3A_1026 = arith.constant 0 : i32
      %dma_wait3A_1027 = tpu.memref_slice %arg5[%dma_wait3A_1025, %dma_wait3A_1026] : memref<125x16xf32, #tpu.memory_space<vmem>> -> memref<78x16xf32, #tpu.memory_space<vmem>>
      tpu.wait_dma2 semaphore(%run_scoped3A : memref<!tpu.dma_semaphore, #tpu.memory_space<semaphore_mem>>) src(%dma_wait3A_1027 : memref<78x16xf32, #tpu.memory_space<vmem>>) dst(%dma_wait3A_1024 : memref<78x16xf32, #tpu.memory_space<vmem_shared>>)
      tpu.yield
    }) : () -> ()
    %barrier3A = arith.constant 0 : index
    tpu.barrier barrier_id(%barrier3A)
    %scan3A = arith.constant 0 : i32
    %scan3A_1004 = arith.constant 0 : i32
    %scan3A_1005 = arith.constant 160 : i32
    %scan3A_1006 = arith.addi %scan3A_1004, %scan3A_1005 : i32
    %scan3A_1007 = arith.constant 1 : i32
    scf.for %scan3A_1010 = %scan3A_1004 to %scan3A_1006 step %scan3A_1007  : i32 {
      "tpu.region"() ({
        %run_scoped3A = tpu.sem_alloc : memref<!tpu.dma_semaphore, #tpu.memory_space<semaphore_mem>>
        %dma_start3A = arith.constant 0 : i32
        %dma_start3A_1011 = tpu.memref_slice %arg4[%scan3A_1010, %dma_start3A] : memref<160x125xi32, #tpu.memory_space<vmem>> -> memref<1x125xi32, #tpu.memory_space<vmem>>
        %dma_start3A_1012 = tpu.memref_squeeze %dma_start3A_1011 : memref<1x125xi32, #tpu.memory_space<vmem>> -> memref<125xi32, #tpu.memory_space<vmem>>
        %dma_start3A_1013 = arith.constant 0 : i32
        %dma_start3A_1014 = arith.constant 0 : i32
        %dma_start3A_1015 = tpu.memref_slice %arg6[%dma_start3A_1013, %dma_start3A_1014] : memref<5248x16xf32, #tpu.memory_space<vmem_shared>> -> memref<5248x16xf32, #tpu.memory_space<vmem_shared>>
        tpu.enqueue_indirect_dma source(%arg5 : memref<125x16xf32, #tpu.memory_space<vmem>>) target(%dma_start3A_1015 : memref<5248x16xf32, #tpu.memory_space<vmem_shared>>) offsets(%dma_start3A_1012 : memref<125xi32, #tpu.memory_space<vmem>>) semaphore(%run_scoped3A : memref<!tpu.dma_semaphore, #tpu.memory_space<semaphore_mem>>) {add = true}
        %dma_wait3A = arith.constant 0 : i32
        %dma_wait3A_1016 = tpu.memref_slice %arg4[%scan3A_1010, %dma_wait3A] : memref<160x125xi32, #tpu.memory_space<vmem>> -> memref<1x125xi32, #tpu.memory_space<vmem>>
        %dma_wait3A_1017 = tpu.memref_squeeze %dma_wait3A_1016 : memref<1x125xi32, #tpu.memory_space<vmem>> -> memref<125xi32, #tpu.memory_space<vmem>>
        %dma_wait3A_1018 = arith.constant 0 : i32
        %dma_wait3A_1019 = arith.constant 0 : i32
        %dma_wait3A_1020 = tpu.memref_slice %arg6[%dma_wait3A_1018, %dma_wait3A_1019] : memref<5248x16xf32, #tpu.memory_space<vmem_shared>> -> memref<5248x16xf32, #tpu.memory_space<vmem_shared>>
        tpu.wait_indirect_dma semaphore(%run_scoped3A : memref<!tpu.dma_semaphore, #tpu.memory_space<semaphore_mem>>) src(%arg5 : memref<125x16xf32, #tpu.memory_space<vmem>>) dst(%dma_wait3A_1020 : memref<5248x16xf32, #tpu.memory_space<vmem_shared>>)
        tpu.yield
      }) : () -> ()
    }
    %scan3A_1008 = arith.constant 160 : i32
    %barrier3A_1009 = arith.constant 0 : index
    tpu.barrier barrier_id(%barrier3A_1009)
    "tpu.region"() ({
      %run_scoped3A = tpu.sem_alloc : memref<!tpu.dma_semaphore, #tpu.memory_space<semaphore_mem>>
      %dma_start3A = arith.constant 0 : i32
      %dma_start3A_1010 = tpu.memref_slice %arg3[%arg0, %mul3A_1000, %dma_start3A] : memref<2x5248x16xf32, #tpu.memory_space<hbm>> -> memref<1x328x16xf32, #tpu.memory_space<hbm>>
      %dma_start3A_1011 = tpu.memref_squeeze %dma_start3A_1010 : memref<1x328x16xf32, #tpu.memory_space<hbm>> -> memref<328x16xf32, #tpu.memory_space<hbm>>
      %dma_start3A_1012 = arith.constant 0 : i32
      %dma_start3A_1013 = tpu.memref_slice %arg6[%mul3A_1000, %dma_start3A_1012] : memref<5248x16xf32, #tpu.memory_space<vmem_shared>> -> memref<328x16xf32, #tpu.memory_space<vmem_shared>>
      tpu.enqueue_dma source(%dma_start3A_1013 : memref<328x16xf32, #tpu.memory_space<vmem_shared>>) target(%dma_start3A_1011 : memref<328x16xf32, #tpu.memory_space<hbm>>) target_semaphore(%run_scoped3A : memref<!tpu.dma_semaphore, #tpu.memory_space<semaphore_mem>>)
      %dma_wait3A = arith.constant 0 : i32
      %dma_wait3A_1014 = tpu.memref_slice %arg3[%arg0, %mul3A_1000, %dma_wait3A] : memref<2x5248x16xf32, #tpu.memory_space<hbm>> -> memref<1x328x16xf32, #tpu.memory_space<hbm>>
      %dma_wait3A_1015 = tpu.memref_squeeze %dma_wait3A_1014 : memref<1x328x16xf32, #tpu.memory_space<hbm>> -> memref<328x16xf32, #tpu.memory_space<hbm>>
      %dma_wait3A_1016 = arith.constant 0 : i32
      %dma_wait3A_1017 = tpu.memref_slice %arg6[%mul3A_1000, %dma_wait3A_1016] : memref<5248x16xf32, #tpu.memory_space<vmem_shared>> -> memref<328x16xf32, #tpu.memory_space<vmem_shared>>
      tpu.wait_dma2 semaphore(%run_scoped3A : memref<!tpu.dma_semaphore, #tpu.memory_space<semaphore_mem>>) src(%dma_wait3A_1017 : memref<328x16xf32, #tpu.memory_space<vmem_shared>>) dst(%dma_wait3A_1015 : memref<328x16xf32, #tpu.memory_space<hbm>>)
      tpu.yield
    }) : () -> ()
    return
  }
}

#map = affine_map<(d0, d1) -> (0, 0)>
#map1 = affine_map<(d0, d1) -> (0, 0, 0)>
#map2 = affine_map<(d0, d1) -> (0, 0, 0, 0)>
module attributes {stable_mosaic.version = 14 : i64} {
  func.func @_seg1_body(%arg0: i32, %arg1: i32, %arg2: memref<10240x128xf32, #tpu.memory_space<hbm>>, %arg3: memref<2560x125xi32, #tpu.memory_space<hbm>>, %arg4: memref<2x2560x125xi32, #tpu.memory_space<hbm>>, %arg5: memref<2x2x5120x128xf32, #tpu.memory_space<hbm>>, %arg6: memref<80x125xi32, #tpu.memory_space<vmem>>, %arg7: memref<80x125xi32, #tpu.memory_space<vmem>>, %arg8: memref<125x128xf32, #tpu.memory_space<vmem>>, %arg9: memref<125x128xf32, #tpu.memory_space<vmem>>, %arg10: memref<5248x128xf32, #tpu.memory_space<vmem_shared>>, %arg11: memref<!tpu.dma_semaphore, #tpu.memory_space<semaphore_mem>>, %arg12: memref<!tpu.dma_semaphore, #tpu.memory_space<semaphore_mem>>) attributes {dimension_semantics = [#tpu.dimension_semantics<core_parallel>, #tpu.dimension_semantics<subcore_parallel>], iteration_bounds = array<i64: 2, 16>, scalar_prefetch = 0 : i64, scratch_operands = 7 : i64, tpu.core_type = #tpu.core_type<sc_vector_subcore>, window_params = [{transform_indices = #map}, {transform_indices = #map}, {transform_indices = #map1}, {transform_indices = #map2}]} {
    %mul3A = arith.constant 16 : i32
    %mul3A_0 = arith.muli %arg0, %mul3A : i32
    %add3A = arith.addi %mul3A_0, %arg1 : i32
    %mul3A_1 = arith.constant 80 : i32
    %mul3A_2 = arith.muli %add3A, %mul3A_1 : i32
    "tpu.region"() ({
      %run_scoped3A_70 = tpu.sem_alloc : memref<!tpu.dma_semaphore, #tpu.memory_space<semaphore_mem>>
      %dma_start3A_71 = arith.constant 0 : i32
      %dma_start3A_72 = tpu.memref_slice %arg3[%mul3A_2, %dma_start3A_71] : memref<2560x125xi32, #tpu.memory_space<hbm>> -> memref<80x125xi32, #tpu.memory_space<hbm>>
      %dma_start3A_73 = arith.constant 0 : i32
      %dma_start3A_74 = tpu.memref_slice %arg3[%mul3A_2, %dma_start3A_73] : memref<2560x125xi32, #tpu.memory_space<hbm>> -> memref<80x125xi32, #tpu.memory_space<hbm>>
      tpu.enqueue_dma source(%dma_start3A_74 : memref<80x125xi32, #tpu.memory_space<hbm>>) target(%arg6 : memref<80x125xi32, #tpu.memory_space<vmem>>) target_semaphore(%run_scoped3A_70 : memref<!tpu.dma_semaphore, #tpu.memory_space<semaphore_mem>>)
      %dma_wait3A_75 = arith.constant 0 : i32
      %dma_wait3A_76 = tpu.memref_slice %arg3[%mul3A_2, %dma_wait3A_75] : memref<2560x125xi32, #tpu.memory_space<hbm>> -> memref<80x125xi32, #tpu.memory_space<hbm>>
      %dma_wait3A_77 = arith.constant 0 : i32
      %dma_wait3A_78 = tpu.memref_slice %arg3[%mul3A_2, %dma_wait3A_77] : memref<2560x125xi32, #tpu.memory_space<hbm>> -> memref<80x125xi32, #tpu.memory_space<hbm>>
      tpu.wait_dma2 semaphore(%run_scoped3A_70 : memref<!tpu.dma_semaphore, #tpu.memory_space<semaphore_mem>>) src(%dma_wait3A_78 : memref<80x125xi32, #tpu.memory_space<hbm>>) dst(%arg6 : memref<80x125xi32, #tpu.memory_space<vmem>>)
      tpu.yield
    }) : () -> ()
    %mul3A_3 = arith.constant 80 : i32
    %mul3A_4 = arith.muli %add3A, %mul3A_3 : i32
    %run_scoped3A = arith.constant 0 : i32
    "tpu.region"() ({
      %run_scoped3A_70 = tpu.sem_alloc : memref<!tpu.dma_semaphore, #tpu.memory_space<semaphore_mem>>
      %dma_start3A_71 = arith.constant 0 : i32
      %dma_start3A_72 = tpu.memref_slice %arg4[%run_scoped3A, %mul3A_4, %dma_start3A_71] : memref<2x2560x125xi32, #tpu.memory_space<hbm>> -> memref<1x80x125xi32, #tpu.memory_space<hbm>>
      %dma_start3A_73 = tpu.memref_squeeze %dma_start3A_72 : memref<1x80x125xi32, #tpu.memory_space<hbm>> -> memref<80x125xi32, #tpu.memory_space<hbm>>
      %dma_start3A_74 = arith.constant 0 : i32
      %dma_start3A_75 = tpu.memref_slice %arg4[%run_scoped3A, %mul3A_4, %dma_start3A_74] : memref<2x2560x125xi32, #tpu.memory_space<hbm>> -> memref<1x80x125xi32, #tpu.memory_space<hbm>>
      %dma_start3A_76 = tpu.memref_squeeze %dma_start3A_75 : memref<1x80x125xi32, #tpu.memory_space<hbm>> -> memref<80x125xi32, #tpu.memory_space<hbm>>
      tpu.enqueue_dma source(%dma_start3A_76 : memref<80x125xi32, #tpu.memory_space<hbm>>) target(%arg7 : memref<80x125xi32, #tpu.memory_space<vmem>>) target_semaphore(%run_scoped3A_70 : memref<!tpu.dma_semaphore, #tpu.memory_space<semaphore_mem>>)
      %dma_wait3A_77 = arith.constant 0 : i32
      %dma_wait3A_78 = tpu.memref_slice %arg4[%run_scoped3A, %mul3A_4, %dma_wait3A_77] : memref<2x2560x125xi32, #tpu.memory_space<hbm>> -> memref<1x80x125xi32, #tpu.memory_space<hbm>>
      %dma_wait3A_79 = tpu.memref_squeeze %dma_wait3A_78 : memref<1x80x125xi32, #tpu.memory_space<hbm>> -> memref<80x125xi32, #tpu.memory_space<hbm>>
      %dma_wait3A_80 = arith.constant 0 : i32
      %dma_wait3A_81 = tpu.memref_slice %arg4[%run_scoped3A, %mul3A_4, %dma_wait3A_80] : memref<2x2560x125xi32, #tpu.memory_space<hbm>> -> memref<1x80x125xi32, #tpu.memory_space<hbm>>
      %dma_wait3A_82 = tpu.memref_squeeze %dma_wait3A_81 : memref<1x80x125xi32, #tpu.memory_space<hbm>> -> memref<80x125xi32, #tpu.memory_space<hbm>>
      tpu.wait_dma2 semaphore(%run_scoped3A_70 : memref<!tpu.dma_semaphore, #tpu.memory_space<semaphore_mem>>) src(%dma_wait3A_82 : memref<80x125xi32, #tpu.memory_space<hbm>>) dst(%arg7 : memref<80x125xi32, #tpu.memory_space<vmem>>)
      tpu.yield
    }) : () -> ()
    %mul3A_5 = arith.constant 320 : i32
    %mul3A_6 = arith.muli %arg1, %mul3A_5 : i32
    %add3A_7 = arith.constant 0 : i32
    %add3A_8 = arith.addi %add3A_7, %mul3A_6 : i32
    %mul3A_9 = arith.constant 320 : i32
    %mul3A_10 = arith.muli %arg1, %mul3A_9 : i32
    "tpu.region"() ({
      %run_scoped3A_70 = tpu.sem_alloc : memref<!tpu.dma_semaphore, #tpu.memory_space<semaphore_mem>>
      %dma_start3A_71 = arith.constant 0 : i32
      %dma_start3A_72 = tpu.memref_slice %arg10[%mul3A_10, %dma_start3A_71] : memref<5248x128xf32, #tpu.memory_space<vmem_shared>> -> memref<320x128xf32, #tpu.memory_space<vmem_shared>>
      %dma_start3A_73 = arith.constant 0 : i32
      %dma_start3A_74 = tpu.memref_slice %arg2[%add3A_8, %dma_start3A_73] : memref<10240x128xf32, #tpu.memory_space<hbm>> -> memref<320x128xf32, #tpu.memory_space<hbm>>
      tpu.enqueue_dma source(%dma_start3A_74 : memref<320x128xf32, #tpu.memory_space<hbm>>) target(%dma_start3A_72 : memref<320x128xf32, #tpu.memory_space<vmem_shared>>) target_semaphore(%run_scoped3A_70 : memref<!tpu.dma_semaphore, #tpu.memory_space<semaphore_mem>>)
      %dma_wait3A_75 = arith.constant 0 : i32
      %dma_wait3A_76 = tpu.memref_slice %arg10[%mul3A_10, %dma_wait3A_75] : memref<5248x128xf32, #tpu.memory_space<vmem_shared>> -> memref<320x128xf32, #tpu.memory_space<vmem_shared>>
      %dma_wait3A_77 = arith.constant 0 : i32
      %dma_wait3A_78 = tpu.memref_slice %arg2[%add3A_8, %dma_wait3A_77] : memref<10240x128xf32, #tpu.memory_space<hbm>> -> memref<320x128xf32, #tpu.memory_space<hbm>>
      tpu.wait_dma2 semaphore(%run_scoped3A_70 : memref<!tpu.dma_semaphore, #tpu.memory_space<semaphore_mem>>) src(%dma_wait3A_78 : memref<320x128xf32, #tpu.memory_space<hbm>>) dst(%dma_wait3A_76 : memref<320x128xf32, #tpu.memory_space<vmem_shared>>)
      tpu.yield
    }) : () -> ()
    %barrier3A = arith.constant 0 : index
    tpu.barrier barrier_id(%barrier3A)
    %dma_start3A = arith.constant 0 : i32
    %dma_start3A_11 = arith.constant 0 : i32
    %dma_start3A_12 = tpu.memref_slice %arg6[%dma_start3A, %dma_start3A_11] : memref<80x125xi32, #tpu.memory_space<vmem>> -> memref<1x125xi32, #tpu.memory_space<vmem>>
    %dma_start3A_13 = tpu.memref_squeeze %dma_start3A_12 : memref<1x125xi32, #tpu.memory_space<vmem>> -> memref<125xi32, #tpu.memory_space<vmem>>
    %dma_start3A_14 = arith.constant 0 : i32
    %dma_start3A_15 = arith.constant 0 : i32
    %dma_start3A_16 = tpu.memref_slice %arg2[%dma_start3A_14, %dma_start3A_15] : memref<10240x128xf32, #tpu.memory_space<hbm>> -> memref<10240x128xf32, #tpu.memory_space<hbm>>
    tpu.enqueue_indirect_dma source(%dma_start3A_16 : memref<10240x128xf32, #tpu.memory_space<hbm>>) target(%arg8 : memref<125x128xf32, #tpu.memory_space<vmem>>) offsets(%dma_start3A_13 : memref<125xi32, #tpu.memory_space<vmem>>) semaphore(%arg11 : memref<!tpu.dma_semaphore, #tpu.memory_space<semaphore_mem>>)
    %scan3A = arith.constant 0 : i32
    %scan3A_17 = arith.constant 0 : i32
    %scan3A_18 = arith.constant 40 : i32
    %scan3A_19 = arith.addi %scan3A_17, %scan3A_18 : i32
    %scan3A_20 = arith.constant 1 : i32
    scf.for %scan3A_70 = %scan3A_17 to %scan3A_19 step %scan3A_20  : i32 {
      %mul3A_71 = arith.constant 2 : i32
      %mul3A_72 = arith.muli %mul3A_71, %scan3A_70 : i32
      %add3A_73 = arith.constant 1 : i32
      %add3A_74 = arith.addi %mul3A_72, %add3A_73 : i32
      %add3A_75 = arith.constant 2 : i32
      %add3A_76 = arith.addi %mul3A_72, %add3A_75 : i32
      %min3A = arith.constant 79 : i32
      %min3A_77 = arith.minsi %add3A_76, %min3A : i32
      %dma_wait3A_78 = arith.constant 0 : i32
      %dma_wait3A_79 = tpu.memref_slice %arg6[%mul3A_72, %dma_wait3A_78] : memref<80x125xi32, #tpu.memory_space<vmem>> -> memref<1x125xi32, #tpu.memory_space<vmem>>
      %dma_wait3A_80 = tpu.memref_squeeze %dma_wait3A_79 : memref<1x125xi32, #tpu.memory_space<vmem>> -> memref<125xi32, #tpu.memory_space<vmem>>
      %dma_wait3A_81 = arith.constant 0 : i32
      %dma_wait3A_82 = arith.constant 0 : i32
      %dma_wait3A_83 = tpu.memref_slice %arg2[%dma_wait3A_81, %dma_wait3A_82] : memref<10240x128xf32, #tpu.memory_space<hbm>> -> memref<10240x128xf32, #tpu.memory_space<hbm>>
      tpu.wait_indirect_dma semaphore(%arg11 : memref<!tpu.dma_semaphore, #tpu.memory_space<semaphore_mem>>) src(%dma_wait3A_83 : memref<10240x128xf32, #tpu.memory_space<hbm>>) dst(%arg8 : memref<125x128xf32, #tpu.memory_space<vmem>>)
      %dma_start3A_84 = arith.constant 0 : i32
      %dma_start3A_85 = tpu.memref_slice %arg6[%add3A_74, %dma_start3A_84] : memref<80x125xi32, #tpu.memory_space<vmem>> -> memref<1x125xi32, #tpu.memory_space<vmem>>
      %dma_start3A_86 = tpu.memref_squeeze %dma_start3A_85 : memref<1x125xi32, #tpu.memory_space<vmem>> -> memref<125xi32, #tpu.memory_space<vmem>>
      %dma_start3A_87 = arith.constant 0 : i32
      %dma_start3A_88 = arith.constant 0 : i32
      %dma_start3A_89 = tpu.memref_slice %arg2[%dma_start3A_87, %dma_start3A_88] : memref<10240x128xf32, #tpu.memory_space<hbm>> -> memref<10240x128xf32, #tpu.memory_space<hbm>>
      tpu.enqueue_indirect_dma source(%dma_start3A_89 : memref<10240x128xf32, #tpu.memory_space<hbm>>) target(%arg9 : memref<125x128xf32, #tpu.memory_space<vmem>>) offsets(%dma_start3A_86 : memref<125xi32, #tpu.memory_space<vmem>>) semaphore(%arg12 : memref<!tpu.dma_semaphore, #tpu.memory_space<semaphore_mem>>)
      "tpu.region"() ({
        %run_scoped3A_102 = tpu.sem_alloc : memref<!tpu.dma_semaphore, #tpu.memory_space<semaphore_mem>>
        %dma_start3A_103 = arith.constant 0 : i32
        %dma_start3A_104 = tpu.memref_slice %arg7[%mul3A_72, %dma_start3A_103] : memref<80x125xi32, #tpu.memory_space<vmem>> -> memref<1x125xi32, #tpu.memory_space<vmem>>
        %dma_start3A_105 = tpu.memref_squeeze %dma_start3A_104 : memref<1x125xi32, #tpu.memory_space<vmem>> -> memref<125xi32, #tpu.memory_space<vmem>>
        %dma_start3A_106 = arith.constant 0 : i32
        %dma_start3A_107 = arith.constant 0 : i32
        %dma_start3A_108 = tpu.memref_slice %arg10[%dma_start3A_106, %dma_start3A_107] : memref<5248x128xf32, #tpu.memory_space<vmem_shared>> -> memref<5248x128xf32, #tpu.memory_space<vmem_shared>>
        tpu.enqueue_indirect_dma source(%arg8 : memref<125x128xf32, #tpu.memory_space<vmem>>) target(%dma_start3A_108 : memref<5248x128xf32, #tpu.memory_space<vmem_shared>>) offsets(%dma_start3A_105 : memref<125xi32, #tpu.memory_space<vmem>>) semaphore(%run_scoped3A_102 : memref<!tpu.dma_semaphore, #tpu.memory_space<semaphore_mem>>) {add = true}
        %dma_wait3A_109 = arith.constant 0 : i32
        %dma_wait3A_110 = tpu.memref_slice %arg7[%mul3A_72, %dma_wait3A_109] : memref<80x125xi32, #tpu.memory_space<vmem>> -> memref<1x125xi32, #tpu.memory_space<vmem>>
        %dma_wait3A_111 = tpu.memref_squeeze %dma_wait3A_110 : memref<1x125xi32, #tpu.memory_space<vmem>> -> memref<125xi32, #tpu.memory_space<vmem>>
        %dma_wait3A_112 = arith.constant 0 : i32
        %dma_wait3A_113 = arith.constant 0 : i32
        %dma_wait3A_114 = tpu.memref_slice %arg10[%dma_wait3A_112, %dma_wait3A_113] : memref<5248x128xf32, #tpu.memory_space<vmem_shared>> -> memref<5248x128xf32, #tpu.memory_space<vmem_shared>>
        tpu.wait_indirect_dma semaphore(%run_scoped3A_102 : memref<!tpu.dma_semaphore, #tpu.memory_space<semaphore_mem>>) src(%arg8 : memref<125x128xf32, #tpu.memory_space<vmem>>) dst(%dma_wait3A_114 : memref<5248x128xf32, #tpu.memory_space<vmem_shared>>)
        tpu.yield
      }) : () -> ()
      %dma_wait3A_90 = arith.constant 0 : i32
      %dma_wait3A_91 = tpu.memref_slice %arg6[%add3A_74, %dma_wait3A_90] : memref<80x125xi32, #tpu.memory_space<vmem>> -> memref<1x125xi32, #tpu.memory_space<vmem>>
      %dma_wait3A_92 = tpu.memref_squeeze %dma_wait3A_91 : memref<1x125xi32, #tpu.memory_space<vmem>> -> memref<125xi32, #tpu.memory_space<vmem>>
      %dma_wait3A_93 = arith.constant 0 : i32
      %dma_wait3A_94 = arith.constant 0 : i32
      %dma_wait3A_95 = tpu.memref_slice %arg2[%dma_wait3A_93, %dma_wait3A_94] : memref<10240x128xf32, #tpu.memory_space<hbm>> -> memref<10240x128xf32, #tpu.memory_space<hbm>>
      tpu.wait_indirect_dma semaphore(%arg12 : memref<!tpu.dma_semaphore, #tpu.memory_space<semaphore_mem>>) src(%dma_wait3A_95 : memref<10240x128xf32, #tpu.memory_space<hbm>>) dst(%arg9 : memref<125x128xf32, #tpu.memory_space<vmem>>)
      %dma_start3A_96 = arith.constant 0 : i32
      %dma_start3A_97 = tpu.memref_slice %arg6[%min3A_77, %dma_start3A_96] : memref<80x125xi32, #tpu.memory_space<vmem>> -> memref<1x125xi32, #tpu.memory_space<vmem>>
      %dma_start3A_98 = tpu.memref_squeeze %dma_start3A_97 : memref<1x125xi32, #tpu.memory_space<vmem>> -> memref<125xi32, #tpu.memory_space<vmem>>
      %dma_start3A_99 = arith.constant 0 : i32
      %dma_start3A_100 = arith.constant 0 : i32
      %dma_start3A_101 = tpu.memref_slice %arg2[%dma_start3A_99, %dma_start3A_100] : memref<10240x128xf32, #tpu.memory_space<hbm>> -> memref<10240x128xf32, #tpu.memory_space<hbm>>
      tpu.enqueue_indirect_dma source(%dma_start3A_101 : memref<10240x128xf32, #tpu.memory_space<hbm>>) target(%arg8 : memref<125x128xf32, #tpu.memory_space<vmem>>) offsets(%dma_start3A_98 : memref<125xi32, #tpu.memory_space<vmem>>) semaphore(%arg11 : memref<!tpu.dma_semaphore, #tpu.memory_space<semaphore_mem>>)
      "tpu.region"() ({
        %run_scoped3A_102 = tpu.sem_alloc : memref<!tpu.dma_semaphore, #tpu.memory_space<semaphore_mem>>
        %dma_start3A_103 = arith.constant 0 : i32
        %dma_start3A_104 = tpu.memref_slice %arg7[%add3A_74, %dma_start3A_103] : memref<80x125xi32, #tpu.memory_space<vmem>> -> memref<1x125xi32, #tpu.memory_space<vmem>>
        %dma_start3A_105 = tpu.memref_squeeze %dma_start3A_104 : memref<1x125xi32, #tpu.memory_space<vmem>> -> memref<125xi32, #tpu.memory_space<vmem>>
        %dma_start3A_106 = arith.constant 0 : i32
        %dma_start3A_107 = arith.constant 0 : i32
        %dma_start3A_108 = tpu.memref_slice %arg10[%dma_start3A_106, %dma_start3A_107] : memref<5248x128xf32, #tpu.memory_space<vmem_shared>> -> memref<5248x128xf32, #tpu.memory_space<vmem_shared>>
        tpu.enqueue_indirect_dma source(%arg9 : memref<125x128xf32, #tpu.memory_space<vmem>>) target(%dma_start3A_108 : memref<5248x128xf32, #tpu.memory_space<vmem_shared>>) offsets(%dma_start3A_105 : memref<125xi32, #tpu.memory_space<vmem>>) semaphore(%run_scoped3A_102 : memref<!tpu.dma_semaphore, #tpu.memory_space<semaphore_mem>>) {add = true}
        %dma_wait3A_109 = arith.constant 0 : i32
        %dma_wait3A_110 = tpu.memref_slice %arg7[%add3A_74, %dma_wait3A_109] : memref<80x125xi32, #tpu.memory_space<vmem>> -> memref<1x125xi32, #tpu.memory_space<vmem>>
        %dma_wait3A_111 = tpu.memref_squeeze %dma_wait3A_110 : memref<1x125xi32, #tpu.memory_space<vmem>> -> memref<125xi32, #tpu.memory_space<vmem>>
        %dma_wait3A_112 = arith.constant 0 : i32
        %dma_wait3A_113 = arith.constant 0 : i32
        %dma_wait3A_114 = tpu.memref_slice %arg10[%dma_wait3A_112, %dma_wait3A_113] : memref<5248x128xf32, #tpu.memory_space<vmem_shared>> -> memref<5248x128xf32, #tpu.memory_space<vmem_shared>>
        tpu.wait_indirect_dma semaphore(%run_scoped3A_102 : memref<!tpu.dma_semaphore, #tpu.memory_space<semaphore_mem>>) src(%arg9 : memref<125x128xf32, #tpu.memory_space<vmem>>) dst(%dma_wait3A_114 : memref<5248x128xf32, #tpu.memory_space<vmem_shared>>)
        tpu.yield
      }) : () -> ()
    }
    %scan3A_21 = arith.constant 40 : i32
    %dma_wait3A = arith.constant 79 : i32
    %dma_wait3A_22 = arith.constant 0 : i32
    %dma_wait3A_23 = tpu.memref_slice %arg6[%dma_wait3A, %dma_wait3A_22] : memref<80x125xi32, #tpu.memory_space<vmem>> -> memref<1x125xi32, #tpu.memory_space<vmem>>
    %dma_wait3A_24 = tpu.memref_squeeze %dma_wait3A_23 : memref<1x125xi32, #tpu.memory_space<vmem>> -> memref<125xi32, #tpu.memory_space<vmem>>
    %dma_wait3A_25 = arith.constant 0 : i32
    %dma_wait3A_26 = arith.constant 0 : i32
    %dma_wait3A_27 = tpu.memref_slice %arg2[%dma_wait3A_25, %dma_wait3A_26] : memref<10240x128xf32, #tpu.memory_space<hbm>> -> memref<10240x128xf32, #tpu.memory_space<hbm>>
    tpu.wait_indirect_dma semaphore(%arg11 : memref<!tpu.dma_semaphore, #tpu.memory_space<semaphore_mem>>) src(%dma_wait3A_27 : memref<10240x128xf32, #tpu.memory_space<hbm>>) dst(%arg8 : memref<125x128xf32, #tpu.memory_space<vmem>>)
    %barrier3A_28 = arith.constant 0 : index
    tpu.barrier barrier_id(%barrier3A_28)
    %mul3A_29 = arith.constant 320 : i32
    %mul3A_30 = arith.muli %arg1, %mul3A_29 : i32
    %mul3A_31 = arith.constant 320 : i32
    %mul3A_32 = arith.muli %arg1, %mul3A_31 : i32
    %run_scoped3A_33 = arith.constant 0 : i32
    "tpu.region"() ({
      %run_scoped3A_70 = tpu.sem_alloc : memref<!tpu.dma_semaphore, #tpu.memory_space<semaphore_mem>>
      %dma_start3A_71 = arith.constant 0 : i32
      %dma_start3A_72 = tpu.memref_slice %arg5[%arg0, %run_scoped3A_33, %mul3A_32, %dma_start3A_71] : memref<2x2x5120x128xf32, #tpu.memory_space<hbm>> -> memref<1x1x320x128xf32, #tpu.memory_space<hbm>>
      %dma_start3A_73 = tpu.memref_squeeze %dma_start3A_72 : memref<1x1x320x128xf32, #tpu.memory_space<hbm>> -> memref<320x128xf32, #tpu.memory_space<hbm>>
      %dma_start3A_74 = arith.constant 0 : i32
      %dma_start3A_75 = tpu.memref_slice %arg10[%mul3A_30, %dma_start3A_74] : memref<5248x128xf32, #tpu.memory_space<vmem_shared>> -> memref<320x128xf32, #tpu.memory_space<vmem_shared>>
      tpu.enqueue_dma source(%dma_start3A_75 : memref<320x128xf32, #tpu.memory_space<vmem_shared>>) target(%dma_start3A_73 : memref<320x128xf32, #tpu.memory_space<hbm>>) target_semaphore(%run_scoped3A_70 : memref<!tpu.dma_semaphore, #tpu.memory_space<semaphore_mem>>)
      %dma_wait3A_76 = arith.constant 0 : i32
      %dma_wait3A_77 = tpu.memref_slice %arg5[%arg0, %run_scoped3A_33, %mul3A_32, %dma_wait3A_76] : memref<2x2x5120x128xf32, #tpu.memory_space<hbm>> -> memref<1x1x320x128xf32, #tpu.memory_space<hbm>>
      %dma_wait3A_78 = tpu.memref_squeeze %dma_wait3A_77 : memref<1x1x320x128xf32, #tpu.memory_space<hbm>> -> memref<320x128xf32, #tpu.memory_space<hbm>>
      %dma_wait3A_79 = arith.constant 0 : i32
      %dma_wait3A_80 = tpu.memref_slice %arg10[%mul3A_30, %dma_wait3A_79] : memref<5248x128xf32, #tpu.memory_space<vmem_shared>> -> memref<320x128xf32, #tpu.memory_space<vmem_shared>>
      tpu.wait_dma2 semaphore(%run_scoped3A_70 : memref<!tpu.dma_semaphore, #tpu.memory_space<semaphore_mem>>) src(%dma_wait3A_80 : memref<320x128xf32, #tpu.memory_space<vmem_shared>>) dst(%dma_wait3A_78 : memref<320x128xf32, #tpu.memory_space<hbm>>)
      tpu.yield
    }) : () -> ()
    %mul3A_34 = arith.constant 80 : i32
    %mul3A_35 = arith.muli %add3A, %mul3A_34 : i32
    %run_scoped3A_36 = arith.constant 1 : i32
    "tpu.region"() ({
      %run_scoped3A_70 = tpu.sem_alloc : memref<!tpu.dma_semaphore, #tpu.memory_space<semaphore_mem>>
      %dma_start3A_71 = arith.constant 0 : i32
      %dma_start3A_72 = tpu.memref_slice %arg4[%run_scoped3A_36, %mul3A_35, %dma_start3A_71] : memref<2x2560x125xi32, #tpu.memory_space<hbm>> -> memref<1x80x125xi32, #tpu.memory_space<hbm>>
      %dma_start3A_73 = tpu.memref_squeeze %dma_start3A_72 : memref<1x80x125xi32, #tpu.memory_space<hbm>> -> memref<80x125xi32, #tpu.memory_space<hbm>>
      %dma_start3A_74 = arith.constant 0 : i32
      %dma_start3A_75 = tpu.memref_slice %arg4[%run_scoped3A_36, %mul3A_35, %dma_start3A_74] : memref<2x2560x125xi32, #tpu.memory_space<hbm>> -> memref<1x80x125xi32, #tpu.memory_space<hbm>>
      %dma_start3A_76 = tpu.memref_squeeze %dma_start3A_75 : memref<1x80x125xi32, #tpu.memory_space<hbm>> -> memref<80x125xi32, #tpu.memory_space<hbm>>
      tpu.enqueue_dma source(%dma_start3A_76 : memref<80x125xi32, #tpu.memory_space<hbm>>) target(%arg7 : memref<80x125xi32, #tpu.memory_space<vmem>>) target_semaphore(%run_scoped3A_70 : memref<!tpu.dma_semaphore, #tpu.memory_space<semaphore_mem>>)
      %dma_wait3A_77 = arith.constant 0 : i32
      %dma_wait3A_78 = tpu.memref_slice %arg4[%run_scoped3A_36, %mul3A_35, %dma_wait3A_77] : memref<2x2560x125xi32, #tpu.memory_space<hbm>> -> memref<1x80x125xi32, #tpu.memory_space<hbm>>
      %dma_wait3A_79 = tpu.memref_squeeze %dma_wait3A_78 : memref<1x80x125xi32, #tpu.memory_space<hbm>> -> memref<80x125xi32, #tpu.memory_space<hbm>>
      %dma_wait3A_80 = arith.constant 0 : i32
      %dma_wait3A_81 = tpu.memref_slice %arg4[%run_scoped3A_36, %mul3A_35, %dma_wait3A_80] : memref<2x2560x125xi32, #tpu.memory_space<hbm>> -> memref<1x80x125xi32, #tpu.memory_space<hbm>>
      %dma_wait3A_82 = tpu.memref_squeeze %dma_wait3A_81 : memref<1x80x125xi32, #tpu.memory_space<hbm>> -> memref<80x125xi32, #tpu.memory_space<hbm>>
      tpu.wait_dma2 semaphore(%run_scoped3A_70 : memref<!tpu.dma_semaphore, #tpu.memory_space<semaphore_mem>>) src(%dma_wait3A_82 : memref<80x125xi32, #tpu.memory_space<hbm>>) dst(%arg7 : memref<80x125xi32, #tpu.memory_space<vmem>>)
      tpu.yield
    }) : () -> ()
    %mul3A_37 = arith.constant 320 : i32
    %mul3A_38 = arith.muli %arg1, %mul3A_37 : i32
    %add3A_39 = arith.constant 5120 : i32
    %add3A_40 = arith.addi %add3A_39, %mul3A_38 : i32
    %mul3A_41 = arith.constant 320 : i32
    %mul3A_42 = arith.muli %arg1, %mul3A_41 : i32
    "tpu.region"() ({
      %run_scoped3A_70 = tpu.sem_alloc : memref<!tpu.dma_semaphore, #tpu.memory_space<semaphore_mem>>
      %dma_start3A_71 = arith.constant 0 : i32
      %dma_start3A_72 = tpu.memref_slice %arg10[%mul3A_42, %dma_start3A_71] : memref<5248x128xf32, #tpu.memory_space<vmem_shared>> -> memref<320x128xf32, #tpu.memory_space<vmem_shared>>
      %dma_start3A_73 = arith.constant 0 : i32
      %dma_start3A_74 = tpu.memref_slice %arg2[%add3A_40, %dma_start3A_73] : memref<10240x128xf32, #tpu.memory_space<hbm>> -> memref<320x128xf32, #tpu.memory_space<hbm>>
      tpu.enqueue_dma source(%dma_start3A_74 : memref<320x128xf32, #tpu.memory_space<hbm>>) target(%dma_start3A_72 : memref<320x128xf32, #tpu.memory_space<vmem_shared>>) target_semaphore(%run_scoped3A_70 : memref<!tpu.dma_semaphore, #tpu.memory_space<semaphore_mem>>)
      %dma_wait3A_75 = arith.constant 0 : i32
      %dma_wait3A_76 = tpu.memref_slice %arg10[%mul3A_42, %dma_wait3A_75] : memref<5248x128xf32, #tpu.memory_space<vmem_shared>> -> memref<320x128xf32, #tpu.memory_space<vmem_shared>>
      %dma_wait3A_77 = arith.constant 0 : i32
      %dma_wait3A_78 = tpu.memref_slice %arg2[%add3A_40, %dma_wait3A_77] : memref<10240x128xf32, #tpu.memory_space<hbm>> -> memref<320x128xf32, #tpu.memory_space<hbm>>
      tpu.wait_dma2 semaphore(%run_scoped3A_70 : memref<!tpu.dma_semaphore, #tpu.memory_space<semaphore_mem>>) src(%dma_wait3A_78 : memref<320x128xf32, #tpu.memory_space<hbm>>) dst(%dma_wait3A_76 : memref<320x128xf32, #tpu.memory_space<vmem_shared>>)
      tpu.yield
    }) : () -> ()
    %barrier3A_43 = arith.constant 0 : index
    tpu.barrier barrier_id(%barrier3A_43)
    %dma_start3A_44 = arith.constant 0 : i32
    %dma_start3A_45 = arith.constant 0 : i32
    %dma_start3A_46 = tpu.memref_slice %arg6[%dma_start3A_44, %dma_start3A_45] : memref<80x125xi32, #tpu.memory_space<vmem>> -> memref<1x125xi32, #tpu.memory_space<vmem>>
    %dma_start3A_47 = tpu.memref_squeeze %dma_start3A_46 : memref<1x125xi32, #tpu.memory_space<vmem>> -> memref<125xi32, #tpu.memory_space<vmem>>
    %dma_start3A_48 = arith.constant 0 : i32
    %dma_start3A_49 = arith.constant 0 : i32
    %dma_start3A_50 = tpu.memref_slice %arg2[%dma_start3A_48, %dma_start3A_49] : memref<10240x128xf32, #tpu.memory_space<hbm>> -> memref<10240x128xf32, #tpu.memory_space<hbm>>
    tpu.enqueue_indirect_dma source(%dma_start3A_50 : memref<10240x128xf32, #tpu.memory_space<hbm>>) target(%arg8 : memref<125x128xf32, #tpu.memory_space<vmem>>) offsets(%dma_start3A_47 : memref<125xi32, #tpu.memory_space<vmem>>) semaphore(%arg11 : memref<!tpu.dma_semaphore, #tpu.memory_space<semaphore_mem>>)
    %scan3A_51 = arith.constant 0 : i32
    %scan3A_52 = arith.constant 0 : i32
    %scan3A_53 = arith.constant 40 : i32
    %scan3A_54 = arith.addi %scan3A_52, %scan3A_53 : i32
    %scan3A_55 = arith.constant 1 : i32
    scf.for %scan3A_70 = %scan3A_52 to %scan3A_54 step %scan3A_55  : i32 {
      %mul3A_71 = arith.constant 2 : i32
      %mul3A_72 = arith.muli %mul3A_71, %scan3A_70 : i32
      %add3A_73 = arith.constant 1 : i32
      %add3A_74 = arith.addi %mul3A_72, %add3A_73 : i32
      %add3A_75 = arith.constant 2 : i32
      %add3A_76 = arith.addi %mul3A_72, %add3A_75 : i32
      %min3A = arith.constant 79 : i32
      %min3A_77 = arith.minsi %add3A_76, %min3A : i32
      %dma_wait3A_78 = arith.constant 0 : i32
      %dma_wait3A_79 = tpu.memref_slice %arg6[%mul3A_72, %dma_wait3A_78] : memref<80x125xi32, #tpu.memory_space<vmem>> -> memref<1x125xi32, #tpu.memory_space<vmem>>
      %dma_wait3A_80 = tpu.memref_squeeze %dma_wait3A_79 : memref<1x125xi32, #tpu.memory_space<vmem>> -> memref<125xi32, #tpu.memory_space<vmem>>
      %dma_wait3A_81 = arith.constant 0 : i32
      %dma_wait3A_82 = arith.constant 0 : i32
      %dma_wait3A_83 = tpu.memref_slice %arg2[%dma_wait3A_81, %dma_wait3A_82] : memref<10240x128xf32, #tpu.memory_space<hbm>> -> memref<10240x128xf32, #tpu.memory_space<hbm>>
      tpu.wait_indirect_dma semaphore(%arg11 : memref<!tpu.dma_semaphore, #tpu.memory_space<semaphore_mem>>) src(%dma_wait3A_83 : memref<10240x128xf32, #tpu.memory_space<hbm>>) dst(%arg8 : memref<125x128xf32, #tpu.memory_space<vmem>>)
      %dma_start3A_84 = arith.constant 0 : i32
      %dma_start3A_85 = tpu.memref_slice %arg6[%add3A_74, %dma_start3A_84] : memref<80x125xi32, #tpu.memory_space<vmem>> -> memref<1x125xi32, #tpu.memory_space<vmem>>
      %dma_start3A_86 = tpu.memref_squeeze %dma_start3A_85 : memref<1x125xi32, #tpu.memory_space<vmem>> -> memref<125xi32, #tpu.memory_space<vmem>>
      %dma_start3A_87 = arith.constant 0 : i32
      %dma_start3A_88 = arith.constant 0 : i32
      %dma_start3A_89 = tpu.memref_slice %arg2[%dma_start3A_87, %dma_start3A_88] : memref<10240x128xf32, #tpu.memory_space<hbm>> -> memref<10240x128xf32, #tpu.memory_space<hbm>>
      tpu.enqueue_indirect_dma source(%dma_start3A_89 : memref<10240x128xf32, #tpu.memory_space<hbm>>) target(%arg9 : memref<125x128xf32, #tpu.memory_space<vmem>>) offsets(%dma_start3A_86 : memref<125xi32, #tpu.memory_space<vmem>>) semaphore(%arg12 : memref<!tpu.dma_semaphore, #tpu.memory_space<semaphore_mem>>)
      "tpu.region"() ({
        %run_scoped3A_102 = tpu.sem_alloc : memref<!tpu.dma_semaphore, #tpu.memory_space<semaphore_mem>>
        %dma_start3A_103 = arith.constant 0 : i32
        %dma_start3A_104 = tpu.memref_slice %arg7[%mul3A_72, %dma_start3A_103] : memref<80x125xi32, #tpu.memory_space<vmem>> -> memref<1x125xi32, #tpu.memory_space<vmem>>
        %dma_start3A_105 = tpu.memref_squeeze %dma_start3A_104 : memref<1x125xi32, #tpu.memory_space<vmem>> -> memref<125xi32, #tpu.memory_space<vmem>>
        %dma_start3A_106 = arith.constant 0 : i32
        %dma_start3A_107 = arith.constant 0 : i32
        %dma_start3A_108 = tpu.memref_slice %arg10[%dma_start3A_106, %dma_start3A_107] : memref<5248x128xf32, #tpu.memory_space<vmem_shared>> -> memref<5248x128xf32, #tpu.memory_space<vmem_shared>>
        tpu.enqueue_indirect_dma source(%arg8 : memref<125x128xf32, #tpu.memory_space<vmem>>) target(%dma_start3A_108 : memref<5248x128xf32, #tpu.memory_space<vmem_shared>>) offsets(%dma_start3A_105 : memref<125xi32, #tpu.memory_space<vmem>>) semaphore(%run_scoped3A_102 : memref<!tpu.dma_semaphore, #tpu.memory_space<semaphore_mem>>) {add = true}
        %dma_wait3A_109 = arith.constant 0 : i32
        %dma_wait3A_110 = tpu.memref_slice %arg7[%mul3A_72, %dma_wait3A_109] : memref<80x125xi32, #tpu.memory_space<vmem>> -> memref<1x125xi32, #tpu.memory_space<vmem>>
        %dma_wait3A_111 = tpu.memref_squeeze %dma_wait3A_110 : memref<1x125xi32, #tpu.memory_space<vmem>> -> memref<125xi32, #tpu.memory_space<vmem>>
        %dma_wait3A_112 = arith.constant 0 : i32
        %dma_wait3A_113 = arith.constant 0 : i32
        %dma_wait3A_114 = tpu.memref_slice %arg10[%dma_wait3A_112, %dma_wait3A_113] : memref<5248x128xf32, #tpu.memory_space<vmem_shared>> -> memref<5248x128xf32, #tpu.memory_space<vmem_shared>>
        tpu.wait_indirect_dma semaphore(%run_scoped3A_102 : memref<!tpu.dma_semaphore, #tpu.memory_space<semaphore_mem>>) src(%arg8 : memref<125x128xf32, #tpu.memory_space<vmem>>) dst(%dma_wait3A_114 : memref<5248x128xf32, #tpu.memory_space<vmem_shared>>)
        tpu.yield
      }) : () -> ()
      %dma_wait3A_90 = arith.constant 0 : i32
      %dma_wait3A_91 = tpu.memref_slice %arg6[%add3A_74, %dma_wait3A_90] : memref<80x125xi32, #tpu.memory_space<vmem>> -> memref<1x125xi32, #tpu.memory_space<vmem>>
      %dma_wait3A_92 = tpu.memref_squeeze %dma_wait3A_91 : memref<1x125xi32, #tpu.memory_space<vmem>> -> memref<125xi32, #tpu.memory_space<vmem>>
      %dma_wait3A_93 = arith.constant 0 : i32
      %dma_wait3A_94 = arith.constant 0 : i32
      %dma_wait3A_95 = tpu.memref_slice %arg2[%dma_wait3A_93, %dma_wait3A_94] : memref<10240x128xf32, #tpu.memory_space<hbm>> -> memref<10240x128xf32, #tpu.memory_space<hbm>>
      tpu.wait_indirect_dma semaphore(%arg12 : memref<!tpu.dma_semaphore, #tpu.memory_space<semaphore_mem>>) src(%dma_wait3A_95 : memref<10240x128xf32, #tpu.memory_space<hbm>>) dst(%arg9 : memref<125x128xf32, #tpu.memory_space<vmem>>)
      %dma_start3A_96 = arith.constant 0 : i32
      %dma_start3A_97 = tpu.memref_slice %arg6[%min3A_77, %dma_start3A_96] : memref<80x125xi32, #tpu.memory_space<vmem>> -> memref<1x125xi32, #tpu.memory_space<vmem>>
      %dma_start3A_98 = tpu.memref_squeeze %dma_start3A_97 : memref<1x125xi32, #tpu.memory_space<vmem>> -> memref<125xi32, #tpu.memory_space<vmem>>
      %dma_start3A_99 = arith.constant 0 : i32
      %dma_start3A_100 = arith.constant 0 : i32
      %dma_start3A_101 = tpu.memref_slice %arg2[%dma_start3A_99, %dma_start3A_100] : memref<10240x128xf32, #tpu.memory_space<hbm>> -> memref<10240x128xf32, #tpu.memory_space<hbm>>
      tpu.enqueue_indirect_dma source(%dma_start3A_101 : memref<10240x128xf32, #tpu.memory_space<hbm>>) target(%arg8 : memref<125x128xf32, #tpu.memory_space<vmem>>) offsets(%dma_start3A_98 : memref<125xi32, #tpu.memory_space<vmem>>) semaphore(%arg11 : memref<!tpu.dma_semaphore, #tpu.memory_space<semaphore_mem>>)
      "tpu.region"() ({
        %run_scoped3A_102 = tpu.sem_alloc : memref<!tpu.dma_semaphore, #tpu.memory_space<semaphore_mem>>
        %dma_start3A_103 = arith.constant 0 : i32
        %dma_start3A_104 = tpu.memref_slice %arg7[%add3A_74, %dma_start3A_103] : memref<80x125xi32, #tpu.memory_space<vmem>> -> memref<1x125xi32, #tpu.memory_space<vmem>>
        %dma_start3A_105 = tpu.memref_squeeze %dma_start3A_104 : memref<1x125xi32, #tpu.memory_space<vmem>> -> memref<125xi32, #tpu.memory_space<vmem>>
        %dma_start3A_106 = arith.constant 0 : i32
        %dma_start3A_107 = arith.constant 0 : i32
        %dma_start3A_108 = tpu.memref_slice %arg10[%dma_start3A_106, %dma_start3A_107] : memref<5248x128xf32, #tpu.memory_space<vmem_shared>> -> memref<5248x128xf32, #tpu.memory_space<vmem_shared>>
        tpu.enqueue_indirect_dma source(%arg9 : memref<125x128xf32, #tpu.memory_space<vmem>>) target(%dma_start3A_108 : memref<5248x128xf32, #tpu.memory_space<vmem_shared>>) offsets(%dma_start3A_105 : memref<125xi32, #tpu.memory_space<vmem>>) semaphore(%run_scoped3A_102 : memref<!tpu.dma_semaphore, #tpu.memory_space<semaphore_mem>>) {add = true}
        %dma_wait3A_109 = arith.constant 0 : i32
        %dma_wait3A_110 = tpu.memref_slice %arg7[%add3A_74, %dma_wait3A_109] : memref<80x125xi32, #tpu.memory_space<vmem>> -> memref<1x125xi32, #tpu.memory_space<vmem>>
        %dma_wait3A_111 = tpu.memref_squeeze %dma_wait3A_110 : memref<1x125xi32, #tpu.memory_space<vmem>> -> memref<125xi32, #tpu.memory_space<vmem>>
        %dma_wait3A_112 = arith.constant 0 : i32
        %dma_wait3A_113 = arith.constant 0 : i32
        %dma_wait3A_114 = tpu.memref_slice %arg10[%dma_wait3A_112, %dma_wait3A_113] : memref<5248x128xf32, #tpu.memory_space<vmem_shared>> -> memref<5248x128xf32, #tpu.memory_space<vmem_shared>>
        tpu.wait_indirect_dma semaphore(%run_scoped3A_102 : memref<!tpu.dma_semaphore, #tpu.memory_space<semaphore_mem>>) src(%arg9 : memref<125x128xf32, #tpu.memory_space<vmem>>) dst(%dma_wait3A_114 : memref<5248x128xf32, #tpu.memory_space<vmem_shared>>)
        tpu.yield
      }) : () -> ()
    }
    %scan3A_56 = arith.constant 40 : i32
    %dma_wait3A_57 = arith.constant 79 : i32
    %dma_wait3A_58 = arith.constant 0 : i32
    %dma_wait3A_59 = tpu.memref_slice %arg6[%dma_wait3A_57, %dma_wait3A_58] : memref<80x125xi32, #tpu.memory_space<vmem>> -> memref<1x125xi32, #tpu.memory_space<vmem>>
    %dma_wait3A_60 = tpu.memref_squeeze %dma_wait3A_59 : memref<1x125xi32, #tpu.memory_space<vmem>> -> memref<125xi32, #tpu.memory_space<vmem>>
    %dma_wait3A_61 = arith.constant 0 : i32
    %dma_wait3A_62 = arith.constant 0 : i32
    %dma_wait3A_63 = tpu.memref_slice %arg2[%dma_wait3A_61, %dma_wait3A_62] : memref<10240x128xf32, #tpu.memory_space<hbm>> -> memref<10240x128xf32, #tpu.memory_space<hbm>>
    tpu.wait_indirect_dma semaphore(%arg11 : memref<!tpu.dma_semaphore, #tpu.memory_space<semaphore_mem>>) src(%dma_wait3A_63 : memref<10240x128xf32, #tpu.memory_space<hbm>>) dst(%arg8 : memref<125x128xf32, #tpu.memory_space<vmem>>)
    %barrier3A_64 = arith.constant 0 : index
    tpu.barrier barrier_id(%barrier3A_64)
    %mul3A_65 = arith.constant 320 : i32
    %mul3A_66 = arith.muli %arg1, %mul3A_65 : i32
    %mul3A_67 = arith.constant 320 : i32
    %mul3A_68 = arith.muli %arg1, %mul3A_67 : i32
    %run_scoped3A_69 = arith.constant 1 : i32
    "tpu.region"() ({
      %run_scoped3A_70 = tpu.sem_alloc : memref<!tpu.dma_semaphore, #tpu.memory_space<semaphore_mem>>
      %dma_start3A_71 = arith.constant 0 : i32
      %dma_start3A_72 = tpu.memref_slice %arg5[%arg0, %run_scoped3A_69, %mul3A_68, %dma_start3A_71] : memref<2x2x5120x128xf32, #tpu.memory_space<hbm>> -> memref<1x1x320x128xf32, #tpu.memory_space<hbm>>
      %dma_start3A_73 = tpu.memref_squeeze %dma_start3A_72 : memref<1x1x320x128xf32, #tpu.memory_space<hbm>> -> memref<320x128xf32, #tpu.memory_space<hbm>>
      %dma_start3A_74 = arith.constant 0 : i32
      %dma_start3A_75 = tpu.memref_slice %arg10[%mul3A_66, %dma_start3A_74] : memref<5248x128xf32, #tpu.memory_space<vmem_shared>> -> memref<320x128xf32, #tpu.memory_space<vmem_shared>>
      tpu.enqueue_dma source(%dma_start3A_75 : memref<320x128xf32, #tpu.memory_space<vmem_shared>>) target(%dma_start3A_73 : memref<320x128xf32, #tpu.memory_space<hbm>>) target_semaphore(%run_scoped3A_70 : memref<!tpu.dma_semaphore, #tpu.memory_space<semaphore_mem>>)
      %dma_wait3A_76 = arith.constant 0 : i32
      %dma_wait3A_77 = tpu.memref_slice %arg5[%arg0, %run_scoped3A_69, %mul3A_68, %dma_wait3A_76] : memref<2x2x5120x128xf32, #tpu.memory_space<hbm>> -> memref<1x1x320x128xf32, #tpu.memory_space<hbm>>
      %dma_wait3A_78 = tpu.memref_squeeze %dma_wait3A_77 : memref<1x1x320x128xf32, #tpu.memory_space<hbm>> -> memref<320x128xf32, #tpu.memory_space<hbm>>
      %dma_wait3A_79 = arith.constant 0 : i32
      %dma_wait3A_80 = tpu.memref_slice %arg10[%mul3A_66, %dma_wait3A_79] : memref<5248x128xf32, #tpu.memory_space<vmem_shared>> -> memref<320x128xf32, #tpu.memory_space<vmem_shared>>
      tpu.wait_dma2 semaphore(%run_scoped3A_70 : memref<!tpu.dma_semaphore, #tpu.memory_space<semaphore_mem>>) src(%dma_wait3A_80 : memref<320x128xf32, #tpu.memory_space<vmem_shared>>) dst(%dma_wait3A_78 : memref<320x128xf32, #tpu.memory_space<hbm>>)
      tpu.yield
    }) : () -> ()
    return
  }
}

#map = affine_map<(d0, d1) -> (0, 0)>
#map1 = affine_map<(d0, d1) -> (0, 0, 0)>
#map2 = affine_map<(d0, d1) -> (0, 0, 0, 0)>
module attributes {stable_mosaic.version = 14 : i64} {
  func.func @_seg2_body(%arg0: i32, %arg1: i32, %arg2: memref<20480x128xf32, #tpu.memory_space<hbm>>, %arg3: memref<2x2560x125xi32, #tpu.memory_space<hbm>>, %arg4: memref<2x2560x125xi32, #tpu.memory_space<hbm>>, %arg5: memref<2x2x5120x128xf32, #tpu.memory_space<hbm>>, %arg6: memref<160x125xi32, #tpu.memory_space<vmem>>, %arg7: memref<160x125xi32, #tpu.memory_space<vmem>>, %arg8: memref<125x128xf32, #tpu.memory_space<vmem>>, %arg9: memref<125x128xf32, #tpu.memory_space<vmem>>, %arg10: memref<5248x128xf32, #tpu.memory_space<vmem_shared>>, %arg11: memref<!tpu.dma_semaphore, #tpu.memory_space<semaphore_mem>>, %arg12: memref<!tpu.dma_semaphore, #tpu.memory_space<semaphore_mem>>) attributes {dimension_semantics = [#tpu.dimension_semantics<core_parallel>, #tpu.dimension_semantics<subcore_parallel>], iteration_bounds = array<i64: 2, 16>, scalar_prefetch = 0 : i64, scratch_operands = 7 : i64, tpu.core_type = #tpu.core_type<sc_vector_subcore>, window_params = [{transform_indices = #map}, {transform_indices = #map1}, {transform_indices = #map1}, {transform_indices = #map2}]} {
    %mul3A = arith.constant 160 : i32
    %mul3A_0 = arith.muli %arg1, %mul3A : i32
    "tpu.region"() ({
      %run_scoped3A_73 = tpu.sem_alloc : memref<!tpu.dma_semaphore, #tpu.memory_space<semaphore_mem>>
      %dma_start3A_74 = arith.constant 0 : i32
      %dma_start3A_75 = tpu.memref_slice %arg3[%arg0, %mul3A_0, %dma_start3A_74] : memref<2x2560x125xi32, #tpu.memory_space<hbm>> -> memref<1x160x125xi32, #tpu.memory_space<hbm>>
      %dma_start3A_76 = tpu.memref_squeeze %dma_start3A_75 : memref<1x160x125xi32, #tpu.memory_space<hbm>> -> memref<160x125xi32, #tpu.memory_space<hbm>>
      %dma_start3A_77 = arith.constant 0 : i32
      %dma_start3A_78 = tpu.memref_slice %arg3[%arg0, %mul3A_0, %dma_start3A_77] : memref<2x2560x125xi32, #tpu.memory_space<hbm>> -> memref<1x160x125xi32, #tpu.memory_space<hbm>>
      %dma_start3A_79 = tpu.memref_squeeze %dma_start3A_78 : memref<1x160x125xi32, #tpu.memory_space<hbm>> -> memref<160x125xi32, #tpu.memory_space<hbm>>
      tpu.enqueue_dma source(%dma_start3A_79 : memref<160x125xi32, #tpu.memory_space<hbm>>) target(%arg6 : memref<160x125xi32, #tpu.memory_space<vmem>>) target_semaphore(%run_scoped3A_73 : memref<!tpu.dma_semaphore, #tpu.memory_space<semaphore_mem>>)
      %dma_wait3A_80 = arith.constant 0 : i32
      %dma_wait3A_81 = tpu.memref_slice %arg3[%arg0, %mul3A_0, %dma_wait3A_80] : memref<2x2560x125xi32, #tpu.memory_space<hbm>> -> memref<1x160x125xi32, #tpu.memory_space<hbm>>
      %dma_wait3A_82 = tpu.memref_squeeze %dma_wait3A_81 : memref<1x160x125xi32, #tpu.memory_space<hbm>> -> memref<160x125xi32, #tpu.memory_space<hbm>>
      %dma_wait3A_83 = arith.constant 0 : i32
      %dma_wait3A_84 = tpu.memref_slice %arg3[%arg0, %mul3A_0, %dma_wait3A_83] : memref<2x2560x125xi32, #tpu.memory_space<hbm>> -> memref<1x160x125xi32, #tpu.memory_space<hbm>>
      %dma_wait3A_85 = tpu.memref_squeeze %dma_wait3A_84 : memref<1x160x125xi32, #tpu.memory_space<hbm>> -> memref<160x125xi32, #tpu.memory_space<hbm>>
      tpu.wait_dma2 semaphore(%run_scoped3A_73 : memref<!tpu.dma_semaphore, #tpu.memory_space<semaphore_mem>>) src(%dma_wait3A_85 : memref<160x125xi32, #tpu.memory_space<hbm>>) dst(%arg6 : memref<160x125xi32, #tpu.memory_space<vmem>>)
      tpu.yield
    }) : () -> ()
    %mul3A_1 = arith.constant 160 : i32
    %mul3A_2 = arith.muli %arg1, %mul3A_1 : i32
    %run_scoped3A = arith.constant 0 : i32
    "tpu.region"() ({
      %run_scoped3A_73 = tpu.sem_alloc : memref<!tpu.dma_semaphore, #tpu.memory_space<semaphore_mem>>
      %dma_start3A_74 = arith.constant 0 : i32
      %dma_start3A_75 = tpu.memref_slice %arg4[%run_scoped3A, %mul3A_2, %dma_start3A_74] : memref<2x2560x125xi32, #tpu.memory_space<hbm>> -> memref<1x160x125xi32, #tpu.memory_space<hbm>>
      %dma_start3A_76 = tpu.memref_squeeze %dma_start3A_75 : memref<1x160x125xi32, #tpu.memory_space<hbm>> -> memref<160x125xi32, #tpu.memory_space<hbm>>
      %dma_start3A_77 = arith.constant 0 : i32
      %dma_start3A_78 = tpu.memref_slice %arg4[%run_scoped3A, %mul3A_2, %dma_start3A_77] : memref<2x2560x125xi32, #tpu.memory_space<hbm>> -> memref<1x160x125xi32, #tpu.memory_space<hbm>>
      %dma_start3A_79 = tpu.memref_squeeze %dma_start3A_78 : memref<1x160x125xi32, #tpu.memory_space<hbm>> -> memref<160x125xi32, #tpu.memory_space<hbm>>
      tpu.enqueue_dma source(%dma_start3A_79 : memref<160x125xi32, #tpu.memory_space<hbm>>) target(%arg7 : memref<160x125xi32, #tpu.memory_space<vmem>>) target_semaphore(%run_scoped3A_73 : memref<!tpu.dma_semaphore, #tpu.memory_space<semaphore_mem>>)
      %dma_wait3A_80 = arith.constant 0 : i32
      %dma_wait3A_81 = tpu.memref_slice %arg4[%run_scoped3A, %mul3A_2, %dma_wait3A_80] : memref<2x2560x125xi32, #tpu.memory_space<hbm>> -> memref<1x160x125xi32, #tpu.memory_space<hbm>>
      %dma_wait3A_82 = tpu.memref_squeeze %dma_wait3A_81 : memref<1x160x125xi32, #tpu.memory_space<hbm>> -> memref<160x125xi32, #tpu.memory_space<hbm>>
      %dma_wait3A_83 = arith.constant 0 : i32
      %dma_wait3A_84 = tpu.memref_slice %arg4[%run_scoped3A, %mul3A_2, %dma_wait3A_83] : memref<2x2560x125xi32, #tpu.memory_space<hbm>> -> memref<1x160x125xi32, #tpu.memory_space<hbm>>
      %dma_wait3A_85 = tpu.memref_squeeze %dma_wait3A_84 : memref<1x160x125xi32, #tpu.memory_space<hbm>> -> memref<160x125xi32, #tpu.memory_space<hbm>>
      tpu.wait_dma2 semaphore(%run_scoped3A_73 : memref<!tpu.dma_semaphore, #tpu.memory_space<semaphore_mem>>) src(%dma_wait3A_85 : memref<160x125xi32, #tpu.memory_space<hbm>>) dst(%arg7 : memref<160x125xi32, #tpu.memory_space<vmem>>)
      tpu.yield
    }) : () -> ()
    %mul3A_3 = arith.constant 10240 : i32
    %mul3A_4 = arith.muli %arg0, %mul3A_3 : i32
    %add3A = arith.constant 0 : i32
    %add3A_5 = arith.addi %mul3A_4, %add3A : i32
    %mul3A_6 = arith.constant 320 : i32
    %mul3A_7 = arith.muli %arg1, %mul3A_6 : i32
    %add3A_8 = arith.addi %add3A_5, %mul3A_7 : i32
    %mul3A_9 = arith.constant 320 : i32
    %mul3A_10 = arith.muli %arg1, %mul3A_9 : i32
    "tpu.region"() ({
      %run_scoped3A_73 = tpu.sem_alloc : memref<!tpu.dma_semaphore, #tpu.memory_space<semaphore_mem>>
      %dma_start3A_74 = arith.constant 0 : i32
      %dma_start3A_75 = tpu.memref_slice %arg10[%mul3A_10, %dma_start3A_74] : memref<5248x128xf32, #tpu.memory_space<vmem_shared>> -> memref<320x128xf32, #tpu.memory_space<vmem_shared>>
      %dma_start3A_76 = arith.constant 0 : i32
      %dma_start3A_77 = tpu.memref_slice %arg2[%add3A_8, %dma_start3A_76] : memref<20480x128xf32, #tpu.memory_space<hbm>> -> memref<320x128xf32, #tpu.memory_space<hbm>>
      tpu.enqueue_dma source(%dma_start3A_77 : memref<320x128xf32, #tpu.memory_space<hbm>>) target(%dma_start3A_75 : memref<320x128xf32, #tpu.memory_space<vmem_shared>>) target_semaphore(%run_scoped3A_73 : memref<!tpu.dma_semaphore, #tpu.memory_space<semaphore_mem>>)
      %dma_wait3A_78 = arith.constant 0 : i32
      %dma_wait3A_79 = tpu.memref_slice %arg10[%mul3A_10, %dma_wait3A_78] : memref<5248x128xf32, #tpu.memory_space<vmem_shared>> -> memref<320x128xf32, #tpu.memory_space<vmem_shared>>
      %dma_wait3A_80 = arith.constant 0 : i32
      %dma_wait3A_81 = tpu.memref_slice %arg2[%add3A_8, %dma_wait3A_80] : memref<20480x128xf32, #tpu.memory_space<hbm>> -> memref<320x128xf32, #tpu.memory_space<hbm>>
      tpu.wait_dma2 semaphore(%run_scoped3A_73 : memref<!tpu.dma_semaphore, #tpu.memory_space<semaphore_mem>>) src(%dma_wait3A_81 : memref<320x128xf32, #tpu.memory_space<hbm>>) dst(%dma_wait3A_79 : memref<320x128xf32, #tpu.memory_space<vmem_shared>>)
      tpu.yield
    }) : () -> ()
    %barrier3A = arith.constant 0 : index
    tpu.barrier barrier_id(%barrier3A)
    %dma_start3A = arith.constant 0 : i32
    %dma_start3A_11 = arith.constant 0 : i32
    %dma_start3A_12 = tpu.memref_slice %arg6[%dma_start3A, %dma_start3A_11] : memref<160x125xi32, #tpu.memory_space<vmem>> -> memref<1x125xi32, #tpu.memory_space<vmem>>
    %dma_start3A_13 = tpu.memref_squeeze %dma_start3A_12 : memref<1x125xi32, #tpu.memory_space<vmem>> -> memref<125xi32, #tpu.memory_space<vmem>>
    %dma_start3A_14 = arith.constant 0 : i32
    %dma_start3A_15 = arith.constant 0 : i32
    %dma_start3A_16 = tpu.memref_slice %arg2[%dma_start3A_14, %dma_start3A_15] : memref<20480x128xf32, #tpu.memory_space<hbm>> -> memref<20480x128xf32, #tpu.memory_space<hbm>>
    tpu.enqueue_indirect_dma source(%dma_start3A_16 : memref<20480x128xf32, #tpu.memory_space<hbm>>) target(%arg8 : memref<125x128xf32, #tpu.memory_space<vmem>>) offsets(%dma_start3A_13 : memref<125xi32, #tpu.memory_space<vmem>>) semaphore(%arg11 : memref<!tpu.dma_semaphore, #tpu.memory_space<semaphore_mem>>)
    %scan3A = arith.constant 0 : i32
    %scan3A_17 = arith.constant 0 : i32
    %scan3A_18 = arith.constant 80 : i32
    %scan3A_19 = arith.addi %scan3A_17, %scan3A_18 : i32
    %scan3A_20 = arith.constant 1 : i32
    scf.for %scan3A_73 = %scan3A_17 to %scan3A_19 step %scan3A_20  : i32 {
      %mul3A_74 = arith.constant 2 : i32
      %mul3A_75 = arith.muli %mul3A_74, %scan3A_73 : i32
      %add3A_76 = arith.constant 1 : i32
      %add3A_77 = arith.addi %mul3A_75, %add3A_76 : i32
      %add3A_78 = arith.constant 2 : i32
      %add3A_79 = arith.addi %mul3A_75, %add3A_78 : i32
      %min3A = arith.constant 159 : i32
      %min3A_80 = arith.minsi %add3A_79, %min3A : i32
      %dma_wait3A_81 = arith.constant 0 : i32
      %dma_wait3A_82 = tpu.memref_slice %arg6[%mul3A_75, %dma_wait3A_81] : memref<160x125xi32, #tpu.memory_space<vmem>> -> memref<1x125xi32, #tpu.memory_space<vmem>>
      %dma_wait3A_83 = tpu.memref_squeeze %dma_wait3A_82 : memref<1x125xi32, #tpu.memory_space<vmem>> -> memref<125xi32, #tpu.memory_space<vmem>>
      %dma_wait3A_84 = arith.constant 0 : i32
      %dma_wait3A_85 = arith.constant 0 : i32
      %dma_wait3A_86 = tpu.memref_slice %arg2[%dma_wait3A_84, %dma_wait3A_85] : memref<20480x128xf32, #tpu.memory_space<hbm>> -> memref<20480x128xf32, #tpu.memory_space<hbm>>
      tpu.wait_indirect_dma semaphore(%arg11 : memref<!tpu.dma_semaphore, #tpu.memory_space<semaphore_mem>>) src(%dma_wait3A_86 : memref<20480x128xf32, #tpu.memory_space<hbm>>) dst(%arg8 : memref<125x128xf32, #tpu.memory_space<vmem>>)
      %dma_start3A_87 = arith.constant 0 : i32
      %dma_start3A_88 = tpu.memref_slice %arg6[%add3A_77, %dma_start3A_87] : memref<160x125xi32, #tpu.memory_space<vmem>> -> memref<1x125xi32, #tpu.memory_space<vmem>>
      %dma_start3A_89 = tpu.memref_squeeze %dma_start3A_88 : memref<1x125xi32, #tpu.memory_space<vmem>> -> memref<125xi32, #tpu.memory_space<vmem>>
      %dma_start3A_90 = arith.constant 0 : i32
      %dma_start3A_91 = arith.constant 0 : i32
      %dma_start3A_92 = tpu.memref_slice %arg2[%dma_start3A_90, %dma_start3A_91] : memref<20480x128xf32, #tpu.memory_space<hbm>> -> memref<20480x128xf32, #tpu.memory_space<hbm>>
      tpu.enqueue_indirect_dma source(%dma_start3A_92 : memref<20480x128xf32, #tpu.memory_space<hbm>>) target(%arg9 : memref<125x128xf32, #tpu.memory_space<vmem>>) offsets(%dma_start3A_89 : memref<125xi32, #tpu.memory_space<vmem>>) semaphore(%arg12 : memref<!tpu.dma_semaphore, #tpu.memory_space<semaphore_mem>>)
      "tpu.region"() ({
        %run_scoped3A_105 = tpu.sem_alloc : memref<!tpu.dma_semaphore, #tpu.memory_space<semaphore_mem>>
        %dma_start3A_106 = arith.constant 0 : i32
        %dma_start3A_107 = tpu.memref_slice %arg7[%mul3A_75, %dma_start3A_106] : memref<160x125xi32, #tpu.memory_space<vmem>> -> memref<1x125xi32, #tpu.memory_space<vmem>>
        %dma_start3A_108 = tpu.memref_squeeze %dma_start3A_107 : memref<1x125xi32, #tpu.memory_space<vmem>> -> memref<125xi32, #tpu.memory_space<vmem>>
        %dma_start3A_109 = arith.constant 0 : i32
        %dma_start3A_110 = arith.constant 0 : i32
        %dma_start3A_111 = tpu.memref_slice %arg10[%dma_start3A_109, %dma_start3A_110] : memref<5248x128xf32, #tpu.memory_space<vmem_shared>> -> memref<5248x128xf32, #tpu.memory_space<vmem_shared>>
        tpu.enqueue_indirect_dma source(%arg8 : memref<125x128xf32, #tpu.memory_space<vmem>>) target(%dma_start3A_111 : memref<5248x128xf32, #tpu.memory_space<vmem_shared>>) offsets(%dma_start3A_108 : memref<125xi32, #tpu.memory_space<vmem>>) semaphore(%run_scoped3A_105 : memref<!tpu.dma_semaphore, #tpu.memory_space<semaphore_mem>>) {add = true}
        %dma_wait3A_112 = arith.constant 0 : i32
        %dma_wait3A_113 = tpu.memref_slice %arg7[%mul3A_75, %dma_wait3A_112] : memref<160x125xi32, #tpu.memory_space<vmem>> -> memref<1x125xi32, #tpu.memory_space<vmem>>
        %dma_wait3A_114 = tpu.memref_squeeze %dma_wait3A_113 : memref<1x125xi32, #tpu.memory_space<vmem>> -> memref<125xi32, #tpu.memory_space<vmem>>
        %dma_wait3A_115 = arith.constant 0 : i32
        %dma_wait3A_116 = arith.constant 0 : i32
        %dma_wait3A_117 = tpu.memref_slice %arg10[%dma_wait3A_115, %dma_wait3A_116] : memref<5248x128xf32, #tpu.memory_space<vmem_shared>> -> memref<5248x128xf32, #tpu.memory_space<vmem_shared>>
        tpu.wait_indirect_dma semaphore(%run_scoped3A_105 : memref<!tpu.dma_semaphore, #tpu.memory_space<semaphore_mem>>) src(%arg8 : memref<125x128xf32, #tpu.memory_space<vmem>>) dst(%dma_wait3A_117 : memref<5248x128xf32, #tpu.memory_space<vmem_shared>>)
        tpu.yield
      }) : () -> ()
      %dma_wait3A_93 = arith.constant 0 : i32
      %dma_wait3A_94 = tpu.memref_slice %arg6[%add3A_77, %dma_wait3A_93] : memref<160x125xi32, #tpu.memory_space<vmem>> -> memref<1x125xi32, #tpu.memory_space<vmem>>
      %dma_wait3A_95 = tpu.memref_squeeze %dma_wait3A_94 : memref<1x125xi32, #tpu.memory_space<vmem>> -> memref<125xi32, #tpu.memory_space<vmem>>
      %dma_wait3A_96 = arith.constant 0 : i32
      %dma_wait3A_97 = arith.constant 0 : i32
      %dma_wait3A_98 = tpu.memref_slice %arg2[%dma_wait3A_96, %dma_wait3A_97] : memref<20480x128xf32, #tpu.memory_space<hbm>> -> memref<20480x128xf32, #tpu.memory_space<hbm>>
      tpu.wait_indirect_dma semaphore(%arg12 : memref<!tpu.dma_semaphore, #tpu.memory_space<semaphore_mem>>) src(%dma_wait3A_98 : memref<20480x128xf32, #tpu.memory_space<hbm>>) dst(%arg9 : memref<125x128xf32, #tpu.memory_space<vmem>>)
      %dma_start3A_99 = arith.constant 0 : i32
      %dma_start3A_100 = tpu.memref_slice %arg6[%min3A_80, %dma_start3A_99] : memref<160x125xi32, #tpu.memory_space<vmem>> -> memref<1x125xi32, #tpu.memory_space<vmem>>
      %dma_start3A_101 = tpu.memref_squeeze %dma_start3A_100 : memref<1x125xi32, #tpu.memory_space<vmem>> -> memref<125xi32, #tpu.memory_space<vmem>>
      %dma_start3A_102 = arith.constant 0 : i32
      %dma_start3A_103 = arith.constant 0 : i32
      %dma_start3A_104 = tpu.memref_slice %arg2[%dma_start3A_102, %dma_start3A_103] : memref<20480x128xf32, #tpu.memory_space<hbm>> -> memref<20480x128xf32, #tpu.memory_space<hbm>>
      tpu.enqueue_indirect_dma source(%dma_start3A_104 : memref<20480x128xf32, #tpu.memory_space<hbm>>) target(%arg8 : memref<125x128xf32, #tpu.memory_space<vmem>>) offsets(%dma_start3A_101 : memref<125xi32, #tpu.memory_space<vmem>>) semaphore(%arg11 : memref<!tpu.dma_semaphore, #tpu.memory_space<semaphore_mem>>)
      "tpu.region"() ({
        %run_scoped3A_105 = tpu.sem_alloc : memref<!tpu.dma_semaphore, #tpu.memory_space<semaphore_mem>>
        %dma_start3A_106 = arith.constant 0 : i32
        %dma_start3A_107 = tpu.memref_slice %arg7[%add3A_77, %dma_start3A_106] : memref<160x125xi32, #tpu.memory_space<vmem>> -> memref<1x125xi32, #tpu.memory_space<vmem>>
        %dma_start3A_108 = tpu.memref_squeeze %dma_start3A_107 : memref<1x125xi32, #tpu.memory_space<vmem>> -> memref<125xi32, #tpu.memory_space<vmem>>
        %dma_start3A_109 = arith.constant 0 : i32
        %dma_start3A_110 = arith.constant 0 : i32
        %dma_start3A_111 = tpu.memref_slice %arg10[%dma_start3A_109, %dma_start3A_110] : memref<5248x128xf32, #tpu.memory_space<vmem_shared>> -> memref<5248x128xf32, #tpu.memory_space<vmem_shared>>
        tpu.enqueue_indirect_dma source(%arg9 : memref<125x128xf32, #tpu.memory_space<vmem>>) target(%dma_start3A_111 : memref<5248x128xf32, #tpu.memory_space<vmem_shared>>) offsets(%dma_start3A_108 : memref<125xi32, #tpu.memory_space<vmem>>) semaphore(%run_scoped3A_105 : memref<!tpu.dma_semaphore, #tpu.memory_space<semaphore_mem>>) {add = true}
        %dma_wait3A_112 = arith.constant 0 : i32
        %dma_wait3A_113 = tpu.memref_slice %arg7[%add3A_77, %dma_wait3A_112] : memref<160x125xi32, #tpu.memory_space<vmem>> -> memref<1x125xi32, #tpu.memory_space<vmem>>
        %dma_wait3A_114 = tpu.memref_squeeze %dma_wait3A_113 : memref<1x125xi32, #tpu.memory_space<vmem>> -> memref<125xi32, #tpu.memory_space<vmem>>
        %dma_wait3A_115 = arith.constant 0 : i32
        %dma_wait3A_116 = arith.constant 0 : i32
        %dma_wait3A_117 = tpu.memref_slice %arg10[%dma_wait3A_115, %dma_wait3A_116] : memref<5248x128xf32, #tpu.memory_space<vmem_shared>> -> memref<5248x128xf32, #tpu.memory_space<vmem_shared>>
        tpu.wait_indirect_dma semaphore(%run_scoped3A_105 : memref<!tpu.dma_semaphore, #tpu.memory_space<semaphore_mem>>) src(%arg9 : memref<125x128xf32, #tpu.memory_space<vmem>>) dst(%dma_wait3A_117 : memref<5248x128xf32, #tpu.memory_space<vmem_shared>>)
        tpu.yield
      }) : () -> ()
    }
    %scan3A_21 = arith.constant 80 : i32
    %dma_wait3A = arith.constant 159 : i32
    %dma_wait3A_22 = arith.constant 0 : i32
    %dma_wait3A_23 = tpu.memref_slice %arg6[%dma_wait3A, %dma_wait3A_22] : memref<160x125xi32, #tpu.memory_space<vmem>> -> memref<1x125xi32, #tpu.memory_space<vmem>>
    %dma_wait3A_24 = tpu.memref_squeeze %dma_wait3A_23 : memref<1x125xi32, #tpu.memory_space<vmem>> -> memref<125xi32, #tpu.memory_space<vmem>>
    %dma_wait3A_25 = arith.constant 0 : i32
    %dma_wait3A_26 = arith.constant 0 : i32
    %dma_wait3A_27 = tpu.memref_slice %arg2[%dma_wait3A_25, %dma_wait3A_26] : memref<20480x128xf32, #tpu.memory_space<hbm>> -> memref<20480x128xf32, #tpu.memory_space<hbm>>
    tpu.wait_indirect_dma semaphore(%arg11 : memref<!tpu.dma_semaphore, #tpu.memory_space<semaphore_mem>>) src(%dma_wait3A_27 : memref<20480x128xf32, #tpu.memory_space<hbm>>) dst(%arg8 : memref<125x128xf32, #tpu.memory_space<vmem>>)
    %barrier3A_28 = arith.constant 0 : index
    tpu.barrier barrier_id(%barrier3A_28)
    %mul3A_29 = arith.constant 320 : i32
    %mul3A_30 = arith.muli %arg1, %mul3A_29 : i32
    %mul3A_31 = arith.constant 320 : i32
    %mul3A_32 = arith.muli %arg1, %mul3A_31 : i32
    %run_scoped3A_33 = arith.constant 0 : i32
    "tpu.region"() ({
      %run_scoped3A_73 = tpu.sem_alloc : memref<!tpu.dma_semaphore, #tpu.memory_space<semaphore_mem>>
      %dma_start3A_74 = arith.constant 0 : i32
      %dma_start3A_75 = tpu.memref_slice %arg5[%arg0, %run_scoped3A_33, %mul3A_32, %dma_start3A_74] : memref<2x2x5120x128xf32, #tpu.memory_space<hbm>> -> memref<1x1x320x128xf32, #tpu.memory_space<hbm>>
      %dma_start3A_76 = tpu.memref_squeeze %dma_start3A_75 : memref<1x1x320x128xf32, #tpu.memory_space<hbm>> -> memref<320x128xf32, #tpu.memory_space<hbm>>
      %dma_start3A_77 = arith.constant 0 : i32
      %dma_start3A_78 = tpu.memref_slice %arg10[%mul3A_30, %dma_start3A_77] : memref<5248x128xf32, #tpu.memory_space<vmem_shared>> -> memref<320x128xf32, #tpu.memory_space<vmem_shared>>
      tpu.enqueue_dma source(%dma_start3A_78 : memref<320x128xf32, #tpu.memory_space<vmem_shared>>) target(%dma_start3A_76 : memref<320x128xf32, #tpu.memory_space<hbm>>) target_semaphore(%run_scoped3A_73 : memref<!tpu.dma_semaphore, #tpu.memory_space<semaphore_mem>>)
      %dma_wait3A_79 = arith.constant 0 : i32
      %dma_wait3A_80 = tpu.memref_slice %arg5[%arg0, %run_scoped3A_33, %mul3A_32, %dma_wait3A_79] : memref<2x2x5120x128xf32, #tpu.memory_space<hbm>> -> memref<1x1x320x128xf32, #tpu.memory_space<hbm>>
      %dma_wait3A_81 = tpu.memref_squeeze %dma_wait3A_80 : memref<1x1x320x128xf32, #tpu.memory_space<hbm>> -> memref<320x128xf32, #tpu.memory_space<hbm>>
      %dma_wait3A_82 = arith.constant 0 : i32
      %dma_wait3A_83 = tpu.memref_slice %arg10[%mul3A_30, %dma_wait3A_82] : memref<5248x128xf32, #tpu.memory_space<vmem_shared>> -> memref<320x128xf32, #tpu.memory_space<vmem_shared>>
      tpu.wait_dma2 semaphore(%run_scoped3A_73 : memref<!tpu.dma_semaphore, #tpu.memory_space<semaphore_mem>>) src(%dma_wait3A_83 : memref<320x128xf32, #tpu.memory_space<vmem_shared>>) dst(%dma_wait3A_81 : memref<320x128xf32, #tpu.memory_space<hbm>>)
      tpu.yield
    }) : () -> ()
    %mul3A_34 = arith.constant 160 : i32
    %mul3A_35 = arith.muli %arg1, %mul3A_34 : i32
    %run_scoped3A_36 = arith.constant 1 : i32
    "tpu.region"() ({
      %run_scoped3A_73 = tpu.sem_alloc : memref<!tpu.dma_semaphore, #tpu.memory_space<semaphore_mem>>
      %dma_start3A_74 = arith.constant 0 : i32
      %dma_start3A_75 = tpu.memref_slice %arg4[%run_scoped3A_36, %mul3A_35, %dma_start3A_74] : memref<2x2560x125xi32, #tpu.memory_space<hbm>> -> memref<1x160x125xi32, #tpu.memory_space<hbm>>
      %dma_start3A_76 = tpu.memref_squeeze %dma_start3A_75 : memref<1x160x125xi32, #tpu.memory_space<hbm>> -> memref<160x125xi32, #tpu.memory_space<hbm>>
      %dma_start3A_77 = arith.constant 0 : i32
      %dma_start3A_78 = tpu.memref_slice %arg4[%run_scoped3A_36, %mul3A_35, %dma_start3A_77] : memref<2x2560x125xi32, #tpu.memory_space<hbm>> -> memref<1x160x125xi32, #tpu.memory_space<hbm>>
      %dma_start3A_79 = tpu.memref_squeeze %dma_start3A_78 : memref<1x160x125xi32, #tpu.memory_space<hbm>> -> memref<160x125xi32, #tpu.memory_space<hbm>>
      tpu.enqueue_dma source(%dma_start3A_79 : memref<160x125xi32, #tpu.memory_space<hbm>>) target(%arg7 : memref<160x125xi32, #tpu.memory_space<vmem>>) target_semaphore(%run_scoped3A_73 : memref<!tpu.dma_semaphore, #tpu.memory_space<semaphore_mem>>)
      %dma_wait3A_80 = arith.constant 0 : i32
      %dma_wait3A_81 = tpu.memref_slice %arg4[%run_scoped3A_36, %mul3A_35, %dma_wait3A_80] : memref<2x2560x125xi32, #tpu.memory_space<hbm>> -> memref<1x160x125xi32, #tpu.memory_space<hbm>>
      %dma_wait3A_82 = tpu.memref_squeeze %dma_wait3A_81 : memref<1x160x125xi32, #tpu.memory_space<hbm>> -> memref<160x125xi32, #tpu.memory_space<hbm>>
      %dma_wait3A_83 = arith.constant 0 : i32
      %dma_wait3A_84 = tpu.memref_slice %arg4[%run_scoped3A_36, %mul3A_35, %dma_wait3A_83] : memref<2x2560x125xi32, #tpu.memory_space<hbm>> -> memref<1x160x125xi32, #tpu.memory_space<hbm>>
      %dma_wait3A_85 = tpu.memref_squeeze %dma_wait3A_84 : memref<1x160x125xi32, #tpu.memory_space<hbm>> -> memref<160x125xi32, #tpu.memory_space<hbm>>
      tpu.wait_dma2 semaphore(%run_scoped3A_73 : memref<!tpu.dma_semaphore, #tpu.memory_space<semaphore_mem>>) src(%dma_wait3A_85 : memref<160x125xi32, #tpu.memory_space<hbm>>) dst(%arg7 : memref<160x125xi32, #tpu.memory_space<vmem>>)
      tpu.yield
    }) : () -> ()
    %mul3A_37 = arith.constant 10240 : i32
    %mul3A_38 = arith.muli %arg0, %mul3A_37 : i32
    %add3A_39 = arith.constant 5120 : i32
    %add3A_40 = arith.addi %mul3A_38, %add3A_39 : i32
    %mul3A_41 = arith.constant 320 : i32
    %mul3A_42 = arith.muli %arg1, %mul3A_41 : i32
    %add3A_43 = arith.addi %add3A_40, %mul3A_42 : i32
    %mul3A_44 = arith.constant 320 : i32
    %mul3A_45 = arith.muli %arg1, %mul3A_44 : i32
    "tpu.region"() ({
      %run_scoped3A_73 = tpu.sem_alloc : memref<!tpu.dma_semaphore, #tpu.memory_space<semaphore_mem>>
      %dma_start3A_74 = arith.constant 0 : i32
      %dma_start3A_75 = tpu.memref_slice %arg10[%mul3A_45, %dma_start3A_74] : memref<5248x128xf32, #tpu.memory_space<vmem_shared>> -> memref<320x128xf32, #tpu.memory_space<vmem_shared>>
      %dma_start3A_76 = arith.constant 0 : i32
      %dma_start3A_77 = tpu.memref_slice %arg2[%add3A_43, %dma_start3A_76] : memref<20480x128xf32, #tpu.memory_space<hbm>> -> memref<320x128xf32, #tpu.memory_space<hbm>>
      tpu.enqueue_dma source(%dma_start3A_77 : memref<320x128xf32, #tpu.memory_space<hbm>>) target(%dma_start3A_75 : memref<320x128xf32, #tpu.memory_space<vmem_shared>>) target_semaphore(%run_scoped3A_73 : memref<!tpu.dma_semaphore, #tpu.memory_space<semaphore_mem>>)
      %dma_wait3A_78 = arith.constant 0 : i32
      %dma_wait3A_79 = tpu.memref_slice %arg10[%mul3A_45, %dma_wait3A_78] : memref<5248x128xf32, #tpu.memory_space<vmem_shared>> -> memref<320x128xf32, #tpu.memory_space<vmem_shared>>
      %dma_wait3A_80 = arith.constant 0 : i32
      %dma_wait3A_81 = tpu.memref_slice %arg2[%add3A_43, %dma_wait3A_80] : memref<20480x128xf32, #tpu.memory_space<hbm>> -> memref<320x128xf32, #tpu.memory_space<hbm>>
      tpu.wait_dma2 semaphore(%run_scoped3A_73 : memref<!tpu.dma_semaphore, #tpu.memory_space<semaphore_mem>>) src(%dma_wait3A_81 : memref<320x128xf32, #tpu.memory_space<hbm>>) dst(%dma_wait3A_79 : memref<320x128xf32, #tpu.memory_space<vmem_shared>>)
      tpu.yield
    }) : () -> ()
    %barrier3A_46 = arith.constant 0 : index
    tpu.barrier barrier_id(%barrier3A_46)
    %dma_start3A_47 = arith.constant 0 : i32
    %dma_start3A_48 = arith.constant 0 : i32
    %dma_start3A_49 = tpu.memref_slice %arg6[%dma_start3A_47, %dma_start3A_48] : memref<160x125xi32, #tpu.memory_space<vmem>> -> memref<1x125xi32, #tpu.memory_space<vmem>>
    %dma_start3A_50 = tpu.memref_squeeze %dma_start3A_49 : memref<1x125xi32, #tpu.memory_space<vmem>> -> memref<125xi32, #tpu.memory_space<vmem>>
    %dma_start3A_51 = arith.constant 0 : i32
    %dma_start3A_52 = arith.constant 0 : i32
    %dma_start3A_53 = tpu.memref_slice %arg2[%dma_start3A_51, %dma_start3A_52] : memref<20480x128xf32, #tpu.memory_space<hbm>> -> memref<20480x128xf32, #tpu.memory_space<hbm>>
    tpu.enqueue_indirect_dma source(%dma_start3A_53 : memref<20480x128xf32, #tpu.memory_space<hbm>>) target(%arg8 : memref<125x128xf32, #tpu.memory_space<vmem>>) offsets(%dma_start3A_50 : memref<125xi32, #tpu.memory_space<vmem>>) semaphore(%arg11 : memref<!tpu.dma_semaphore, #tpu.memory_space<semaphore_mem>>)
    %scan3A_54 = arith.constant 0 : i32
    %scan3A_55 = arith.constant 0 : i32
    %scan3A_56 = arith.constant 80 : i32
    %scan3A_57 = arith.addi %scan3A_55, %scan3A_56 : i32
    %scan3A_58 = arith.constant 1 : i32
    scf.for %scan3A_73 = %scan3A_55 to %scan3A_57 step %scan3A_58  : i32 {
      %mul3A_74 = arith.constant 2 : i32
      %mul3A_75 = arith.muli %mul3A_74, %scan3A_73 : i32
      %add3A_76 = arith.constant 1 : i32
      %add3A_77 = arith.addi %mul3A_75, %add3A_76 : i32
      %add3A_78 = arith.constant 2 : i32
      %add3A_79 = arith.addi %mul3A_75, %add3A_78 : i32
      %min3A = arith.constant 159 : i32
      %min3A_80 = arith.minsi %add3A_79, %min3A : i32
      %dma_wait3A_81 = arith.constant 0 : i32
      %dma_wait3A_82 = tpu.memref_slice %arg6[%mul3A_75, %dma_wait3A_81] : memref<160x125xi32, #tpu.memory_space<vmem>> -> memref<1x125xi32, #tpu.memory_space<vmem>>
      %dma_wait3A_83 = tpu.memref_squeeze %dma_wait3A_82 : memref<1x125xi32, #tpu.memory_space<vmem>> -> memref<125xi32, #tpu.memory_space<vmem>>
      %dma_wait3A_84 = arith.constant 0 : i32
      %dma_wait3A_85 = arith.constant 0 : i32
      %dma_wait3A_86 = tpu.memref_slice %arg2[%dma_wait3A_84, %dma_wait3A_85] : memref<20480x128xf32, #tpu.memory_space<hbm>> -> memref<20480x128xf32, #tpu.memory_space<hbm>>
      tpu.wait_indirect_dma semaphore(%arg11 : memref<!tpu.dma_semaphore, #tpu.memory_space<semaphore_mem>>) src(%dma_wait3A_86 : memref<20480x128xf32, #tpu.memory_space<hbm>>) dst(%arg8 : memref<125x128xf32, #tpu.memory_space<vmem>>)
      %dma_start3A_87 = arith.constant 0 : i32
      %dma_start3A_88 = tpu.memref_slice %arg6[%add3A_77, %dma_start3A_87] : memref<160x125xi32, #tpu.memory_space<vmem>> -> memref<1x125xi32, #tpu.memory_space<vmem>>
      %dma_start3A_89 = tpu.memref_squeeze %dma_start3A_88 : memref<1x125xi32, #tpu.memory_space<vmem>> -> memref<125xi32, #tpu.memory_space<vmem>>
      %dma_start3A_90 = arith.constant 0 : i32
      %dma_start3A_91 = arith.constant 0 : i32
      %dma_start3A_92 = tpu.memref_slice %arg2[%dma_start3A_90, %dma_start3A_91] : memref<20480x128xf32, #tpu.memory_space<hbm>> -> memref<20480x128xf32, #tpu.memory_space<hbm>>
      tpu.enqueue_indirect_dma source(%dma_start3A_92 : memref<20480x128xf32, #tpu.memory_space<hbm>>) target(%arg9 : memref<125x128xf32, #tpu.memory_space<vmem>>) offsets(%dma_start3A_89 : memref<125xi32, #tpu.memory_space<vmem>>) semaphore(%arg12 : memref<!tpu.dma_semaphore, #tpu.memory_space<semaphore_mem>>)
      "tpu.region"() ({
        %run_scoped3A_105 = tpu.sem_alloc : memref<!tpu.dma_semaphore, #tpu.memory_space<semaphore_mem>>
        %dma_start3A_106 = arith.constant 0 : i32
        %dma_start3A_107 = tpu.memref_slice %arg7[%mul3A_75, %dma_start3A_106] : memref<160x125xi32, #tpu.memory_space<vmem>> -> memref<1x125xi32, #tpu.memory_space<vmem>>
        %dma_start3A_108 = tpu.memref_squeeze %dma_start3A_107 : memref<1x125xi32, #tpu.memory_space<vmem>> -> memref<125xi32, #tpu.memory_space<vmem>>
        %dma_start3A_109 = arith.constant 0 : i32
        %dma_start3A_110 = arith.constant 0 : i32
        %dma_start3A_111 = tpu.memref_slice %arg10[%dma_start3A_109, %dma_start3A_110] : memref<5248x128xf32, #tpu.memory_space<vmem_shared>> -> memref<5248x128xf32, #tpu.memory_space<vmem_shared>>
        tpu.enqueue_indirect_dma source(%arg8 : memref<125x128xf32, #tpu.memory_space<vmem>>) target(%dma_start3A_111 : memref<5248x128xf32, #tpu.memory_space<vmem_shared>>) offsets(%dma_start3A_108 : memref<125xi32, #tpu.memory_space<vmem>>) semaphore(%run_scoped3A_105 : memref<!tpu.dma_semaphore, #tpu.memory_space<semaphore_mem>>) {add = true}
        %dma_wait3A_112 = arith.constant 0 : i32
        %dma_wait3A_113 = tpu.memref_slice %arg7[%mul3A_75, %dma_wait3A_112] : memref<160x125xi32, #tpu.memory_space<vmem>> -> memref<1x125xi32, #tpu.memory_space<vmem>>
        %dma_wait3A_114 = tpu.memref_squeeze %dma_wait3A_113 : memref<1x125xi32, #tpu.memory_space<vmem>> -> memref<125xi32, #tpu.memory_space<vmem>>
        %dma_wait3A_115 = arith.constant 0 : i32
        %dma_wait3A_116 = arith.constant 0 : i32
        %dma_wait3A_117 = tpu.memref_slice %arg10[%dma_wait3A_115, %dma_wait3A_116] : memref<5248x128xf32, #tpu.memory_space<vmem_shared>> -> memref<5248x128xf32, #tpu.memory_space<vmem_shared>>
        tpu.wait_indirect_dma semaphore(%run_scoped3A_105 : memref<!tpu.dma_semaphore, #tpu.memory_space<semaphore_mem>>) src(%arg8 : memref<125x128xf32, #tpu.memory_space<vmem>>) dst(%dma_wait3A_117 : memref<5248x128xf32, #tpu.memory_space<vmem_shared>>)
        tpu.yield
      }) : () -> ()
      %dma_wait3A_93 = arith.constant 0 : i32
      %dma_wait3A_94 = tpu.memref_slice %arg6[%add3A_77, %dma_wait3A_93] : memref<160x125xi32, #tpu.memory_space<vmem>> -> memref<1x125xi32, #tpu.memory_space<vmem>>
      %dma_wait3A_95 = tpu.memref_squeeze %dma_wait3A_94 : memref<1x125xi32, #tpu.memory_space<vmem>> -> memref<125xi32, #tpu.memory_space<vmem>>
      %dma_wait3A_96 = arith.constant 0 : i32
      %dma_wait3A_97 = arith.constant 0 : i32
      %dma_wait3A_98 = tpu.memref_slice %arg2[%dma_wait3A_96, %dma_wait3A_97] : memref<20480x128xf32, #tpu.memory_space<hbm>> -> memref<20480x128xf32, #tpu.memory_space<hbm>>
      tpu.wait_indirect_dma semaphore(%arg12 : memref<!tpu.dma_semaphore, #tpu.memory_space<semaphore_mem>>) src(%dma_wait3A_98 : memref<20480x128xf32, #tpu.memory_space<hbm>>) dst(%arg9 : memref<125x128xf32, #tpu.memory_space<vmem>>)
      %dma_start3A_99 = arith.constant 0 : i32
      %dma_start3A_100 = tpu.memref_slice %arg6[%min3A_80, %dma_start3A_99] : memref<160x125xi32, #tpu.memory_space<vmem>> -> memref<1x125xi32, #tpu.memory_space<vmem>>
      %dma_start3A_101 = tpu.memref_squeeze %dma_start3A_100 : memref<1x125xi32, #tpu.memory_space<vmem>> -> memref<125xi32, #tpu.memory_space<vmem>>
      %dma_start3A_102 = arith.constant 0 : i32
      %dma_start3A_103 = arith.constant 0 : i32
      %dma_start3A_104 = tpu.memref_slice %arg2[%dma_start3A_102, %dma_start3A_103] : memref<20480x128xf32, #tpu.memory_space<hbm>> -> memref<20480x128xf32, #tpu.memory_space<hbm>>
      tpu.enqueue_indirect_dma source(%dma_start3A_104 : memref<20480x128xf32, #tpu.memory_space<hbm>>) target(%arg8 : memref<125x128xf32, #tpu.memory_space<vmem>>) offsets(%dma_start3A_101 : memref<125xi32, #tpu.memory_space<vmem>>) semaphore(%arg11 : memref<!tpu.dma_semaphore, #tpu.memory_space<semaphore_mem>>)
      "tpu.region"() ({
        %run_scoped3A_105 = tpu.sem_alloc : memref<!tpu.dma_semaphore, #tpu.memory_space<semaphore_mem>>
        %dma_start3A_106 = arith.constant 0 : i32
        %dma_start3A_107 = tpu.memref_slice %arg7[%add3A_77, %dma_start3A_106] : memref<160x125xi32, #tpu.memory_space<vmem>> -> memref<1x125xi32, #tpu.memory_space<vmem>>
        %dma_start3A_108 = tpu.memref_squeeze %dma_start3A_107 : memref<1x125xi32, #tpu.memory_space<vmem>> -> memref<125xi32, #tpu.memory_space<vmem>>
        %dma_start3A_109 = arith.constant 0 : i32
        %dma_start3A_110 = arith.constant 0 : i32
        %dma_start3A_111 = tpu.memref_slice %arg10[%dma_start3A_109, %dma_start3A_110] : memref<5248x128xf32, #tpu.memory_space<vmem_shared>> -> memref<5248x128xf32, #tpu.memory_space<vmem_shared>>
        tpu.enqueue_indirect_dma source(%arg9 : memref<125x128xf32, #tpu.memory_space<vmem>>) target(%dma_start3A_111 : memref<5248x128xf32, #tpu.memory_space<vmem_shared>>) offsets(%dma_start3A_108 : memref<125xi32, #tpu.memory_space<vmem>>) semaphore(%run_scoped3A_105 : memref<!tpu.dma_semaphore, #tpu.memory_space<semaphore_mem>>) {add = true}
        %dma_wait3A_112 = arith.constant 0 : i32
        %dma_wait3A_113 = tpu.memref_slice %arg7[%add3A_77, %dma_wait3A_112] : memref<160x125xi32, #tpu.memory_space<vmem>> -> memref<1x125xi32, #tpu.memory_space<vmem>>
        %dma_wait3A_114 = tpu.memref_squeeze %dma_wait3A_113 : memref<1x125xi32, #tpu.memory_space<vmem>> -> memref<125xi32, #tpu.memory_space<vmem>>
        %dma_wait3A_115 = arith.constant 0 : i32
        %dma_wait3A_116 = arith.constant 0 : i32
        %dma_wait3A_117 = tpu.memref_slice %arg10[%dma_wait3A_115, %dma_wait3A_116] : memref<5248x128xf32, #tpu.memory_space<vmem_shared>> -> memref<5248x128xf32, #tpu.memory_space<vmem_shared>>
        tpu.wait_indirect_dma semaphore(%run_scoped3A_105 : memref<!tpu.dma_semaphore, #tpu.memory_space<semaphore_mem>>) src(%arg9 : memref<125x128xf32, #tpu.memory_space<vmem>>) dst(%dma_wait3A_117 : memref<5248x128xf32, #tpu.memory_space<vmem_shared>>)
        tpu.yield
      }) : () -> ()
    }
    %scan3A_59 = arith.constant 80 : i32
    %dma_wait3A_60 = arith.constant 159 : i32
    %dma_wait3A_61 = arith.constant 0 : i32
    %dma_wait3A_62 = tpu.memref_slice %arg6[%dma_wait3A_60, %dma_wait3A_61] : memref<160x125xi32, #tpu.memory_space<vmem>> -> memref<1x125xi32, #tpu.memory_space<vmem>>
    %dma_wait3A_63 = tpu.memref_squeeze %dma_wait3A_62 : memref<1x125xi32, #tpu.memory_space<vmem>> -> memref<125xi32, #tpu.memory_space<vmem>>
    %dma_wait3A_64 = arith.constant 0 : i32
    %dma_wait3A_65 = arith.constant 0 : i32
    %dma_wait3A_66 = tpu.memref_slice %arg2[%dma_wait3A_64, %dma_wait3A_65] : memref<20480x128xf32, #tpu.memory_space<hbm>> -> memref<20480x128xf32, #tpu.memory_space<hbm>>
    tpu.wait_indirect_dma semaphore(%arg11 : memref<!tpu.dma_semaphore, #tpu.memory_space<semaphore_mem>>) src(%dma_wait3A_66 : memref<20480x128xf32, #tpu.memory_space<hbm>>) dst(%arg8 : memref<125x128xf32, #tpu.memory_space<vmem>>)
    %barrier3A_67 = arith.constant 0 : index
    tpu.barrier barrier_id(%barrier3A_67)
    %mul3A_68 = arith.constant 320 : i32
    %mul3A_69 = arith.muli %arg1, %mul3A_68 : i32
    %mul3A_70 = arith.constant 320 : i32
    %mul3A_71 = arith.muli %arg1, %mul3A_70 : i32
    %run_scoped3A_72 = arith.constant 1 : i32
    "tpu.region"() ({
      %run_scoped3A_73 = tpu.sem_alloc : memref<!tpu.dma_semaphore, #tpu.memory_space<semaphore_mem>>
      %dma_start3A_74 = arith.constant 0 : i32
      %dma_start3A_75 = tpu.memref_slice %arg5[%arg0, %run_scoped3A_72, %mul3A_71, %dma_start3A_74] : memref<2x2x5120x128xf32, #tpu.memory_space<hbm>> -> memref<1x1x320x128xf32, #tpu.memory_space<hbm>>
      %dma_start3A_76 = tpu.memref_squeeze %dma_start3A_75 : memref<1x1x320x128xf32, #tpu.memory_space<hbm>> -> memref<320x128xf32, #tpu.memory_space<hbm>>
      %dma_start3A_77 = arith.constant 0 : i32
      %dma_start3A_78 = tpu.memref_slice %arg10[%mul3A_69, %dma_start3A_77] : memref<5248x128xf32, #tpu.memory_space<vmem_shared>> -> memref<320x128xf32, #tpu.memory_space<vmem_shared>>
      tpu.enqueue_dma source(%dma_start3A_78 : memref<320x128xf32, #tpu.memory_space<vmem_shared>>) target(%dma_start3A_76 : memref<320x128xf32, #tpu.memory_space<hbm>>) target_semaphore(%run_scoped3A_73 : memref<!tpu.dma_semaphore, #tpu.memory_space<semaphore_mem>>)
      %dma_wait3A_79 = arith.constant 0 : i32
      %dma_wait3A_80 = tpu.memref_slice %arg5[%arg0, %run_scoped3A_72, %mul3A_71, %dma_wait3A_79] : memref<2x2x5120x128xf32, #tpu.memory_space<hbm>> -> memref<1x1x320x128xf32, #tpu.memory_space<hbm>>
      %dma_wait3A_81 = tpu.memref_squeeze %dma_wait3A_80 : memref<1x1x320x128xf32, #tpu.memory_space<hbm>> -> memref<320x128xf32, #tpu.memory_space<hbm>>
      %dma_wait3A_82 = arith.constant 0 : i32
      %dma_wait3A_83 = tpu.memref_slice %arg10[%mul3A_69, %dma_wait3A_82] : memref<5248x128xf32, #tpu.memory_space<vmem_shared>> -> memref<320x128xf32, #tpu.memory_space<vmem_shared>>
      tpu.wait_dma2 semaphore(%run_scoped3A_73 : memref<!tpu.dma_semaphore, #tpu.memory_space<semaphore_mem>>) src(%dma_wait3A_83 : memref<320x128xf32, #tpu.memory_space<vmem_shared>>) dst(%dma_wait3A_81 : memref<320x128xf32, #tpu.memory_space<hbm>>)
      tpu.yield
    }) : () -> ()
    return
  }
}

module attributes {stable_mosaic.version = 14 : i64} {
  func.func @_tc1_body(%arg0: memref<2x5248x16xf32, #tpu.memory_space<vmem>>, %arg1: memref<10240x128xf32, #tpu.memory_space<vmem>>, %arg2: memref<10240x1xf32, #tpu.memory_space<vmem>>, %arg3: memref<10240x128xf32, #tpu.memory_space<vmem>>) attributes {dimension_semantics = [], scalar_prefetch = 0 : i64, scratch_operands = 0 : i64, tpu.core_type = #tpu.core_type<tc>} {
    %get3A = arith.constant 0 : index
    %get3A_0 = arith.constant 0 : index
    %get3A_1 = arith.constant 0 : index
    %get3A_2 = vector.load %arg0[%get3A, %get3A_0, %get3A_1] : memref<2x5248x16xf32, #tpu.memory_space<vmem>>, vector<1x5120x1xf32>
    %get3A_3 = vector.shape_cast %get3A_2 : vector<1x5120x1xf32> to vector<5120x1xf32>
    %get3A_4 = arith.constant 1 : index
    %get3A_5 = arith.constant 0 : index
    %get3A_6 = arith.constant 0 : index
    %get3A_7 = vector.load %arg0[%get3A_4, %get3A_5, %get3A_6] : memref<2x5248x16xf32, #tpu.memory_space<vmem>>, vector<1x5120x1xf32>
    %get3A_8 = vector.shape_cast %get3A_7 : vector<1x5120x1xf32> to vector<5120x1xf32>
    %concatenate3A = tpu.concatenate %get3A_3, %get3A_8 in 0 : vector<5120x1xf32>, vector<5120x1xf32> -> vector<10240x1xf32>
    %iota3A = tpu.iota {dimensions = array<i32: 0>} : vector<10240x1xi32>
    %lt3A = arith.constant 10000 : i32
    %lt3A_9 = vector.broadcast %lt3A : i32 to vector<10240x1xi32>
    %lt3A_10 = arith.cmpi slt, %iota3A, %lt3A_9 : vector<10240x1xi32>
    %rsqrt3A = math.rsqrt %concatenate3A : vector<10240x1xf32>
    %jit3A = arith.constant 0.000000e+00 : f32
    %broadcast_in_dim3A = vector.broadcast %jit3A : f32 to vector<10240x1xf32>
    %select_n3A = arith.select %lt3A_10, %rsqrt3A, %broadcast_in_dim3A : vector<10240x1xi1>, vector<10240x1xf32>
    %swap3A = arith.constant 0 : index
    %swap3A_11 = arith.constant 0 : index
    %swap3A_12 = vector.load %arg2[%swap3A, %swap3A_11] : memref<10240x1xf32, #tpu.memory_space<vmem>>, vector<10240x1xf32>
    tpu.vector_store %arg2[%swap3A, %swap3A_11], %select_n3A {strides = array<i32>} : memref<10240x1xf32, #tpu.memory_space<vmem>>, vector<10240x1xf32>,
    %get3A_13 = arith.constant 0 : index
    %get3A_14 = arith.constant 0 : index
    %get3A_15 = vector.load %arg1[%get3A_13, %get3A_14] : memref<10240x128xf32, #tpu.memory_space<vmem>>, vector<10240x128xf32>
    %mul3A = vector.broadcast %select_n3A : vector<10240x1xf32> to vector<10240x128xf32>
    %mul3A_16 = arith.mulf %get3A_15, %mul3A : vector<10240x128xf32>
    %swap3A_17 = arith.constant 0 : index
    %swap3A_18 = arith.constant 0 : index
    %swap3A_19 = vector.load %arg3[%swap3A_17, %swap3A_18] : memref<10240x128xf32, #tpu.memory_space<vmem>>, vector<10240x128xf32>
    tpu.vector_store %arg3[%swap3A_17, %swap3A_18], %mul3A_16 {strides = array<i32>} : memref<10240x128xf32, #tpu.memory_space<vmem>>, vector<10240x128xf32>,
    return
  }
}

module attributes {stable_mosaic.version = 14 : i64} {
  func.func @_tc2_body(%arg0: i32, %arg1: memref<2x640x128xf32, #tpu.memory_space<vmem>>, %arg2: memref<640x128xf32, #tpu.memory_space<vmem>>, %arg3: memref<640x1xf32, #tpu.memory_space<vmem>>, %arg4: memref<128x256xf32, #tpu.memory_space<vmem>>, %arg5: memref<1x256xf32, #tpu.memory_space<vmem>>, %arg6: memref<2x640x128xf32, #tpu.memory_space<vmem>>) attributes {dimension_semantics = [#tpu.dimension_semantics<arbitrary>], iteration_bounds = array<i64: 16>, scalar_prefetch = 0 : i64, scratch_operands = 0 : i64, tpu.core_type = #tpu.core_type<tc>, window_params = [{transform_indices = @transform_0, window_bounds = array<i64: 2, 640, 128>}, {transform_indices = @transform_1, window_bounds = array<i64: 640, 128>}, {transform_indices = @transform_2, window_bounds = array<i64: 640, 1>}, {pipeline_mode = #tpu.pipeline_mode<synchronous>, transform_indices = @transform_3, window_bounds = array<i64: 128, 256>}, {pipeline_mode = #tpu.pipeline_mode<synchronous>, transform_indices = @transform_4, window_bounds = array<i64: 1, 256>}, {transform_indices = @transform_5, window_bounds = array<i64: 2, 640, 128>}]} {
    %get3A = arith.constant 0 : index
    %get3A_0 = arith.constant 0 : index
    %get3A_1 = vector.load %arg3[%get3A, %get3A_0] : memref<640x1xf32, #tpu.memory_space<vmem>>, vector<640x1xf32>
    %get3A_2 = arith.constant 0 : index
    %get3A_3 = arith.constant 0 : index
    %get3A_4 = arith.constant 0 : index
    %get3A_5 = vector.load %arg1[%get3A_2, %get3A_3, %get3A_4] : memref<2x640x128xf32, #tpu.memory_space<vmem>>, vector<1x640x128xf32>
    %get3A_6 = vector.shape_cast %get3A_5 : vector<1x640x128xf32> to vector<640x128xf32>
    %get3A_7 = arith.constant 1 : index
    %get3A_8 = arith.constant 0 : index
    %get3A_9 = arith.constant 0 : index
    %get3A_10 = vector.load %arg1[%get3A_7, %get3A_8, %get3A_9] : memref<2x640x128xf32, #tpu.memory_space<vmem>>, vector<1x640x128xf32>
    %get3A_11 = vector.shape_cast %get3A_10 : vector<1x640x128xf32> to vector<640x128xf32>
    %add3A = arith.addf %get3A_6, %get3A_11 : vector<640x128xf32>
    %get3A_12 = arith.constant 0 : index
    %get3A_13 = arith.constant 0 : index
    %get3A_14 = vector.load %arg2[%get3A_12, %get3A_13] : memref<640x128xf32, #tpu.memory_space<vmem>>, vector<640x128xf32>
    %sub3A = arith.subf %add3A, %get3A_14 : vector<640x128xf32>
    %mul3A = vector.broadcast %get3A_1 : vector<640x1xf32> to vector<640x128xf32>
    %mul3A_15 = arith.mulf %sub3A, %mul3A : vector<640x128xf32>
    %get3A_16 = arith.constant 0 : index
    %get3A_17 = arith.constant 0 : index
    %get3A_18 = vector.load %arg4[%get3A_16, %get3A_17] : memref<128x256xf32, #tpu.memory_space<vmem>>, vector<128x256xf32>
    %dot_general3A = arith.constant dense<0.000000e+00> : vector<640x256xf32>
    %dot_general3A_19 = tpu.matmul %mul3A_15, %get3A_18, %dot_general3A {dimension_numbers = #tpu.dot_dimension_numbers<[1], [0], [0], [1], [0, 0, 1, 1], [], []>, transpose_lhs_hint = false} : vector<640x128xf32>, vector<128x256xf32>, vector<640x256xf32> -> vector<640x256xf32>
    %get3A_20 = arith.constant 0 : index
    %get3A_21 = arith.constant 0 : index
    %get3A_22 = vector.load %arg5[%get3A_20, %get3A_21] : memref<1x256xf32, #tpu.memory_space<vmem>>, vector<1x256xf32>
    %add3A_23 = vector.broadcast %get3A_22 : vector<1x256xf32> to vector<640x256xf32>
    %add3A_24 = arith.addf %dot_general3A_19, %add3A_23 : vector<640x256xf32>
    %ge3A = arith.constant 0.000000e+00 : f32
    %ge3A_25 = vector.broadcast %ge3A : f32 to vector<640x256xf32>
    %ge3A_26 = arith.cmpf oge, %add3A_24, %ge3A_25 : vector<640x256xf32>
    %mul3A_27 = arith.constant 0.00999999977 : f32
    %mul3A_28 = vector.broadcast %mul3A_27 : f32 to vector<640x256xf32>
    %mul3A_29 = arith.mulf %mul3A_28, %add3A_24 : vector<640x256xf32>
    %select_n3A = arith.select %ge3A_26, %add3A_24, %mul3A_29 : vector<640x256xi1>, vector<640x256xf32>
    %mul3A_30 = vector.broadcast %get3A_1 : vector<640x1xf32> to vector<640x256xf32>
    %mul3A_31 = arith.mulf %select_n3A, %mul3A_30 : vector<640x256xf32>
    %slice3A = vector.extract_strided_slice %mul3A_31 {offsets = [0, 0], sizes = [640, 128], strides = [1, 1]} : vector<640x256xf32> to vector<640x128xf32>
    %swap3A = arith.constant 0 : index
    %swap3A_32 = arith.constant 0 : index
    %swap3A_33 = arith.constant 0 : index
    %swap3A_34 = vector.load %arg6[%swap3A, %swap3A_32, %swap3A_33] : memref<2x640x128xf32, #tpu.memory_space<vmem>>, vector<1x640x128xf32>
    %swap3A_35 = vector.shape_cast %swap3A_34 : vector<1x640x128xf32> to vector<640x128xf32>
    %swap3A_36 = vector.shape_cast %slice3A : vector<640x128xf32> to vector<1x640x128xf32>
    tpu.vector_store %arg6[%swap3A, %swap3A_32, %swap3A_33], %swap3A_36 {strides = array<i32>} : memref<2x640x128xf32, #tpu.memory_space<vmem>>, vector<1x640x128xf32>,
    %slice3A_37 = vector.extract_strided_slice %mul3A_31 {offsets = [0, 128], sizes = [640, 128], strides = [1, 1]} : vector<640x256xf32> to vector<640x128xf32>
    %swap3A_38 = arith.constant 1 : index
    %swap3A_39 = arith.constant 0 : index
    %swap3A_40 = arith.constant 0 : index
    %swap3A_41 = vector.load %arg6[%swap3A_38, %swap3A_39, %swap3A_40] : memref<2x640x128xf32, #tpu.memory_space<vmem>>, vector<1x640x128xf32>
    %swap3A_42 = vector.shape_cast %swap3A_41 : vector<1x640x128xf32> to vector<640x128xf32>
    %swap3A_43 = vector.shape_cast %slice3A_37 : vector<640x128xf32> to vector<1x640x128xf32>
    tpu.vector_store %arg6[%swap3A_38, %swap3A_39, %swap3A_40], %swap3A_43 {strides = array<i32>} : memref<2x640x128xf32, #tpu.memory_space<vmem>>, vector<1x640x128xf32>,
    return
  }
  func.func @transform_0(%arg0: i32) -> (i32, i32, i32) {
    %c0_i32 = arith.constant 0 : i32
    %c0_i32_0 = arith.constant 0 : i32
    %c0_i32_1 = arith.constant 0 : i32
    return %c0_i32, %arg0, %c0_i32_0 : i32, i32, i32
  }
  func.func @transform_1(%arg0: i32) -> (i32, i32) {
    %c0_i32 = arith.constant 0 : i32
    %c0_i32_0 = arith.constant 0 : i32
    return %arg0, %c0_i32 : i32, i32
  }
  func.func @transform_2(%arg0: i32) -> (i32, i32) {
    %c0_i32 = arith.constant 0 : i32
    %c0_i32_0 = arith.constant 0 : i32
    return %arg0, %c0_i32 : i32, i32
  }
  func.func @transform_3(%arg0: i32) -> (i32, i32) {
    %c0_i32 = arith.constant 0 : i32
    %c0_i32_0 = arith.constant 0 : i32
    %c0_i32_1 = arith.constant 0 : i32
    return %c0_i32, %c0_i32_0 : i32, i32
  }
  func.func @transform_4(%arg0: i32) -> (i32, i32) {
    %c0_i32 = arith.constant 0 : i32
    %c0_i32_0 = arith.constant 0 : i32
    %c0_i32_1 = arith.constant 0 : i32
    return %c0_i32, %c0_i32_0 : i32, i32
  }
  func.func @transform_5(%arg0: i32) -> (i32, i32, i32) {
    %c0_i32 = arith.constant 0 : i32
    %c0_i32_0 = arith.constant 0 : i32
    %c0_i32_1 = arith.constant 0 : i32
    return %c0_i32, %arg0, %c0_i32_0 : i32, i32, i32
  }
}

module attributes {stable_mosaic.version = 14 : i64} {
  func.func @_tc3_body(%arg0: i32, %arg1: memref<2x1000x128xf32, #tpu.memory_space<vmem>>, %arg2: memref<1000x1xf32, #tpu.memory_space<vmem>>, %arg3: memref<256x256xf32, #tpu.memory_space<vmem>>, %arg4: memref<1x256xf32, #tpu.memory_space<vmem>>, %arg5: memref<256x512xf32, #tpu.memory_space<vmem>>, %arg6: memref<1x512xf32, #tpu.memory_space<vmem>>, %arg7: memref<512x128xf32, #tpu.memory_space<vmem>>, %arg8: memref<1x128xf32, #tpu.memory_space<vmem>>, %arg9: memref<1x128xf32, #tpu.memory_space<vmem>>, %arg10: memref<1x256xf32, #tpu.memory_space<vmem>>) attributes {dimension_semantics = [#tpu.dimension_semantics<arbitrary>], iteration_bounds = array<i64: 10>, scalar_prefetch = 0 : i64, scratch_operands = 1 : i64, tpu.core_type = #tpu.core_type<tc>, window_params = [{transform_indices = @transform_0, window_bounds = array<i64: 2, 1000, 128>}, {transform_indices = @transform_1, window_bounds = array<i64: 1000, 1>}, {pipeline_mode = #tpu.pipeline_mode<synchronous>, transform_indices = @transform_2, window_bounds = array<i64: 256, 256>}, {pipeline_mode = #tpu.pipeline_mode<synchronous>, transform_indices = @transform_3, window_bounds = array<i64: 1, 256>}, {pipeline_mode = #tpu.pipeline_mode<synchronous>, transform_indices = @transform_4, window_bounds = array<i64: 256, 512>}, {pipeline_mode = #tpu.pipeline_mode<synchronous>, transform_indices = @transform_5, window_bounds = array<i64: 1, 512>}, {pipeline_mode = #tpu.pipeline_mode<synchronous>, transform_indices = @transform_6, window_bounds = array<i64: 512, 128>}, {pipeline_mode = #tpu.pipeline_mode<synchronous>, transform_indices = @transform_7, window_bounds = array<i64: 1, 128>}, {pipeline_mode = #tpu.pipeline_mode<synchronous>, transform_indices = @transform_8, window_bounds = array<i64: 1, 128>}]} {
    %get3A = arith.constant 0 : index
    %get3A_0 = arith.constant 0 : index
    %get3A_1 = arith.constant 0 : index
    %get3A_2 = vector.load %arg1[%get3A, %get3A_0, %get3A_1] : memref<2x1000x128xf32, #tpu.memory_space<vmem>>, vector<1x1000x128xf32>
    %get3A_3 = vector.shape_cast %get3A_2 : vector<1x1000x128xf32> to vector<1000x128xf32>
    %get3A_4 = arith.constant 1 : index
    %get3A_5 = arith.constant 0 : index
    %get3A_6 = arith.constant 0 : index
    %get3A_7 = vector.load %arg1[%get3A_4, %get3A_5, %get3A_6] : memref<2x1000x128xf32, #tpu.memory_space<vmem>>, vector<1x1000x128xf32>
    %get3A_8 = vector.shape_cast %get3A_7 : vector<1x1000x128xf32> to vector<1000x128xf32>
    %concatenate3A = tpu.concatenate %get3A_3, %get3A_8 in 1 : vector<1000x128xf32>, vector<1000x128xf32> -> vector<1000x256xf32>
    %get3A_9 = arith.constant 0 : index
    %get3A_10 = arith.constant 0 : index
    %get3A_11 = vector.load %arg2[%get3A_9, %get3A_10] : memref<1000x1xf32, #tpu.memory_space<vmem>>, vector<1000x1xf32>
    %mul3A = vector.broadcast %get3A_11 : vector<1000x1xf32> to vector<1000x256xf32>
    %mul3A_12 = arith.mulf %concatenate3A, %mul3A : vector<1000x256xf32>
    %get3A_13 = arith.constant 0 : index
    %get3A_14 = arith.constant 0 : index
    %get3A_15 = vector.load %arg3[%get3A_13, %get3A_14] : memref<256x256xf32, #tpu.memory_space<vmem>>, vector<256x256xf32>
    %dot_general3A = arith.constant dense<0.000000e+00> : vector<1000x256xf32>
    %dot_general3A_16 = tpu.matmul %mul3A_12, %get3A_15, %dot_general3A {dimension_numbers = #tpu.dot_dimension_numbers<[1], [0], [0], [1], [0, 0, 1, 1], [], []>, transpose_lhs_hint = false} : vector<1000x256xf32>, vector<256x256xf32>, vector<1000x256xf32> -> vector<1000x256xf32>
    %get3A_17 = arith.constant 0 : index
    %get3A_18 = arith.constant 0 : index
    %get3A_19 = vector.load %arg4[%get3A_17, %get3A_18] : memref<1x256xf32, #tpu.memory_space<vmem>>, vector<1x256xf32>
    %add3A = vector.broadcast %get3A_19 : vector<1x256xf32> to vector<1000x256xf32>
    %add3A_20 = arith.addf %dot_general3A_16, %add3A : vector<1000x256xf32>
    %ge3A = arith.constant 0.000000e+00 : f32
    %ge3A_21 = vector.broadcast %ge3A : f32 to vector<1000x256xf32>
    %ge3A_22 = arith.cmpf oge, %add3A_20, %ge3A_21 : vector<1000x256xf32>
    %mul3A_23 = arith.constant 0.00999999977 : f32
    %mul3A_24 = vector.broadcast %mul3A_23 : f32 to vector<1000x256xf32>
    %mul3A_25 = arith.mulf %mul3A_24, %add3A_20 : vector<1000x256xf32>
    %select_n3A = arith.select %ge3A_22, %add3A_20, %mul3A_25 : vector<1000x256xi1>, vector<1000x256xf32>
    %reduce_sum3A = arith.constant dense<0.000000e+00> : vector<256xf32>
    %reduce_sum3A_26 = vector.multi_reduction <add>, %select_n3A, %reduce_sum3A [0] : vector<1000x256xf32> to vector<256xf32>
    %broadcast_in_dim3A = vector.shape_cast %reduce_sum3A_26 : vector<256xf32> to vector<1x256xf32>
    %eq3A = arith.constant 0 : i32
    %eq3A_27 = arith.cmpi eq, %arg0, %eq3A : i32
    %convert_element_type3A = arith.extui %eq3A_27 : i1 to i32
    %cond3A = arith.constant 0 : i32
    %cond3A_28 = arith.cmpi ne, %convert_element_type3A, %cond3A : i32
    scf.if %cond3A_28 {
      %swap3A = arith.constant 0 : index
      %swap3A_38 = arith.constant 0 : index
      %swap3A_39 = vector.load %arg10[%swap3A, %swap3A_38] : memref<1x256xf32, #tpu.memory_space<vmem>>, vector<1x256xf32>
      tpu.vector_store %arg10[%swap3A, %swap3A_38], %broadcast_in_dim3A {strides = array<i32>} : memref<1x256xf32, #tpu.memory_space<vmem>>, vector<1x256xf32>,
    } else {
    }
    %gt3A = arith.constant 0 : i32
    %gt3A_29 = arith.cmpi sgt, %arg0, %gt3A : i32
    %convert_element_type3A_30 = arith.extui %gt3A_29 : i1 to i32
    %cond3A_31 = arith.constant 0 : i32
    %cond3A_32 = arith.cmpi ne, %convert_element_type3A_30, %cond3A_31 : i32
    scf.if %cond3A_32 {
      %get3A_38 = arith.constant 0 : index
      %get3A_39 = arith.constant 0 : index
      %get3A_40 = vector.load %arg10[%get3A_38, %get3A_39] : memref<1x256xf32, #tpu.memory_space<vmem>>, vector<1x256xf32>
      %add3A_41 = arith.addf %get3A_40, %broadcast_in_dim3A : vector<1x256xf32>
      %swap3A = arith.constant 0 : index
      %swap3A_42 = arith.constant 0 : index
      %swap3A_43 = vector.load %arg10[%swap3A, %swap3A_42] : memref<1x256xf32, #tpu.memory_space<vmem>>, vector<1x256xf32>
      tpu.vector_store %arg10[%swap3A, %swap3A_42], %add3A_41 {strides = array<i32>} : memref<1x256xf32, #tpu.memory_space<vmem>>, vector<1x256xf32>,
    } else {
    }
    %eq3A_33 = arith.constant 9 : i32
    %eq3A_34 = arith.cmpi eq, %arg0, %eq3A_33 : i32
    %convert_element_type3A_35 = arith.extui %eq3A_34 : i1 to i32
    %cond3A_36 = arith.constant 0 : i32
    %cond3A_37 = arith.cmpi ne, %convert_element_type3A_35, %cond3A_36 : i32
    scf.if %cond3A_37 {
      %get3A_38 = arith.constant 0 : index
      %get3A_39 = arith.constant 0 : index
      %get3A_40 = vector.load %arg10[%get3A_38, %get3A_39] : memref<1x256xf32, #tpu.memory_space<vmem>>, vector<1x256xf32>
      %mul3A_41 = arith.constant 9.99999974E-5 : f32
      %mul3A_42 = vector.broadcast %mul3A_41 : f32 to vector<1x256xf32>
      %mul3A_43 = arith.mulf %get3A_40, %mul3A_42 : vector<1x256xf32>
      %get3A_44 = arith.constant 0 : index
      %get3A_45 = arith.constant 0 : index
      %get3A_46 = vector.load %arg5[%get3A_44, %get3A_45] : memref<256x512xf32, #tpu.memory_space<vmem>>, vector<256x512xf32>
      %dot_general3A_47 = arith.constant dense<0.000000e+00> : vector<1x512xf32>
      %dot_general3A_48 = tpu.matmul %mul3A_43, %get3A_46, %dot_general3A_47 {dimension_numbers = #tpu.dot_dimension_numbers<[1], [0], [0], [1], [0, 0, 1, 1], [], []>, transpose_lhs_hint = false} : vector<1x256xf32>, vector<256x512xf32>, vector<1x512xf32> -> vector<1x512xf32>
      %get3A_49 = arith.constant 0 : index
      %get3A_50 = arith.constant 0 : index
      %get3A_51 = vector.load %arg6[%get3A_49, %get3A_50] : memref<1x512xf32, #tpu.memory_space<vmem>>, vector<1x512xf32>
      %add3A_52 = arith.addf %dot_general3A_48, %get3A_51 : vector<1x512xf32>
      %ge3A_53 = arith.constant 0.000000e+00 : f32
      %ge3A_54 = vector.broadcast %ge3A_53 : f32 to vector<1x512xf32>
      %ge3A_55 = arith.cmpf oge, %add3A_52, %ge3A_54 : vector<1x512xf32>
      %mul3A_56 = arith.constant 0.00999999977 : f32
      %mul3A_57 = vector.broadcast %mul3A_56 : f32 to vector<1x512xf32>
      %mul3A_58 = arith.mulf %mul3A_57, %add3A_52 : vector<1x512xf32>
      %select_n3A_59 = arith.select %ge3A_55, %add3A_52, %mul3A_58 : vector<1x512xi1>, vector<1x512xf32>
      %get3A_60 = arith.constant 0 : index
      %get3A_61 = arith.constant 0 : index
      %get3A_62 = vector.load %arg7[%get3A_60, %get3A_61] : memref<512x128xf32, #tpu.memory_space<vmem>>, vector<512x128xf32>
      %dot_general3A_63 = arith.constant dense<0.000000e+00> : vector<1x128xf32>
      %dot_general3A_64 = tpu.matmul %select_n3A_59, %get3A_62, %dot_general3A_63 {dimension_numbers = #tpu.dot_dimension_numbers<[1], [0], [0], [1], [0, 0, 1, 1], [], []>, transpose_lhs_hint = false} : vector<1x512xf32>, vector<512x128xf32>, vector<1x128xf32> -> vector<1x128xf32>
      %get3A_65 = arith.constant 0 : index
      %get3A_66 = arith.constant 0 : index
      %get3A_67 = vector.load %arg8[%get3A_65, %get3A_66] : memref<1x128xf32, #tpu.memory_space<vmem>>, vector<1x128xf32>
      %add3A_68 = arith.addf %dot_general3A_64, %get3A_67 : vector<1x128xf32>
      %ge3A_69 = arith.constant 0.000000e+00 : f32
      %ge3A_70 = vector.broadcast %ge3A_69 : f32 to vector<1x128xf32>
      %ge3A_71 = arith.cmpf oge, %add3A_68, %ge3A_70 : vector<1x128xf32>
      %mul3A_72 = arith.constant 0.00999999977 : f32
      %mul3A_73 = vector.broadcast %mul3A_72 : f32 to vector<1x128xf32>
      %mul3A_74 = arith.mulf %mul3A_73, %add3A_68 : vector<1x128xf32>
      %select_n3A_75 = arith.select %ge3A_71, %add3A_68, %mul3A_74 : vector<1x128xi1>, vector<1x128xf32>
      %swap3A = arith.constant 0 : index
      %swap3A_76 = arith.constant 0 : index
      %swap3A_77 = vector.load %arg9[%swap3A, %swap3A_76] : memref<1x128xf32, #tpu.memory_space<vmem>>, vector<1x128xf32>
      tpu.vector_store %arg9[%swap3A, %swap3A_76], %select_n3A_75 {strides = array<i32>} : memref<1x128xf32, #tpu.memory_space<vmem>>, vector<1x128xf32>,
    } else {
    }
    return
  }
  func.func @transform_0(%arg0: i32) -> (i32, i32, i32) {
    %c0_i32 = arith.constant 0 : i32
    %c0_i32_0 = arith.constant 0 : i32
    %c0_i32_1 = arith.constant 0 : i32
    return %c0_i32, %arg0, %c0_i32_0 : i32, i32, i32
  }
  func.func @transform_1(%arg0: i32) -> (i32, i32) {
    %c0_i32 = arith.constant 0 : i32
    %c0_i32_0 = arith.constant 0 : i32
    return %arg0, %c0_i32 : i32, i32
  }
  func.func @transform_2(%arg0: i32) -> (i32, i32) {
    %c0_i32 = arith.constant 0 : i32
    %c0_i32_0 = arith.constant 0 : i32
    %c0_i32_1 = arith.constant 0 : i32
    return %c0_i32, %c0_i32_0 : i32, i32
  }
  func.func @transform_3(%arg0: i32) -> (i32, i32) {
    %c0_i32 = arith.constant 0 : i32
    %c0_i32_0 = arith.constant 0 : i32
    %c0_i32_1 = arith.constant 0 : i32
    return %c0_i32, %c0_i32_0 : i32, i32
  }
  func.func @transform_4(%arg0: i32) -> (i32, i32) {
    %c0_i32 = arith.constant 0 : i32
    %c0_i32_0 = arith.constant 0 : i32
    %c0_i32_1 = arith.constant 0 : i32
    return %c0_i32, %c0_i32_0 : i32, i32
  }
  func.func @transform_5(%arg0: i32) -> (i32, i32) {
    %c0_i32 = arith.constant 0 : i32
    %c0_i32_0 = arith.constant 0 : i32
    %c0_i32_1 = arith.constant 0 : i32
    return %c0_i32, %c0_i32_0 : i32, i32
  }
  func.func @transform_6(%arg0: i32) -> (i32, i32) {
    %c0_i32 = arith.constant 0 : i32
    %c0_i32_0 = arith.constant 0 : i32
    %c0_i32_1 = arith.constant 0 : i32
    return %c0_i32, %c0_i32_0 : i32, i32
  }
  func.func @transform_7(%arg0: i32) -> (i32, i32) {
    %c0_i32 = arith.constant 0 : i32
    %c0_i32_0 = arith.constant 0 : i32
    %c0_i32_1 = arith.constant 0 : i32
    return %c0_i32, %c0_i32_0 : i32, i32
  }
  func.func @transform_8(%arg0: i32) -> (i32, i32) {
    %c0_i32 = arith.constant 0 : i32
    %c0_i32_0 = arith.constant 0 : i32
    %c0_i32_1 = arith.constant 0 : i32
    return %c0_i32, %c0_i32_0 : i32, i32
  }
}

</mosaic_0001>

<sc_bundles>
// kernel: kernel.11.cloned.1.call-start
scs
__scs_entry_jumppad:
0x0: {  	(pc) =	sbr.rel $0x88, $3  }
0x1: {  	(tag) =	ssettag $0x0;
	lr =	simm.s32 $0x1  }
0x2: {  	[smem:$0x3F97] =	sst lr;
	_ =	strace $0xD0000000  }
0x3: {  	_ = 	snop  }
0x4: {  	_ = 	snop  }
0x5: {  	_ = 	snop  }
0x6: {  	_ = 	snop  }
0x7: {  	_ = 	snop  }
__scs_overlays_trampoline_lowered:
0x8: {  	[smem:$0x3FA6] =	sst s0  }
0x9: {  	[smem:$0x3FA7] =	sst s1  }
0xa: {  	[smem:$0x3FA8] =	sst s2  }
0xb: {  	[smem:$0x3FA9] =	sst s3  }
0xc: {  	[smem:$0x3FAA] =	sst s4  }
0xd: {  	[smem:$0x3FAB] =	sst s5  }
0xe: {  	[smem:$0x3FAC] =	sst s6  }
0xf: {  	[smem:$0x3FAD] =	sst s7  }
0x10: {  	[smem:$0x3FAE] =	sst s8  }
0x11: {  	[smem:$0x3FAF] =	sst s9;
	s0 =	simm.s32 @!p0 $0x0  }
0x12: {  	s1 =	sld [smem:$0x3F95];
	s0 =	simm.s32 @p0 $0x1  }
0x13: {  	[smem:$0x3FB0] =	sst s0;
	s0 =	simm.s32 @!p1 $0x0  }
0x14: {  	s2 =	sld [smem:$0x3F94];
	s0 =	simm.s32 @p1 $0x1  }
0x15: {  	[smem:$0x3FB1] =	sst s0;
	s0 =	simm.s32 @!p2 $0x0  }
0x16: {  	s3 =	sld [smem:$0x3FDB];
	s0 =	simm.s32 @p2 $0x1  }
0x17: {  	s4 =	simm.s32 $0x1BF5;
	[smem:$0x3FB3] =	sst s0  }
0x18: {  	s0 =	sld [smem:$0x3F96];
	_ =	swait.ge [sflag:s4], $0x0  }
0x19: {  	s7 =	sld [smem:$0x3F97]  }
0x1a: {  	s8 =	sadd.s32 $0xFFFFE003, lr  }
0x1b: {  	s9 =	sadd.s32 $0xFFFFFEF7, lr;
	s5 =	simm.s32 $0xFFFFFFFF;
	p2 =	slt.u32 s8, $0xFFFFF086  }
0x1c: {  	p1 =	slt.u32 s9, $0xF7A;
	s5 =	simm.s32 @!p2 $0x0  }
0x1d: {  	s5 =	simm.s32 @p1 $0x1;
	p0 =	seq.s32 s7, s2  }
0x1e: {  	s7 =	smul.u32 @!p0 $0xF7A, s2;
	p2 =	seq.s32 @!p0 s5, $0x0  }
0x1f: {  	s9 =	smul.u32 $0xF7A, s1;
	s8 =	simm.s32 @!p0 $0x1BF5;
	p2 =	por !p2, p0  }
0x20: {  	[sflag:s8] =	ssyncset.s32 @!p0 $0xFFFFF086;
	s6 =	sadd.s32 @!p0 s3, s7;
	s7 =	simm.s32 @!p0 $0x108  }
0x21: {  	s3 =	sadd.s32 s3, s9;
	s6 =	sadd.s32 @!p0 $0x88, s6;
	s7 =	simm.s32 @p2 $0x1082  }
0x22: {  	[simem:s7], [sflag:s8] =	dma.local @!p0 [hbm:s6], $0xF7A  }
0x23: {  	s9 =	sor.u32 $0xD0000000, s2;
	s6 =	simm.s32 $0x108;
	_ =	swait.ge @!p0 [sflag:s8], $0x0  }
0x24: {  	s3 =	sadd.s32 $0x88, s3;
	s6 =	simm.s32 @!p1 $0x1082;
	[sflag:s4] =	ssyncset.s32 $0xFFFFF086  }
0x25: {  	[simem:s6], [sflag:s4] =	dma.local [hbm:s3], $0xF7A  }
0x26: {  	[smem:$0x3F97] =	sst s1;
	(tag) =	ssettag s2;
	_ =	strace s9  }
0x27: {  	s1 =	sld [smem:$0x3FA7]  }
0x28: {  	s2 =	sld [smem:$0x3FA8]  }
0x29: {  	s4 =	sld [smem:$0x3FAA]  }
0x2a: {  	p0 =	seq.s32 s5, $0x0;
	s5 =	sld [smem:$0x3FAB]  }
0x2b: {  	s6 =	sld [smem:$0x3FAC]  }
0x2c: {  	s7 =	sld [smem:$0x3FAD]  }
0x2d: {  	s3 =	simm.s32 $0x108;
	s8 =	sld [smem:$0x3FAE]  }
0x2e: {  	s3 =	simm.s32 @!p0 $0x1082;
	s9 =	sld [smem:$0x3FAF]  }
0x2f: {  	lr =	sadd.s32 s0, s3;
	s0 =	sld [smem:$0x3FA6]  }
0x30: {  	s3 =	sld [smem:$0x3FA9]  }
0x31: {  	[smem:$0x3FB2] =	sst s10  }
0x32: {  	s10 =	sld [smem:$0x3FB0];
	_ =	sdelay $0x3  }
0x33: {  	p0 =	seq.s32 s10, $0x1;
	s10 =	sld [smem:$0x3FB2];
	_ =	sdelay $0x3  }
0x34: {  	[smem:$0x3FB2] =	sst s10  }
0x35: {  	s10 =	sld [smem:$0x3FB1];
	_ =	sdelay $0x3  }
0x36: {  	p1 =	seq.s32 s10, $0x1;
	s10 =	sld [smem:$0x3FB2];
	_ =	sdelay $0x3  }
0x37: {  	[smem:$0x3FB2] =	sst s10  }
0x38: {  	s10 =	sld [smem:$0x3FB3]  }
0x39: {  	_ = 	snop;
	(pc) =	sbr.ind lr, $3  }
0x3a: {  	_ = 	snop  }
0x3b: {  	_ = 	snop  }
0x3c: {  	p2 =	seq.s32 s10, $0x1;
	s10 =	sld [smem:$0x3FB2]  }
0x3d: {  	_ =	shalt  }
0x3e: {  	_ =	shalt  }
0x3f: {  	_ =	shalt  }
0x40: {  	_ =	shalt  }
0x41: {  	_ =	shalt  }
0x42: {  	_ =	shalt  }
0x43: {  	_ =	shalt  }
0x44: {  	_ =	shalt  }
0x45: {  	_ =	shalt  }
0x46: {  	_ =	shalt  }
0x47: {  	_ =	shalt  }
0x48: {  	_ =	shalt  }
0x49: {  	_ =	shalt  }
0x4a: {  	_ =	shalt  }
0x4b: {  	_ =	shalt  }
0x4c: {  	_ =	shalt  }
0x4d: {  	_ =	shalt  }
0x4e: {  	_ =	shalt  }
0x4f: {  	_ =	shalt  }
0x50: {  	_ =	shalt  }
0x51: {  	_ =	shalt  }
0x52: {  	_ =	shalt  }
0x53: {  	_ =	shalt  }
0x54: {  	_ =	shalt  }
0x55: {  	_ =	shalt  }
0x56: {  	_ =	shalt  }
0x57: {  	_ =	shalt  }
0x58: {  	_ =	shalt  }
0x59: {  	_ =	shalt  }
0x5a: {  	_ =	shalt  }
0x5b: {  	_ =	shalt  }
0x5c: {  	_ =	shalt  }
0x5d: {  	_ =	shalt  }
0x5e: {  	_ =	shalt  }
0x5f: {  	_ =	shalt  }
0x60: {  	_ =	shalt  }
0x61: {  	_ =	shalt  }
0x62: {  	_ =	shalt  }
0x63: {  	_ =	shalt  }
0x64: {  	_ =	shalt  }
0x65: {  	_ =	shalt  }
0x66: {  	_ =	shalt  }
0x67: {  	_ =	shalt  }
0x68: {  	_ =	shalt  }
0x69: {  	_ =	shalt  }
0x6a: {  	_ =	shalt  }
0x6b: {  	_ =	shalt  }
0x6c: {  	_ =	shalt  }
0x6d: {  	_ =	shalt  }
0x6e: {  	_ =	shalt  }
0x6f: {  	_ =	shalt  }
0x70: {  	_ =	shalt  }
0x71: {  	_ =	shalt  }
0x72: {  	_ =	shalt  }
0x73: {  	_ =	shalt  }
0x74: {  	_ =	shalt  }
0x75: {  	_ =	shalt  }
0x76: {  	_ =	shalt  }
0x77: {  	_ =	shalt  }
0x78: {  	_ =	shalt  }
0x79: {  	_ =	shalt  }
0x7a: {  	_ =	shalt  }
0x7b: {  	_ =	shalt  }
0x7c: {  	_ =	shalt  }
0x7d: {  	_ =	shalt  }
0x7e: {  	_ =	shalt  }
0x7f: {  	_ =	shalt  }
0x80: {  	_ =	shalt  }
0x81: {  	_ =	shalt  }
0x82: {  	_ =	shalt  }
0x83: {  	_ =	shalt  }
0x84: {  	_ =	shalt  }
0x85: {  	_ =	shalt  }
0x86: {  	_ =	shalt  }
0x87: {  	_ =	shalt  }
.Lfunc_end0:
.L_simem_size_0:
called_computation.1_lowered:
.L_overlay_start_0:
0x88: {  	s2 =	sld [smem:$0x3FD9]  }
0x89: {  	s3 =	sld [smem:$0x3FFE];
	_ =	sdelay $0x1  }
0x8a: {  	s1 =	srdreg.scid  }
0x8b: {  	s0 =	sand.u32 $0x1, s1  }
0x8c: {  	s16 =	sshll.u32 s0, $0xA;
	s2 =	sadd.s32 s3, s2  }
0x8d: {  	s2 =	sadd.s32 s2, s16  }
0x8e: {  	[smem:$0x3FBE] =	sst s2  }
0x8f: {  	_ = 	snop  }
0x90: {  	(tm) =	ssettm $0x1  }
0x91: {  	s17 =	sld [smem:$0x3FFB];
	_ =	sdelay $0x3  }
0x92: {  	_ =	strace s17  }
0x93: {  	s2 =	sld [smem:$0x3FFC];
	_ =	sdelay $0x3  }
0x94: {  	_ =	strace s2  }
0x95: {  	s2 =	sld [smem:$0x3FFD];
	_ =	sdelay $0x3  }
0x96: {  	_ =	strace s2  }
0x97: {  	_ =	strace $0x8FFFFFFF  }
0x98: {  	s18 =	sld [smem:$0x3FDB];
	_ =	sdelay $0x1  }
0x99: {  	s19 =	simm.s32 $_scs_section_size  }
0x9a: {  	s4 =	simm.s32 $_size__tile_overlayer_lowered;
	s5 =	simm.s32 $_tile_overlayer_lowered  }
0x9b: {  	s22 =	simm.s32 $0x1BFF;
	s21 =	sshll.u32 s5, $0x1;
	s2 =	sadd.s32 s19, s18  }
0x9c: {  	s6 =	simm.s32 $0x0;
	s20 =	sshll.u32 s4, $0x1;
	s4 =	sadd.s32 s21, s2  }
0x9d: {  	[timem:s6], [sflag:s22] =	dma.local [hbm:s4], s20  }
0x9e: {  	_ =	swait.ge [sflag:s22], s20  }
0x9f: {  	s3 =	ssub.s32 $0x0, s20;
	[sflag:s22] =	ssyncset.done $0x0  }
0xa0: {  	[sflag:s22] =	ssyncadd.s32 s3;
	_ =	sdelay $0x1  }
0xa1: {  	s23 =	simm.s32 $0x1B8B  }
0xa2: {  	_ =	swait.ge [sflag:s23], $0x1  }
0xa3: {  	[sflag:s23] =	ssyncset.done $0x0  }
0xa4: {  	s25 =	simm.s32 $0x1B8E;
	s24 =	sld [smem:$0x3FFE];
	[sflag:s23] =	ssyncadd.s32 $0xFFFFFFFF  }
0xa5: {  	s26 =	simm.s32 $execute0_lowered;
	[smem:$0x3FD2] =	sst s25  }
0xa6: {  	s4 =	sshll.u32 s26, $0x1;
	_ =	strace $0x80000049;
	[dreg:$0x1] =	wrdreg $0xFFFFFFFF  }
0xa7: {  	s28 =	simm.s32 $_size_execute0_lowered;
	s2 =	sadd.s32 s2, s4;
	[dreg:$0x0] =	wrdreg $0x0  }
0xa8: {  	s4 =	sshll.u32 s28, $0x1;
	[dreg:$0x2] =	wrdreg s2  }
0xa9: {  	[dreg:$0x3] =	wrdreg s4  }
0xaa: {  	[dreg:$0x4] =	wrdreg $0xC0  }
0xab: {  	_ =	task [dreg:s6], $0x5FFFF  }
0xac: {  	[dreg:$0x1] =	wrdreg $0xFFFFFFFF  }
0xad: {  	[dreg:$0x0] =	wrdreg $0x60  }
0xae: {  	[dreg:$0x2] =	wrdreg s24  }
0xaf: {  	[dreg:$0x3] =	wrdreg $0xD0000  }
0xb0: {  	[dreg:$0x4] =	wrdreg $0x9  }
0xb1: {  	_ =	task.clear_ibuf [dreg:s6], $0x5FFFF;
	_ =	strace $0x90000049  }
0xb2: {  	s29 =	simm.s32 $0x9;
	_ =	strace $0x8000004B  }
0xb3: {  	_ =	swait.ge [sflag:s29], $0x1  }
0xb4: {  	[sflag:s29] =	ssyncadd.s32 $0xFFFFFFFF  }
0xb5: {  	_ =	strace $0x9000004B  }
0xb6: {  	_ =	sfence  }
0xb7: {  	s30 =	sld [smem:$0x0];
	_ =	sdelay $0x2  }
0xb8: {  	s31 =	sshll.u32 s1, $0xD;
	s1 =	sshrl.u32 s1, $0x2  }
0xb9: {  	s3 =	sand.u32 $0x4000, s31;
	s1 =	sadd.s32 s1, s30  }
0xba: {  	s0 =	sor.u32 s3, s0;
	s1 =	sshll.u32 s1, $0x11  }
0xbb: {  	s0 =	sor.u32 s1, s0  }
0xbc: {  	s0 =	sadd.s32 $0x8F2B, s0  }
0xbd: {  	[sflag:s0] =	ssyncadd.remote.s32 $0x1  }
0xbe: {  	_ =	sfence.sel $0xFFFF  }
0xbf: {  	[dreg:$0x0] =	wrdreg $0xFFFFFFFF;
	(pc) =	sbr.abs _section_cstart, $3  }
0xc0: {  	[dreg:$0x1] =	wrdreg $0xFFFFFFFF  }
0xc1: {  	_ =	task.clear_ibuf [dreg:s6], $0x2FFFF;
	_ =	strace $0x9FFFFFFF  }
0xc2: {  	(tm) =	ssettm $0x7FFFFFFF  }
0xc3: {  	_ =	shalt  }
tec
execute0_lowered:
.L_overlay_start_1:
0x0: {  	(tag) =	ssettag $0x1  }
0x1: {  	s6 =	rddreg [dreg:$0x0]  }
0x2: {  	s0 =	srdreg.scid;
	s2 =	rddreg [dreg:$0x1];
	s3 =	simm.s32 $0x0  }
0x3: {  	s14 =	simm.s32 $0x2800;
	s17 =	simm.s32 $0x7D;
	s18 =	simm.s32 $0x5000  }
0x4: {  	s19 =	simm.s32 $0x1;
	s20 =	simm.s32 $0x9000;
	s21 =	simm.s32 $0x2  }
0x5: {  	s22 =	simm.s32 $0x2780;
	s23 =	simm.s32 $0x4F00;
	s24 =	simm.s32 $0x4F80  }
0x6: {  	s25 =	simm.s32 $0x0;
	s5 =	sand.u32 $0x1, s0;
	s0 =	stileid.u32  }
0x7: {  	[smem:$0x7FF] =	sst s3;
	s4 =	sadd.s32 $0x15E00, s6;
	s8 =	smul.u32 $0xA000, s0  }
0x8: {  	s1 =	sshll.u32 s5, $0x4;
	s9 =	smul.u32 $0x140000, s5;
	s5 =	ssub.s32 $0x2, s5  }
0x9: {  	s11 =	smul.u32 $0x28000, s0;
	s15 =	sshll.u32 s0, $0x6;
	s1 =	sor.u32 s0, s1  }
0xa: {  	s30 =	sshrl.u32 s5, $0x1;
	s15 =	sor.u32 $0x1C03, s15;
	s7 =	smul.u32 $0x2800, s1  }
0xb: {  	s1 =	rddreg [dreg:$0x2];
	_ =	strace $0x8000004A;
	s29 =	sadd.s32 s8, s9  }
0xc: {  	s13 =	ssub.s32 s5, s30;
	s31 =	sshrl.u32 s11, $0x2;
	s7 =	sshrl.u32 s7, $0x3  }
0xd: {  	s16 =	sadd.s32 s31, s2;
	s10 =	sadd.s32 s7, s6;
	s7 =	sshrl.u32 s29, $0x3  }
0xe: {  	s8 =	sshrl.u32 s8, $0x3;
	s16 =	sshrl.u32 s16, $0x3;
	s12 =	sadd.s32 s7, s6  }
0xf: {  	s5 =	sadd.s32 $0x3EE00, s10;
	s6 =	sadd.s32 $0x1E00, s10;
	s7 =	sadd.s32 s4, s8  }
0x10: {  	s9 =	sadd.s32 $0xBE00, s10;
	s8 =	sadd.s32 $0x48E00, s12;
	s10 =	sadd.s32 $0x14000, s7  }
0x11: {  	s11 =	sadd.s32 $0x5CE00, s12;
	s12 =	smax.u32 s13, $0x1;
	s13 =	simm.s32 $0x3  }
.LBB2_1:
0x12: {  	[tilespmem:s3], [sflag:$0x3] =	stream.linear.gather [hbm4b:s5+s3], $0x2800, $0x38;
	[tilespmem:$0x17400] =	vst v63  }
0x13: {  	_ =	swait.ge [sflag:s13], $0x2800  }
0x14: {  	[sflag:s13] =	ssyncset.done $0x0  }
0x15: {  	[sflag:s13] =	ssyncadd.s32 $0xFFFFD800  }
0x16: {  	[tilespmem:s14], [sflag:$0x3] =	stream.linear.gather [hbm4b:s6+s3], $0x2800, $0x38;
	[tilespmem:$0x17400] =	vst v63  }
0x17: {  	_ =	swait.ge [sflag:s13], $0x2800  }
0x18: {  	[sflag:s13] =	ssyncset.done $0x0  }
0x19: {  	[sflag:s13] =	ssyncadd.s32 $0xFFFFD800  }
0x1a: {  	[spmem:s16], [sflag:s15] =	dma.local [hbm:s7], $0x1400  }
0x1b: {  	_ =	swait.ge [sflag:s13], $0x1400  }
0x1c: {  	[sflag:s13] =	ssyncset.done $0x0  }
0x1d: {  	[sflag:s13] =	ssyncadd.s32 $0xFFFFEC00  }
0x1e: {  	[bflag:$0x0] =	sbarrier.arrive $0xFFFF  }
0x1f: {  	[tilespmem:s18], [sflag:$0x1] =	stream.indirect.gather [hbm4b:s4+s17], $0x80, s3, s17, $0xb8;
	[tilespmem:$0x17400] =	vst v63  }
0x20: {  	_ =	swait.ge [sflag:s19], $0x3E80  }
0x21: {  	[sflag:s19] =	ssyncset.done $0x0  }
0x22: {  	s26 =	simm.s32 $0x80;
	[sflag:s19] =	ssyncadd.s32 $0xFFFFC180  }
0x23: {  	[tilespmem:s20], [sflag:$0x2] =	stream.indirect.gather [hbm4b:s4+s17], $0x80, s26, s17, $0xb8;
	[tilespmem:$0x17400] =	vst v63  }
0x24: {  	s29 =	simm.s32 $0x2800  }
0x25: {  	[spmem:s2] =	stream.indirect.scatter.add.f32 [tilespmem:s18], [sflag:$0x3], $0x80, s29, s17, $0xb8;
	[tilespmem:$0x17400] =	vst v63  }
0x26: {  	_ =	swait.ge [sflag:s13], $0x3E80  }
0x27: {  	[sflag:s13] =	ssyncset.done $0x0  }
0x28: {  	[sflag:s13] =	ssyncadd.s32 $0xFFFFC180  }
0x29: {  	_ =	swait.ge [sflag:s21], $0x3E80  }
0x2a: {  	[sflag:s21] =	ssyncset.done $0x0  }
0x2b: {  	s30 =	simm.s32 $0x100;
	[sflag:s21] =	ssyncadd.s32 $0xFFFFC180  }
0x2c: {  	[tilespmem:s18], [sflag:$0x1] =	stream.indirect.gather [hbm4b:s4+s17], $0x80, s30, s17, $0xb8;
	[tilespmem:$0x17400] =	vst v63  }
0x2d: {  	s31 =	simm.s32 $0x2880  }
0x2e: {  	[spmem:s2] =	stream.indirect.scatter.add.f32 [tilespmem:s20], [sflag:$0x3], $0x80, s31, s17, $0xb8;
	[tilespmem:$0x17400] =	vst v63  }
0x2f: {  	_ =	swait.ge [sflag:s13], $0x3E80  }
0x30: {  	s26 =	simm.s32 $0x400;
	[sflag:s13] =	ssyncset.done $0x0  }
.LBB2_2:
0x31: {  	p0 =	sne.s32 s26, $0x9800  }
0x32: {  	[sflag:s13] =	ssyncadd.s32 $0xFFFFC180;
	s28 =	smov.u32 s26;
	s26 =	sadd.s32 $0x400, s26  }
0x33: {  	_ = 	snop  }
0x34: {  	_ =	swait.ge [sflag:s19], $0x3E80  }
0x35: {  	s28 =	sshra.s32 s28, $0x2;
	[sflag:s19] =	ssyncset.done $0x0  }
0x36: {  	s29 =	sadd.s32 $0x80, s28;
	[sflag:s19] =	ssyncadd.s32 $0xFFFFC180  }
0x37: {  	[tilespmem:s20], [sflag:$0x2] =	stream.indirect.gather [hbm4b:s4+s17], $0x80, s29, s17, $0xb8;
	[tilespmem:$0x17400] =	vst v63  }
0x38: {  	s29 =	sadd.s32 $0x2800, s28  }
0x39: {  	[spmem:s2] =	stream.indirect.scatter.add.f32 [tilespmem:s18], [sflag:$0x3], $0x80, s29, s17, $0xb8;
	[tilespmem:$0x17400] =	vst v63  }
0x3a: {  	_ =	swait.ge [sflag:s13], $0x3E80  }
0x3b: {  	[sflag:s13] =	ssyncset.done $0x0  }
0x3c: {  	[sflag:s13] =	ssyncadd.s32 $0xFFFFC180  }
0x3d: {  	_ =	swait.ge [sflag:s21], $0x3E80  }
0x3e: {  	[sflag:s21] =	ssyncset.done $0x0  }
0x3f: {  	s29 =	sadd.s32 $0x100, s28;
	[sflag:s21] =	ssyncadd.s32 $0xFFFFC180  }
0x40: {  	[tilespmem:s18], [sflag:$0x1] =	stream.indirect.gather [hbm4b:s4+s17], $0x80, s29, s17, $0xb8;
	[tilespmem:$0x17400] =	vst v63  }
.Ltmp0:
0x41: {  	_ = 	snop;
	(pc) =	sbr.rel @p0 .LBB2_2-.Ltmp0, $4  }
0x42: {  	s28 =	sadd.s32 $0x2880, s28  }
0x43: {  	[spmem:s2] =	stream.indirect.scatter.add.f32 [tilespmem:s20], [sflag:$0x3], $0x80, s28, s17, $0xb8;
	[tilespmem:$0x17400] =	vst v63  }
0x44: {  	_ =	swait.ge [sflag:s13], $0x3E80  }
0x45: {  	[sflag:s13] =	ssyncset.done $0x0  }
0x46: {  	[sflag:s13] =	ssyncadd.s32 $0xFFFFC180  }
0x47: {  	_ =	swait.ge [sflag:s19], $0x3E80  }
0x48: {  	[sflag:s19] =	ssyncset.done $0x0  }
0x49: {  	[sflag:s19] =	ssyncadd.s32 $0xFFFFC180  }
0x4a: {  	[tilespmem:s20], [sflag:$0x2] =	stream.indirect.gather [hbm4b:s4+s17], $0x80, s22, s17, $0xb8;
	[tilespmem:$0x17400] =	vst v63  }
0x4b: {  	_ = 	snop  }
0x4c: {  	[spmem:s2] =	stream.indirect.scatter.add.f32 [tilespmem:s18], [sflag:$0x3], $0x80, s23, s17, $0xb8;
	[tilespmem:$0x17400] =	vst v63  }
0x4d: {  	_ =	swait.ge [sflag:s13], $0x3E80  }
0x4e: {  	[sflag:s13] =	ssyncset.done $0x0  }
0x4f: {  	[sflag:s13] =	ssyncadd.s32 $0xFFFFC180  }
0x50: {  	_ =	swait.ge [sflag:s21], $0x3E80  }
0x51: {  	[sflag:s21] =	ssyncset.done $0x0  }
0x52: {  	[sflag:s21] =	ssyncadd.s32 $0xFFFFC180  }
0x53: {  	[tilespmem:s18], [sflag:$0x1] =	stream.indirect.gather [hbm4b:s4+s17], $0x80, s22, s17, $0xb8;
	[tilespmem:$0x17400] =	vst v63  }
0x54: {  	_ = 	snop  }
0x55: {  	[spmem:s2] =	stream.indirect.scatter.add.f32 [tilespmem:s20], [sflag:$0x3], $0x80, s24, s17, $0xb8;
	[tilespmem:$0x17400] =	vst v63  }
0x56: {  	_ =	swait.ge [sflag:s13], $0x3E80  }
0x57: {  	[sflag:s13] =	ssyncset.done $0x0  }
0x58: {  	[sflag:s13] =	ssyncadd.s32 $0xFFFFC180  }
0x59: {  	_ =	swait.ge [sflag:s19], $0x3E80  }
0x5a: {  	[sflag:s19] =	ssyncset.done $0x0  }
0x5b: {  	[sflag:s19] =	ssyncadd.s32 $0xFFFFC180  }
0x5c: {  	[bflag:$0x0] =	sbarrier.arrive $0xFFFF  }
0x5d: {  	[hbm:s8], [sflag:s15] =	dma.local [spmem:s16], $0x1400  }
0x5e: {  	_ =	swait.ge [sflag:s13], $0x1400  }
0x5f: {  	[sflag:s13] =	ssyncset.done $0x0  }
0x60: {  	s26 =	simm.s32 $0x0;
	[sflag:s13] =	ssyncadd.s32 $0xFFFFEC00  }
0x61: {  	[tilespmem:s14], [sflag:$0x3] =	stream.linear.gather [hbm4b:s9+s26], $0x2800, $0x38;
	[tilespmem:$0x17400] =	vst v63  }
0x62: {  	_ =	swait.ge [sflag:s13], $0x2800  }
0x63: {  	[sflag:s13] =	ssyncset.done $0x0  }
0x64: {  	[sflag:s13] =	ssyncadd.s32 $0xFFFFD800  }
0x65: {  	[spmem:s16], [sflag:s15] =	dma.local [hbm:s10], $0x1400  }
0x66: {  	_ =	swait.ge [sflag:s13], $0x1400  }
0x67: {  	[sflag:s13] =	ssyncset.done $0x0  }
0x68: {  	[sflag:s13] =	ssyncadd.s32 $0xFFFFEC00  }
0x69: {  	[bflag:$0x0] =	sbarrier.arrive $0xFFFF  }
0x6a: {  	[tilespmem:s18], [sflag:$0x1] =	stream.indirect.gather [hbm4b:s4+s17], $0x80, s26, s17, $0xb8;
	[tilespmem:$0x17400] =	vst v63  }
0x6b: {  	_ =	swait.ge [sflag:s19], $0x3E80  }
0x6c: {  	[sflag:s19] =	ssyncset.done $0x0  }
0x6d: {  	s28 =	simm.s32 $0x80;
	[sflag:s19] =	ssyncadd.s32 $0xFFFFC180  }
0x6e: {  	[tilespmem:s20], [sflag:$0x2] =	stream.indirect.gather [hbm4b:s4+s17], $0x80, s28, s17, $0xb8;
	[tilespmem:$0x17400] =	vst v63  }
0x6f: {  	s29 =	simm.s32 $0x2800  }
0x70: {  	[spmem:s2] =	stream.indirect.scatter.add.f32 [tilespmem:s18], [sflag:$0x3], $0x80, s29, s17, $0xb8;
	[tilespmem:$0x17400] =	vst v63  }
0x71: {  	_ =	swait.ge [sflag:s13], $0x3E80  }
0x72: {  	[sflag:s13] =	ssyncset.done $0x0  }
0x73: {  	[sflag:s13] =	ssyncadd.s32 $0xFFFFC180  }
0x74: {  	_ =	swait.ge [sflag:s21], $0x3E80  }
0x75: {  	[sflag:s21] =	ssyncset.done $0x0  }
0x76: {  	s30 =	simm.s32 $0x100;
	[sflag:s21] =	ssyncadd.s32 $0xFFFFC180  }
0x77: {  	[tilespmem:s18], [sflag:$0x1] =	stream.indirect.gather [hbm4b:s4+s17], $0x80, s30, s17, $0xb8;
	[tilespmem:$0x17400] =	vst v63  }
0x78: {  	s31 =	simm.s32 $0x2880  }
0x79: {  	[spmem:s2] =	stream.indirect.scatter.add.f32 [tilespmem:s20], [sflag:$0x3], $0x80, s31, s17, $0xb8;
	[tilespmem:$0x17400] =	vst v63  }
0x7a: {  	_ =	swait.ge [sflag:s13], $0x3E80  }
0x7b: {  	s26 =	simm.s32 $0x400;
	[sflag:s13] =	ssyncset.done $0x0  }
.LBB2_4:
0x7c: {  	p0 =	sne.s32 s26, $0x9800  }
0x7d: {  	[sflag:s13] =	ssyncadd.s32 $0xFFFFC180;
	s28 =	smov.u32 s26;
	s26 =	sadd.s32 $0x400, s26  }
0x7e: {  	_ = 	snop  }
0x7f: {  	_ =	swait.ge [sflag:s19], $0x3E80  }
0x80: {  	s28 =	sshra.s32 s28, $0x2;
	[sflag:s19] =	ssyncset.done $0x0  }
0x81: {  	s29 =	sadd.s32 $0x80, s28;
	[sflag:s19] =	ssyncadd.s32 $0xFFFFC180  }
0x82: {  	[tilespmem:s20], [sflag:$0x2] =	stream.indirect.gather [hbm4b:s4+s17], $0x80, s29, s17, $0xb8;
	[tilespmem:$0x17400] =	vst v63  }
0x83: {  	s29 =	sadd.s32 $0x2800, s28  }
0x84: {  	[spmem:s2] =	stream.indirect.scatter.add.f32 [tilespmem:s18], [sflag:$0x3], $0x80, s29, s17, $0xb8;
	[tilespmem:$0x17400] =	vst v63  }
0x85: {  	_ =	swait.ge [sflag:s13], $0x3E80  }
0x86: {  	[sflag:s13] =	ssyncset.done $0x0  }
0x87: {  	[sflag:s13] =	ssyncadd.s32 $0xFFFFC180  }
0x88: {  	_ =	swait.ge [sflag:s21], $0x3E80  }
0x89: {  	[sflag:s21] =	ssyncset.done $0x0  }
0x8a: {  	s29 =	sadd.s32 $0x100, s28;
	[sflag:s21] =	ssyncadd.s32 $0xFFFFC180  }
0x8b: {  	[tilespmem:s18], [sflag:$0x1] =	stream.indirect.gather [hbm4b:s4+s17], $0x80, s29, s17, $0xb8;
	[tilespmem:$0x17400] =	vst v63  }
.Ltmp1:
0x8c: {  	_ = 	snop;
	(pc) =	sbr.rel @p0 .LBB2_4-.Ltmp1, $4  }
0x8d: {  	s28 =	sadd.s32 $0x2880, s28  }
0x8e: {  	[spmem:s2] =	stream.indirect.scatter.add.f32 [tilespmem:s20], [sflag:$0x3], $0x80, s28, s17, $0xb8;
	[tilespmem:$0x17400] =	vst v63  }
0x8f: {  	_ =	swait.ge [sflag:s13], $0x3E80  }
0x90: {  	[sflag:s13] =	ssyncset.done $0x0  }
0x91: {  	[sflag:s13] =	ssyncadd.s32 $0xFFFFC180  }
0x92: {  	_ =	swait.ge [sflag:s19], $0x3E80  }
0x93: {  	[sflag:s19] =	ssyncset.done $0x0  }
0x94: {  	[sflag:s19] =	ssyncadd.s32 $0xFFFFC180  }
0x95: {  	[tilespmem:s20], [sflag:$0x2] =	stream.indirect.gather [hbm4b:s4+s17], $0x80, s22, s17, $0xb8;
	[tilespmem:$0x17400] =	vst v63  }
0x96: {  	_ = 	snop  }
0x97: {  	[spmem:s2] =	stream.indirect.scatter.add.f32 [tilespmem:s18], [sflag:$0x3], $0x80, s23, s17, $0xb8;
	[tilespmem:$0x17400] =	vst v63  }
0x98: {  	_ =	swait.ge [sflag:s13], $0x3E80  }
0x99: {  	[sflag:s13] =	ssyncset.done $0x0  }
0x9a: {  	[sflag:s13] =	ssyncadd.s32 $0xFFFFC180  }
0x9b: {  	_ =	swait.ge [sflag:s21], $0x3E80  }
0x9c: {  	[sflag:s21] =	ssyncset.done $0x0  }
0x9d: {  	[sflag:s21] =	ssyncadd.s32 $0xFFFFC180  }
0x9e: {  	[tilespmem:s18], [sflag:$0x1] =	stream.indirect.gather [hbm4b:s4+s17], $0x80, s22, s17, $0xb8;
	[tilespmem:$0x17400] =	vst v63  }
0x9f: {  	_ = 	snop  }
0xa0: {  	[spmem:s2] =	stream.indirect.scatter.add.f32 [tilespmem:s20], [sflag:$0x3], $0x80, s24, s17, $0xb8;
	[tilespmem:$0x17400] =	vst v63  }
0xa1: {  	_ =	swait.ge [sflag:s13], $0x3E80  }
0xa2: {  	[sflag:s13] =	ssyncset.done $0x0  }
0xa3: {  	[sflag:s13] =	ssyncadd.s32 $0xFFFFC180  }
0xa4: {  	_ =	swait.ge [sflag:s19], $0x3E80  }
0xa5: {  	s25 =	sadd.s32 $0x1, s25;
	[sflag:s19] =	ssyncset.done $0x0  }
0xa6: {  	p0 =	sne.s32 s25, s12;
	[sflag:s19] =	ssyncadd.s32 $0xFFFFC180  }
.Ltmp2:
0xa7: {  	[bflag:$0x0] =	sbarrier.arrive $0xFFFF;
	(pc) =	sbr.rel @p0 .LBB2_1-.Ltmp2, $4  }
0xa8: {  	[hbm:s11], [sflag:s15] =	dma.local [spmem:s16], $0x1400  }
0xa9: {  	_ =	swait.ge [sflag:s13], $0x1400  }
0xaa: {  	[sflag:s13] =	ssyncset.done $0x0  }
0xab: {  	[sflag:s13] =	ssyncadd.s32 $0xFFFFEC00  }
0xac: {  	_ =	sfence.sel $0x180000  }
0xad: {  	[bflag:$0x0] =	sbarrier.arrive $0xFFFF  }
0xae: {  	p0 =	sne.s32 s0, $0x0;
	_ =	strace $0x9000004A  }
0xaf: {  	s0 =	sadd.s32 @!p0 $0x100000, s1;
	[bflag:$0x2] =	sbarrier.arrive $0xFFFF  }
0xb0: {  	[sflag:s0] =	ssyncadd.tile.s32 @!p0 $0x1;
	_ =	shalt  }
.Lfunc_end2:
_tile_overlayer_lowered:
.L_overlay_start_2:
0xb1: {  	(tag) =	ssettag $0x2  }
0xb2: {  	s0 =	rddreg [dreg:$0x0];
	s2 =	stileid.u32  }
0xb3: {  	s1 =	rddreg [dreg:$0x1];
	p0 =	sne.s32 s2, $0x0  }
0xb4: {  	s3 =	rddreg [dreg:$0x2];
	[bflag:$0x3] =	sbarrier.arrive $0xFFFF;
	s2 =	simm.s32 @!p0 $0x1C03  }
0xb5: {  	[timem:s3], [sflag:s2] =	dma.local @!p0 [hbm:s0], s1  }
0xb6: {  	s0 =	simm.s32 @!p0 $0x3  }
0xb7: {  	_ =	swait.ge @!p0 [sflag:s0], s1  }
0xb8: {  	s1 =	ssub.s32 @!p0 $0x0, s1;
	[sflag:s0] =	ssyncset.done @!p0 $0x0  }
0xb9: {  	[sflag:s0] =	ssyncadd.s32 @!p0 s1  }
0xba: {  	[bflag:$0x3] =	sbarrier.arrive $0xFFFF  }
0xbb: {  	_ =	shalt  }

// kernel: kernel.14.cloned.1.call-start
scs
__scs_entry_jumppad:
0x0: {  	(pc) =	sbr.rel $0x88, $3  }
0x1: {  	(tag) =	ssettag $0x0;
	lr =	simm.s32 $0x1  }
0x2: {  	[smem:$0x3F97] =	sst lr;
	_ =	strace $0xD0000000  }
0x3: {  	_ = 	snop  }
0x4: {  	_ = 	snop  }
0x5: {  	_ = 	snop  }
0x6: {  	_ = 	snop  }
0x7: {  	_ = 	snop  }
__scs_overlays_trampoline_lowered:
0x8: {  	[smem:$0x3FA6] =	sst s0  }
0x9: {  	[smem:$0x3FA7] =	sst s1  }
0xa: {  	[smem:$0x3FA8] =	sst s2  }
0xb: {  	[smem:$0x3FA9] =	sst s3  }
0xc: {  	[smem:$0x3FAA] =	sst s4  }
0xd: {  	[smem:$0x3FAB] =	sst s5  }
0xe: {  	[smem:$0x3FAC] =	sst s6  }
0xf: {  	[smem:$0x3FAD] =	sst s7  }
0x10: {  	[smem:$0x3FAE] =	sst s8  }
0x11: {  	[smem:$0x3FAF] =	sst s9;
	s0 =	simm.s32 @!p0 $0x0  }
0x12: {  	s1 =	sld [smem:$0x3F95];
	s0 =	simm.s32 @p0 $0x1  }
0x13: {  	[smem:$0x3FB0] =	sst s0;
	s0 =	simm.s32 @!p1 $0x0  }
0x14: {  	s2 =	sld [smem:$0x3F94];
	s0 =	simm.s32 @p1 $0x1  }
0x15: {  	[smem:$0x3FB1] =	sst s0;
	s0 =	simm.s32 @!p2 $0x0  }
0x16: {  	s3 =	sld [smem:$0x3FDB];
	s0 =	simm.s32 @p2 $0x1  }
0x17: {  	s4 =	simm.s32 $0x1BF5;
	[smem:$0x3FB3] =	sst s0  }
0x18: {  	s0 =	sld [smem:$0x3F96];
	_ =	swait.ge [sflag:s4], $0x0  }
0x19: {  	s7 =	sld [smem:$0x3F97]  }
0x1a: {  	s8 =	sadd.s32 $0xFFFFE003, lr  }
0x1b: {  	s9 =	sadd.s32 $0xFFFFFEF7, lr;
	s5 =	simm.s32 $0xFFFFFFFF;
	p2 =	slt.u32 s8, $0xFFFFF086  }
0x1c: {  	p1 =	slt.u32 s9, $0xF7A;
	s5 =	simm.s32 @!p2 $0x0  }
0x1d: {  	s5 =	simm.s32 @p1 $0x1;
	p0 =	seq.s32 s7, s2  }
0x1e: {  	s7 =	smul.u32 @!p0 $0xF7A, s2;
	p2 =	seq.s32 @!p0 s5, $0x0  }
0x1f: {  	s9 =	smul.u32 $0xF7A, s1;
	s8 =	simm.s32 @!p0 $0x1BF5;
	p2 =	por !p2, p0  }
0x20: {  	[sflag:s8] =	ssyncset.s32 @!p0 $0xFFFFF086;
	s6 =	sadd.s32 @!p0 s3, s7;
	s7 =	simm.s32 @!p0 $0x108  }
0x21: {  	s3 =	sadd.s32 s3, s9;
	s6 =	sadd.s32 @!p0 $0x88, s6;
	s7 =	simm.s32 @p2 $0x1082  }
0x22: {  	[simem:s7], [sflag:s8] =	dma.local @!p0 [hbm:s6], $0xF7A  }
0x23: {  	s9 =	sor.u32 $0xD0000000, s2;
	s6 =	simm.s32 $0x108;
	_ =	swait.ge @!p0 [sflag:s8], $0x0  }
0x24: {  	s3 =	sadd.s32 $0x88, s3;
	s6 =	simm.s32 @!p1 $0x1082;
	[sflag:s4] =	ssyncset.s32 $0xFFFFF086  }
0x25: {  	[simem:s6], [sflag:s4] =	dma.local [hbm:s3], $0xF7A  }
0x26: {  	[smem:$0x3F97] =	sst s1;
	(tag) =	ssettag s2;
	_ =	strace s9  }
0x27: {  	s1 =	sld [smem:$0x3FA7]  }
0x28: {  	s2 =	sld [smem:$0x3FA8]  }
0x29: {  	s4 =	sld [smem:$0x3FAA]  }
0x2a: {  	p0 =	seq.s32 s5, $0x0;
	s5 =	sld [smem:$0x3FAB]  }
0x2b: {  	s6 =	sld [smem:$0x3FAC]  }
0x2c: {  	s7 =	sld [smem:$0x3FAD]  }
0x2d: {  	s3 =	simm.s32 $0x108;
	s8 =	sld [smem:$0x3FAE]  }
0x2e: {  	s3 =	simm.s32 @!p0 $0x1082;
	s9 =	sld [smem:$0x3FAF]  }
0x2f: {  	lr =	sadd.s32 s0, s3;
	s0 =	sld [smem:$0x3FA6]  }
0x30: {  	s3 =	sld [smem:$0x3FA9]  }
0x31: {  	[smem:$0x3FB2] =	sst s10  }
0x32: {  	s10 =	sld [smem:$0x3FB0];
	_ =	sdelay $0x3  }
0x33: {  	p0 =	seq.s32 s10, $0x1;
	s10 =	sld [smem:$0x3FB2];
	_ =	sdelay $0x3  }
0x34: {  	[smem:$0x3FB2] =	sst s10  }
0x35: {  	s10 =	sld [smem:$0x3FB1];
	_ =	sdelay $0x3  }
0x36: {  	p1 =	seq.s32 s10, $0x1;
	s10 =	sld [smem:$0x3FB2];
	_ =	sdelay $0x3  }
0x37: {  	[smem:$0x3FB2] =	sst s10  }
0x38: {  	s10 =	sld [smem:$0x3FB3]  }
0x39: {  	_ = 	snop;
	(pc) =	sbr.ind lr, $3  }
0x3a: {  	_ = 	snop  }
0x3b: {  	_ = 	snop  }
0x3c: {  	p2 =	seq.s32 s10, $0x1;
	s10 =	sld [smem:$0x3FB2]  }
0x3d: {  	_ =	shalt  }
0x3e: {  	_ =	shalt  }
0x3f: {  	_ =	shalt  }
0x40: {  	_ =	shalt  }
0x41: {  	_ =	shalt  }
0x42: {  	_ =	shalt  }
0x43: {  	_ =	shalt  }
0x44: {  	_ =	shalt  }
0x45: {  	_ =	shalt  }
0x46: {  	_ =	shalt  }
0x47: {  	_ =	shalt  }
0x48: {  	_ =	shalt  }
0x49: {  	_ =	shalt  }
0x4a: {  	_ =	shalt  }
0x4b: {  	_ =	shalt  }
0x4c: {  	_ =	shalt  }
0x4d: {  	_ =	shalt  }
0x4e: {  	_ =	shalt  }
0x4f: {  	_ =	shalt  }
0x50: {  	_ =	shalt  }
0x51: {  	_ =	shalt  }
0x52: {  	_ =	shalt  }
0x53: {  	_ =	shalt  }
0x54: {  	_ =	shalt  }
0x55: {  	_ =	shalt  }
0x56: {  	_ =	shalt  }
0x57: {  	_ =	shalt  }
0x58: {  	_ =	shalt  }
0x59: {  	_ =	shalt  }
0x5a: {  	_ =	shalt  }
0x5b: {  	_ =	shalt  }
0x5c: {  	_ =	shalt  }
0x5d: {  	_ =	shalt  }
0x5e: {  	_ =	shalt  }
0x5f: {  	_ =	shalt  }
0x60: {  	_ =	shalt  }
0x61: {  	_ =	shalt  }
0x62: {  	_ =	shalt  }
0x63: {  	_ =	shalt  }
0x64: {  	_ =	shalt  }
0x65: {  	_ =	shalt  }
0x66: {  	_ =	shalt  }
0x67: {  	_ =	shalt  }
0x68: {  	_ =	shalt  }
0x69: {  	_ =	shalt  }
0x6a: {  	_ =	shalt  }
0x6b: {  	_ =	shalt  }
0x6c: {  	_ =	shalt  }
0x6d: {  	_ =	shalt  }
0x6e: {  	_ =	shalt  }
0x6f: {  	_ =	shalt  }
0x70: {  	_ =	shalt  }
0x71: {  	_ =	shalt  }
0x72: {  	_ =	shalt  }
0x73: {  	_ =	shalt  }
0x74: {  	_ =	shalt  }
0x75: {  	_ =	shalt  }
0x76: {  	_ =	shalt  }
0x77: {  	_ =	shalt  }
0x78: {  	_ =	shalt  }
0x79: {  	_ =	shalt  }
0x7a: {  	_ =	shalt  }
0x7b: {  	_ =	shalt  }
0x7c: {  	_ =	shalt  }
0x7d: {  	_ =	shalt  }
0x7e: {  	_ =	shalt  }
0x7f: {  	_ =	shalt  }
0x80: {  	_ =	shalt  }
0x81: {  	_ =	shalt  }
0x82: {  	_ =	shalt  }
0x83: {  	_ =	shalt  }
0x84: {  	_ =	shalt  }
0x85: {  	_ =	shalt  }
0x86: {  	_ =	shalt  }
0x87: {  	_ =	shalt  }
.Lfunc_end0:
.L_simem_size_0:
called_computation.2_lowered:
.L_overlay_start_0:
0x88: {  	s2 =	sld [smem:$0x3FD9]  }
0x89: {  	s3 =	sld [smem:$0x3FFE];
	_ =	sdelay $0x1  }
0x8a: {  	s1 =	srdreg.scid  }
0x8b: {  	s0 =	sand.u32 $0x1, s1  }
0x8c: {  	s16 =	sshll.u32 s0, $0xA;
	s2 =	sadd.s32 s3, s2  }
0x8d: {  	s2 =	sadd.s32 s2, s16  }
0x8e: {  	[smem:$0x3FBE] =	sst s2  }
0x8f: {  	_ = 	snop  }
0x90: {  	(tm) =	ssettm $0x1  }
0x91: {  	s17 =	sld [smem:$0x3FFB];
	_ =	sdelay $0x3  }
0x92: {  	_ =	strace s17  }
0x93: {  	s2 =	sld [smem:$0x3FFC];
	_ =	sdelay $0x3  }
0x94: {  	_ =	strace s2  }
0x95: {  	s2 =	sld [smem:$0x3FFD];
	_ =	sdelay $0x3  }
0x96: {  	_ =	strace s2  }
0x97: {  	_ =	strace $0x8FFFFFFF  }
0x98: {  	s18 =	sld [smem:$0x3FDB];
	_ =	sdelay $0x1  }
0x99: {  	s19 =	simm.s32 $_scs_section_size  }
0x9a: {  	s4 =	simm.s32 $_size__tile_overlayer_lowered;
	s5 =	simm.s32 $_tile_overlayer_lowered  }
0x9b: {  	s22 =	simm.s32 $0x1BFF;
	s21 =	sshll.u32 s5, $0x1;
	s2 =	sadd.s32 s19, s18  }
0x9c: {  	s6 =	simm.s32 $0x0;
	s20 =	sshll.u32 s4, $0x1;
	s4 =	sadd.s32 s21, s2  }
0x9d: {  	[timem:s6], [sflag:s22] =	dma.local [hbm:s4], s20  }
0x9e: {  	_ =	swait.ge [sflag:s22], s20  }
0x9f: {  	s3 =	ssub.s32 $0x0, s20;
	[sflag:s22] =	ssyncset.done $0x0  }
0xa0: {  	[sflag:s22] =	ssyncadd.s32 s3;
	_ =	sdelay $0x1  }
0xa1: {  	s23 =	simm.s32 $0x1B8B  }
0xa2: {  	_ =	swait.ge [sflag:s23], $0x1  }
0xa3: {  	[sflag:s23] =	ssyncset.done $0x0  }
0xa4: {  	s25 =	simm.s32 $0x1B8E;
	s24 =	sld [smem:$0x3FFE];
	[sflag:s23] =	ssyncadd.s32 $0xFFFFFFFF  }
0xa5: {  	s26 =	simm.s32 $execute0_lowered;
	[smem:$0x3FD2] =	sst s25  }
0xa6: {  	s4 =	sshll.u32 s26, $0x1;
	_ =	strace $0x8000004C;
	[dreg:$0x1] =	wrdreg $0xFFFFFFFF  }
0xa7: {  	s28 =	simm.s32 $_size_execute0_lowered;
	s2 =	sadd.s32 s2, s4;
	[dreg:$0x0] =	wrdreg $0x0  }
0xa8: {  	s4 =	sshll.u32 s28, $0x1;
	[dreg:$0x2] =	wrdreg s2  }
0xa9: {  	[dreg:$0x3] =	wrdreg s4  }
0xaa: {  	[dreg:$0x4] =	wrdreg $0xC0  }
0xab: {  	_ =	task [dreg:s6], $0x5FFFF  }
0xac: {  	[dreg:$0x1] =	wrdreg $0xFFFFFFFF  }
0xad: {  	[dreg:$0x0] =	wrdreg $0x60  }
0xae: {  	[dreg:$0x2] =	wrdreg s24  }
0xaf: {  	[dreg:$0x3] =	wrdreg $0x120000  }
0xb0: {  	[dreg:$0x4] =	wrdreg $0x9  }
0xb1: {  	_ =	task.clear_ibuf [dreg:s6], $0x5FFFF;
	_ =	strace $0x9000004C  }
0xb2: {  	s29 =	simm.s32 $0x9;
	_ =	strace $0x8000004E  }
0xb3: {  	_ =	swait.ge [sflag:s29], $0x1  }
0xb4: {  	[sflag:s29] =	ssyncadd.s32 $0xFFFFFFFF  }
0xb5: {  	_ =	strace $0x9000004E  }
0xb6: {  	_ =	sfence  }
0xb7: {  	s30 =	sld [smem:$0x0];
	_ =	sdelay $0x2  }
0xb8: {  	s31 =	sshll.u32 s1, $0xD;
	s1 =	sshrl.u32 s1, $0x2  }
0xb9: {  	s3 =	sand.u32 $0x4000, s31;
	s1 =	sadd.s32 s1, s30  }
0xba: {  	s0 =	sor.u32 s3, s0;
	s1 =	sshll.u32 s1, $0x11  }
0xbb: {  	s0 =	sor.u32 s1, s0  }
0xbc: {  	s0 =	sadd.s32 $0x8F2B, s0  }
0xbd: {  	[sflag:s0] =	ssyncadd.remote.s32 $0x1  }
0xbe: {  	_ =	sfence.sel $0xFFFF  }
0xbf: {  	[dreg:$0x0] =	wrdreg $0xFFFFFFFF;
	(pc) =	sbr.abs _section_cstart, $3  }
0xc0: {  	[dreg:$0x1] =	wrdreg $0xFFFFFFFF  }
0xc1: {  	_ =	task.clear_ibuf [dreg:s6], $0x2FFFF;
	_ =	strace $0x9FFFFFFF  }
0xc2: {  	(tm) =	ssettm $0x7FFFFFFF  }
0xc3: {  	_ =	shalt  }
tec
execute0_lowered:
.L_overlay_start_1:
0x0: {  	(tag) =	ssettag $0x1  }
0x1: {  	s1 =	srdreg.scid  }
0x2: {  	s0 =	stileid.u32;
	s5 =	rddreg [dreg:$0x0]  }
0x3: {  	s2 =	rddreg [dreg:$0x1];
	s3 =	simm.s32 $0x0;
	s14 =	simm.s32 $0x5000  }
0x4: {  	s17 =	simm.s32 $0x7D;
	s18 =	simm.s32 $0xA000;
	s7 =	smul.u32 $0x5000, s0  }
0x5: {  	s19 =	simm.s32 $0x1;
	s20 =	simm.s32 $0xE000;
	s10 =	smul.u32 $0xA000, s0  }
0x6: {  	s21 =	simm.s32 $0x2;
	s22 =	simm.s32 $0x4F80;
	s29 =	smul.u32 $0x140, s0  }
0x7: {  	s23 =	simm.s32 $0x9F00;
	s6 =	sand.u32 $0x1, s1;
	s31 =	smul.u32 $0x28000, s0  }
0x8: {  	s24 =	simm.s32 $0x9F80;
	s1 =	rddreg [dreg:$0x2];
	s4 =	smul.u32 $0x50000, s6  }
0x9: {  	s25 =	simm.s32 $0x0;
	[smem:$0x7FF] =	sst s3;
	s8 =	smul.u32 $0x140000, s6  }
0xa: {  	s15 =	sshll.u32 s0, $0x6;
	s28 =	smul.u32 $0x2800, s6;
	s6 =	ssub.s32 $0x2, s6  }
0xb: {  	_ =	strace $0x8000004D;
	s15 =	sor.u32 $0x1C03, s15;
	s30 =	sshrl.u32 s6, $0x1  }
0xc: {  	s4 =	sadd.s32 s7, s4;
	s7 =	sshrl.u32 s7, $0x3;
	s26 =	sadd.s32 s10, s8  }
0xd: {  	s13 =	ssub.s32 s6, s30;
	s8 =	sadd.s32 s29, s28;
	s9 =	sshrl.u32 s4, $0x3  }
0xe: {  	s4 =	sadd.s32 $0x15E00, s5;
	s11 =	sadd.s32 s7, s5;
	s7 =	sshrl.u32 s26, $0x3  }
0xf: {  	s8 =	sshll.u32 s8, $0x4;
	s9 =	sadd.s32 s9, s5;
	s12 =	sadd.s32 s7, s5  }
0x10: {  	s6 =	sadd.s32 $0x1E00, s11;
	s7 =	sshrl.u32 s31, $0x2;
	s5 =	sadd.s32 $0x98E00, s9  }
0x11: {  	s16 =	sadd.s32 s7, s2;
	s7 =	sadd.s32 s4, s8;
	s8 =	sadd.s32 $0xACE00, s12  }
0x12: {  	s9 =	sadd.s32 $0xBE00, s11;
	s11 =	sadd.s32 $0xC0E00, s12;
	s12 =	smax.u32 s13, $0x1  }
0x13: {  	s13 =	simm.s32 $0x3;
	s10 =	sadd.s32 $0x14000, s7;
	s16 =	sshrl.u32 s16, $0x3  }
.LBB2_1:
0x14: {  	[tilespmem:s3], [sflag:$0x3] =	stream.linear.gather [hbm4b:s5+s3], $0x5000, $0x38;
	[tilespmem:$0x1C400] =	vst v63  }
0x15: {  	_ =	swait.ge [sflag:s13], $0x5000  }
0x16: {  	[sflag:s13] =	ssyncset.done $0x0  }
0x17: {  	[sflag:s13] =	ssyncadd.s32 $0xFFFFB000  }
0x18: {  	[tilespmem:s14], [sflag:$0x3] =	stream.linear.gather [hbm4b:s6+s3], $0x5000, $0x38;
	[tilespmem:$0x1C400] =	vst v63  }
0x19: {  	_ =	swait.ge [sflag:s13], $0x5000  }
0x1a: {  	[sflag:s13] =	ssyncset.done $0x0  }
0x1b: {  	[sflag:s13] =	ssyncadd.s32 $0xFFFFB000  }
0x1c: {  	[spmem:s16], [sflag:s15] =	dma.local [hbm:s7], $0x1400  }
0x1d: {  	_ =	swait.ge [sflag:s13], $0x1400  }
0x1e: {  	[sflag:s13] =	ssyncset.done $0x0  }
0x1f: {  	[sflag:s13] =	ssyncadd.s32 $0xFFFFEC00  }
0x20: {  	[bflag:$0x0] =	sbarrier.arrive $0xFFFF  }
0x21: {  	[tilespmem:s18], [sflag:$0x1] =	stream.indirect.gather [hbm4b:s4+s17], $0x80, s3, s17, $0xb8;
	[tilespmem:$0x1C400] =	vst v63  }
0x22: {  	_ =	swait.ge [sflag:s19], $0x3E80  }
0x23: {  	[sflag:s19] =	ssyncset.done $0x0  }
0x24: {  	s26 =	simm.s32 $0x80;
	[sflag:s19] =	ssyncadd.s32 $0xFFFFC180  }
0x25: {  	[tilespmem:s20], [sflag:$0x2] =	stream.indirect.gather [hbm4b:s4+s17], $0x80, s26, s17, $0xb8;
	[tilespmem:$0x1C400] =	vst v63  }
0x26: {  	s29 =	simm.s32 $0x5000  }
0x27: {  	[spmem:s2] =	stream.indirect.scatter.add.f32 [tilespmem:s18], [sflag:$0x3], $0x80, s29, s17, $0xb8;
	[tilespmem:$0x1C400] =	vst v63  }
0x28: {  	_ =	swait.ge [sflag:s13], $0x3E80  }
0x29: {  	[sflag:s13] =	ssyncset.done $0x0  }
0x2a: {  	[sflag:s13] =	ssyncadd.s32 $0xFFFFC180  }
0x2b: {  	_ =	swait.ge [sflag:s21], $0x3E80  }
0x2c: {  	[sflag:s21] =	ssyncset.done $0x0  }
0x2d: {  	s30 =	simm.s32 $0x100;
	[sflag:s21] =	ssyncadd.s32 $0xFFFFC180  }
0x2e: {  	[tilespmem:s18], [sflag:$0x1] =	stream.indirect.gather [hbm4b:s4+s17], $0x80, s30, s17, $0xb8;
	[tilespmem:$0x1C400] =	vst v63  }
0x2f: {  	s31 =	simm.s32 $0x5080  }
0x30: {  	[spmem:s2] =	stream.indirect.scatter.add.f32 [tilespmem:s20], [sflag:$0x3], $0x80, s31, s17, $0xb8;
	[tilespmem:$0x1C400] =	vst v63  }
0x31: {  	_ =	swait.ge [sflag:s13], $0x3E80  }
0x32: {  	s26 =	simm.s32 $0x400;
	[sflag:s13] =	ssyncset.done $0x0  }
.LBB2_2:
0x33: {  	p0 =	sne.s32 s26, $0x13800  }
0x34: {  	[sflag:s13] =	ssyncadd.s32 $0xFFFFC180;
	s28 =	smov.u32 s26;
	s26 =	sadd.s32 $0x400, s26  }
0x35: {  	_ = 	snop  }
0x36: {  	_ =	swait.ge [sflag:s19], $0x3E80  }
0x37: {  	s28 =	sshra.s32 s28, $0x2;
	[sflag:s19] =	ssyncset.done $0x0  }
0x38: {  	s29 =	sadd.s32 $0x80, s28;
	[sflag:s19] =	ssyncadd.s32 $0xFFFFC180  }
0x39: {  	[tilespmem:s20], [sflag:$0x2] =	stream.indirect.gather [hbm4b:s4+s17], $0x80, s29, s17, $0xb8;
	[tilespmem:$0x1C400] =	vst v63  }
0x3a: {  	s29 =	sadd.s32 $0x5000, s28  }
0x3b: {  	[spmem:s2] =	stream.indirect.scatter.add.f32 [tilespmem:s18], [sflag:$0x3], $0x80, s29, s17, $0xb8;
	[tilespmem:$0x1C400] =	vst v63  }
0x3c: {  	_ =	swait.ge [sflag:s13], $0x3E80  }
0x3d: {  	[sflag:s13] =	ssyncset.done $0x0  }
0x3e: {  	[sflag:s13] =	ssyncadd.s32 $0xFFFFC180  }
0x3f: {  	_ =	swait.ge [sflag:s21], $0x3E80  }
0x40: {  	[sflag:s21] =	ssyncset.done $0x0  }
0x41: {  	s29 =	sadd.s32 $0x100, s28;
	[sflag:s21] =	ssyncadd.s32 $0xFFFFC180  }
0x42: {  	[tilespmem:s18], [sflag:$0x1] =	stream.indirect.gather [hbm4b:s4+s17], $0x80, s29, s17, $0xb8;
	[tilespmem:$0x1C400] =	vst v63  }
.Ltmp0:
0x43: {  	_ = 	snop;
	(pc) =	sbr.rel @p0 .LBB2_2-.Ltmp0, $4  }
0x44: {  	s28 =	sadd.s32 $0x5080, s28  }
0x45: {  	[spmem:s2] =	stream.indirect.scatter.add.f32 [tilespmem:s20], [sflag:$0x3], $0x80, s28, s17, $0xb8;
	[tilespmem:$0x1C400] =	vst v63  }
0x46: {  	_ =	swait.ge [sflag:s13], $0x3E80  }
0x47: {  	[sflag:s13] =	ssyncset.done $0x0  }
0x48: {  	[sflag:s13] =	ssyncadd.s32 $0xFFFFC180  }
0x49: {  	_ =	swait.ge [sflag:s19], $0x3E80  }
0x4a: {  	[sflag:s19] =	ssyncset.done $0x0  }
0x4b: {  	[sflag:s19] =	ssyncadd.s32 $0xFFFFC180  }
0x4c: {  	[tilespmem:s20], [sflag:$0x2] =	stream.indirect.gather [hbm4b:s4+s17], $0x80, s22, s17, $0xb8;
	[tilespmem:$0x1C400] =	vst v63  }
0x4d: {  	_ = 	snop  }
0x4e: {  	[spmem:s2] =	stream.indirect.scatter.add.f32 [tilespmem:s18], [sflag:$0x3], $0x80, s23, s17, $0xb8;
	[tilespmem:$0x1C400] =	vst v63  }
0x4f: {  	_ =	swait.ge [sflag:s13], $0x3E80  }
0x50: {  	[sflag:s13] =	ssyncset.done $0x0  }
0x51: {  	[sflag:s13] =	ssyncadd.s32 $0xFFFFC180  }
0x52: {  	_ =	swait.ge [sflag:s21], $0x3E80  }
0x53: {  	[sflag:s21] =	ssyncset.done $0x0  }
0x54: {  	[sflag:s21] =	ssyncadd.s32 $0xFFFFC180  }
0x55: {  	[tilespmem:s18], [sflag:$0x1] =	stream.indirect.gather [hbm4b:s4+s17], $0x80, s22, s17, $0xb8;
	[tilespmem:$0x1C400] =	vst v63  }
0x56: {  	_ = 	snop  }
0x57: {  	[spmem:s2] =	stream.indirect.scatter.add.f32 [tilespmem:s20], [sflag:$0x3], $0x80, s24, s17, $0xb8;
	[tilespmem:$0x1C400] =	vst v63  }
0x58: {  	_ =	swait.ge [sflag:s13], $0x3E80  }
0x59: {  	[sflag:s13] =	ssyncset.done $0x0  }
0x5a: {  	[sflag:s13] =	ssyncadd.s32 $0xFFFFC180  }
0x5b: {  	_ =	swait.ge [sflag:s19], $0x3E80  }
0x5c: {  	[sflag:s19] =	ssyncset.done $0x0  }
0x5d: {  	[sflag:s19] =	ssyncadd.s32 $0xFFFFC180  }
0x5e: {  	[bflag:$0x0] =	sbarrier.arrive $0xFFFF  }
0x5f: {  	[hbm:s8], [sflag:s15] =	dma.local [spmem:s16], $0x1400  }
0x60: {  	_ =	swait.ge [sflag:s13], $0x1400  }
0x61: {  	[sflag:s13] =	ssyncset.done $0x0  }
0x62: {  	s26 =	simm.s32 $0x0;
	[sflag:s13] =	ssyncadd.s32 $0xFFFFEC00  }
0x63: {  	[tilespmem:s14], [sflag:$0x3] =	stream.linear.gather [hbm4b:s9+s26], $0x5000, $0x38;
	[tilespmem:$0x1C400] =	vst v63  }
0x64: {  	_ =	swait.ge [sflag:s13], $0x5000  }
0x65: {  	[sflag:s13] =	ssyncset.done $0x0  }
0x66: {  	[sflag:s13] =	ssyncadd.s32 $0xFFFFB000  }
0x67: {  	[spmem:s16], [sflag:s15] =	dma.local [hbm:s10], $0x1400  }
0x68: {  	_ =	swait.ge [sflag:s13], $0x1400  }
0x69: {  	[sflag:s13] =	ssyncset.done $0x0  }
0x6a: {  	[sflag:s13] =	ssyncadd.s32 $0xFFFFEC00  }
0x6b: {  	[bflag:$0x0] =	sbarrier.arrive $0xFFFF  }
0x6c: {  	[tilespmem:s18], [sflag:$0x1] =	stream.indirect.gather [hbm4b:s4+s17], $0x80, s26, s17, $0xb8;
	[tilespmem:$0x1C400] =	vst v63  }
0x6d: {  	_ =	swait.ge [sflag:s19], $0x3E80  }
0x6e: {  	[sflag:s19] =	ssyncset.done $0x0  }
0x6f: {  	s28 =	simm.s32 $0x80;
	[sflag:s19] =	ssyncadd.s32 $0xFFFFC180  }
0x70: {  	[tilespmem:s20], [sflag:$0x2] =	stream.indirect.gather [hbm4b:s4+s17], $0x80, s28, s17, $0xb8;
	[tilespmem:$0x1C400] =	vst v63  }
0x71: {  	s29 =	simm.s32 $0x5000  }
0x72: {  	[spmem:s2] =	stream.indirect.scatter.add.f32 [tilespmem:s18], [sflag:$0x3], $0x80, s29, s17, $0xb8;
	[tilespmem:$0x1C400] =	vst v63  }
0x73: {  	_ =	swait.ge [sflag:s13], $0x3E80  }
0x74: {  	[sflag:s13] =	ssyncset.done $0x0  }
0x75: {  	[sflag:s13] =	ssyncadd.s32 $0xFFFFC180  }
0x76: {  	_ =	swait.ge [sflag:s21], $0x3E80  }
0x77: {  	[sflag:s21] =	ssyncset.done $0x0  }
0x78: {  	s30 =	simm.s32 $0x100;
	[sflag:s21] =	ssyncadd.s32 $0xFFFFC180  }
0x79: {  	[tilespmem:s18], [sflag:$0x1] =	stream.indirect.gather [hbm4b:s4+s17], $0x80, s30, s17, $0xb8;
	[tilespmem:$0x1C400] =	vst v63  }
0x7a: {  	s31 =	simm.s32 $0x5080  }
0x7b: {  	[spmem:s2] =	stream.indirect.scatter.add.f32 [tilespmem:s20], [sflag:$0x3], $0x80, s31, s17, $0xb8;
	[tilespmem:$0x1C400] =	vst v63  }
0x7c: {  	_ =	swait.ge [sflag:s13], $0x3E80  }
0x7d: {  	s26 =	simm.s32 $0x400;
	[sflag:s13] =	ssyncset.done $0x0  }
.LBB2_4:
0x7e: {  	p0 =	sne.s32 s26, $0x13800  }
0x7f: {  	[sflag:s13] =	ssyncadd.s32 $0xFFFFC180;
	s28 =	smov.u32 s26;
	s26 =	sadd.s32 $0x400, s26  }
0x80: {  	_ = 	snop  }
0x81: {  	_ =	swait.ge [sflag:s19], $0x3E80  }
0x82: {  	s28 =	sshra.s32 s28, $0x2;
	[sflag:s19] =	ssyncset.done $0x0  }
0x83: {  	s29 =	sadd.s32 $0x80, s28;
	[sflag:s19] =	ssyncadd.s32 $0xFFFFC180  }
0x84: {  	[tilespmem:s20], [sflag:$0x2] =	stream.indirect.gather [hbm4b:s4+s17], $0x80, s29, s17, $0xb8;
	[tilespmem:$0x1C400] =	vst v63  }
0x85: {  	s29 =	sadd.s32 $0x5000, s28  }
0x86: {  	[spmem:s2] =	stream.indirect.scatter.add.f32 [tilespmem:s18], [sflag:$0x3], $0x80, s29, s17, $0xb8;
	[tilespmem:$0x1C400] =	vst v63  }
0x87: {  	_ =	swait.ge [sflag:s13], $0x3E80  }
0x88: {  	[sflag:s13] =	ssyncset.done $0x0  }
0x89: {  	[sflag:s13] =	ssyncadd.s32 $0xFFFFC180  }
0x8a: {  	_ =	swait.ge [sflag:s21], $0x3E80  }
0x8b: {  	[sflag:s21] =	ssyncset.done $0x0  }
0x8c: {  	s29 =	sadd.s32 $0x100, s28;
	[sflag:s21] =	ssyncadd.s32 $0xFFFFC180  }
0x8d: {  	[tilespmem:s18], [sflag:$0x1] =	stream.indirect.gather [hbm4b:s4+s17], $0x80, s29, s17, $0xb8;
	[tilespmem:$0x1C400] =	vst v63  }
.Ltmp1:
0x8e: {  	_ = 	snop;
	(pc) =	sbr.rel @p0 .LBB2_4-.Ltmp1, $4  }
0x8f: {  	s28 =	sadd.s32 $0x5080, s28  }
0x90: {  	[spmem:s2] =	stream.indirect.scatter.add.f32 [tilespmem:s20], [sflag:$0x3], $0x80, s28, s17, $0xb8;
	[tilespmem:$0x1C400] =	vst v63  }
0x91: {  	_ =	swait.ge [sflag:s13], $0x3E80  }
0x92: {  	[sflag:s13] =	ssyncset.done $0x0  }
0x93: {  	[sflag:s13] =	ssyncadd.s32 $0xFFFFC180  }
0x94: {  	_ =	swait.ge [sflag:s19], $0x3E80  }
0x95: {  	[sflag:s19] =	ssyncset.done $0x0  }
0x96: {  	[sflag:s19] =	ssyncadd.s32 $0xFFFFC180  }
0x97: {  	[tilespmem:s20], [sflag:$0x2] =	stream.indirect.gather [hbm4b:s4+s17], $0x80, s22, s17, $0xb8;
	[tilespmem:$0x1C400] =	vst v63  }
0x98: {  	_ = 	snop  }
0x99: {  	[spmem:s2] =	stream.indirect.scatter.add.f32 [tilespmem:s18], [sflag:$0x3], $0x80, s23, s17, $0xb8;
	[tilespmem:$0x1C400] =	vst v63  }
0x9a: {  	_ =	swait.ge [sflag:s13], $0x3E80  }
0x9b: {  	[sflag:s13] =	ssyncset.done $0x0  }
0x9c: {  	[sflag:s13] =	ssyncadd.s32 $0xFFFFC180  }
0x9d: {  	_ =	swait.ge [sflag:s21], $0x3E80  }
0x9e: {  	[sflag:s21] =	ssyncset.done $0x0  }
0x9f: {  	[sflag:s21] =	ssyncadd.s32 $0xFFFFC180  }
0xa0: {  	[tilespmem:s18], [sflag:$0x1] =	stream.indirect.gather [hbm4b:s4+s17], $0x80, s22, s17, $0xb8;
	[tilespmem:$0x1C400] =	vst v63  }
0xa1: {  	_ = 	snop  }
0xa2: {  	[spmem:s2] =	stream.indirect.scatter.add.f32 [tilespmem:s20], [sflag:$0x3], $0x80, s24, s17, $0xb8;
	[tilespmem:$0x1C400] =	vst v63  }
0xa3: {  	_ =	swait.ge [sflag:s13], $0x3E80  }
0xa4: {  	[sflag:s13] =	ssyncset.done $0x0  }
0xa5: {  	[sflag:s13] =	ssyncadd.s32 $0xFFFFC180  }
0xa6: {  	_ =	swait.ge [sflag:s19], $0x3E80  }
0xa7: {  	s25 =	sadd.s32 $0x1, s25;
	[sflag:s19] =	ssyncset.done $0x0  }
0xa8: {  	p0 =	sne.s32 s25, s12;
	[sflag:s19] =	ssyncadd.s32 $0xFFFFC180  }
.Ltmp2:
0xa9: {  	[bflag:$0x0] =	sbarrier.arrive $0xFFFF;
	(pc) =	sbr.rel @p0 .LBB2_1-.Ltmp2, $4  }
0xaa: {  	[hbm:s11], [sflag:s15] =	dma.local [spmem:s16], $0x1400  }
0xab: {  	_ =	swait.ge [sflag:s13], $0x1400  }
0xac: {  	[sflag:s13] =	ssyncset.done $0x0  }
0xad: {  	[sflag:s13] =	ssyncadd.s32 $0xFFFFEC00  }
0xae: {  	_ =	sfence.sel $0x180000  }
0xaf: {  	[bflag:$0x0] =	sbarrier.arrive $0xFFFF  }
0xb0: {  	p0 =	sne.s32 s0, $0x0;
	_ =	strace $0x9000004D  }
0xb1: {  	s0 =	sadd.s32 @!p0 $0x100000, s1;
	[bflag:$0x2] =	sbarrier.arrive $0xFFFF  }
0xb2: {  	[sflag:s0] =	ssyncadd.tile.s32 @!p0 $0x1;
	_ =	shalt  }
.Lfunc_end2:
_tile_overlayer_lowered:
.L_overlay_start_2:
0xb3: {  	(tag) =	ssettag $0x2  }
0xb4: {  	s0 =	rddreg [dreg:$0x0];
	s2 =	stileid.u32  }
0xb5: {  	s1 =	rddreg [dreg:$0x1];
	p0 =	sne.s32 s2, $0x0  }
0xb6: {  	s3 =	rddreg [dreg:$0x2];
	[bflag:$0x3] =	sbarrier.arrive $0xFFFF;
	s2 =	simm.s32 @!p0 $0x1C03  }
0xb7: {  	[timem:s3], [sflag:s2] =	dma.local @!p0 [hbm:s0], s1  }
0xb8: {  	s0 =	simm.s32 @!p0 $0x3  }
0xb9: {  	_ =	swait.ge @!p0 [sflag:s0], s1  }
0xba: {  	s1 =	ssub.s32 @!p0 $0x0, s1;
	[sflag:s0] =	ssyncset.done @!p0 $0x0  }
0xbb: {  	[sflag:s0] =	ssyncadd.s32 @!p0 s1  }
0xbc: {  	[bflag:$0x3] =	sbarrier.arrive $0xFFFF  }
0xbd: {  	_ =	shalt  }

// kernel: kernel.8.cloned.1.call-start
scs
__scs_entry_jumppad:
0x0: {  	(pc) =	sbr.rel $0x88, $3  }
0x1: {  	(tag) =	ssettag $0x0;
	lr =	simm.s32 $0x1  }
0x2: {  	[smem:$0x3F97] =	sst lr;
	_ =	strace $0xD0000000  }
0x3: {  	_ = 	snop  }
0x4: {  	_ = 	snop  }
0x5: {  	_ = 	snop  }
0x6: {  	_ = 	snop  }
0x7: {  	_ = 	snop  }
__scs_overlays_trampoline_lowered:
0x8: {  	[smem:$0x3FA6] =	sst s0  }
0x9: {  	[smem:$0x3FA7] =	sst s1  }
0xa: {  	[smem:$0x3FA8] =	sst s2  }
0xb: {  	[smem:$0x3FA9] =	sst s3  }
0xc: {  	[smem:$0x3FAA] =	sst s4  }
0xd: {  	[smem:$0x3FAB] =	sst s5  }
0xe: {  	[smem:$0x3FAC] =	sst s6  }
0xf: {  	[smem:$0x3FAD] =	sst s7  }
0x10: {  	[smem:$0x3FAE] =	sst s8  }
0x11: {  	[smem:$0x3FAF] =	sst s9;
	s0 =	simm.s32 @!p0 $0x0  }
0x12: {  	s1 =	sld [smem:$0x3F95];
	s0 =	simm.s32 @p0 $0x1  }
0x13: {  	[smem:$0x3FB0] =	sst s0;
	s0 =	simm.s32 @!p1 $0x0  }
0x14: {  	s2 =	sld [smem:$0x3F94];
	s0 =	simm.s32 @p1 $0x1  }
0x15: {  	[smem:$0x3FB1] =	sst s0;
	s0 =	simm.s32 @!p2 $0x0  }
0x16: {  	s3 =	sld [smem:$0x3FDB];
	s0 =	simm.s32 @p2 $0x1  }
0x17: {  	s4 =	simm.s32 $0x1BF5;
	[smem:$0x3FB3] =	sst s0  }
0x18: {  	s0 =	sld [smem:$0x3F96];
	_ =	swait.ge [sflag:s4], $0x0  }
0x19: {  	s7 =	sld [smem:$0x3F97]  }
0x1a: {  	s8 =	sadd.s32 $0xFFFFE003, lr  }
0x1b: {  	s9 =	sadd.s32 $0xFFFFFEF7, lr;
	s5 =	simm.s32 $0xFFFFFFFF;
	p2 =	slt.u32 s8, $0xFFFFF086  }
0x1c: {  	p1 =	slt.u32 s9, $0xF7A;
	s5 =	simm.s32 @!p2 $0x0  }
0x1d: {  	s5 =	simm.s32 @p1 $0x1;
	p0 =	seq.s32 s7, s2  }
0x1e: {  	s7 =	smul.u32 @!p0 $0xF7A, s2;
	p2 =	seq.s32 @!p0 s5, $0x0  }
0x1f: {  	s9 =	smul.u32 $0xF7A, s1;
	s8 =	simm.s32 @!p0 $0x1BF5;
	p2 =	por !p2, p0  }
0x20: {  	[sflag:s8] =	ssyncset.s32 @!p0 $0xFFFFF086;
	s6 =	sadd.s32 @!p0 s3, s7;
	s7 =	simm.s32 @!p0 $0x108  }
0x21: {  	s3 =	sadd.s32 s3, s9;
	s6 =	sadd.s32 @!p0 $0x88, s6;
	s7 =	simm.s32 @p2 $0x1082  }
0x22: {  	[simem:s7], [sflag:s8] =	dma.local @!p0 [hbm:s6], $0xF7A  }
0x23: {  	s9 =	sor.u32 $0xD0000000, s2;
	s6 =	simm.s32 $0x108;
	_ =	swait.ge @!p0 [sflag:s8], $0x0  }
0x24: {  	s3 =	sadd.s32 $0x88, s3;
	s6 =	simm.s32 @!p1 $0x1082;
	[sflag:s4] =	ssyncset.s32 $0xFFFFF086  }
0x25: {  	[simem:s6], [sflag:s4] =	dma.local [hbm:s3], $0xF7A  }
0x26: {  	[smem:$0x3F97] =	sst s1;
	(tag) =	ssettag s2;
	_ =	strace s9  }
0x27: {  	s1 =	sld [smem:$0x3FA7]  }
0x28: {  	s2 =	sld [smem:$0x3FA8]  }
0x29: {  	s4 =	sld [smem:$0x3FAA]  }
0x2a: {  	p0 =	seq.s32 s5, $0x0;
	s5 =	sld [smem:$0x3FAB]  }
0x2b: {  	s6 =	sld [smem:$0x3FAC]  }
0x2c: {  	s7 =	sld [smem:$0x3FAD]  }
0x2d: {  	s3 =	simm.s32 $0x108;
	s8 =	sld [smem:$0x3FAE]  }
0x2e: {  	s3 =	simm.s32 @!p0 $0x1082;
	s9 =	sld [smem:$0x3FAF]  }
0x2f: {  	lr =	sadd.s32 s0, s3;
	s0 =	sld [smem:$0x3FA6]  }
0x30: {  	s3 =	sld [smem:$0x3FA9]  }
0x31: {  	[smem:$0x3FB2] =	sst s10  }
0x32: {  	s10 =	sld [smem:$0x3FB0];
	_ =	sdelay $0x3  }
0x33: {  	p0 =	seq.s32 s10, $0x1;
	s10 =	sld [smem:$0x3FB2];
	_ =	sdelay $0x3  }
0x34: {  	[smem:$0x3FB2] =	sst s10  }
0x35: {  	s10 =	sld [smem:$0x3FB1];
	_ =	sdelay $0x3  }
0x36: {  	p1 =	seq.s32 s10, $0x1;
	s10 =	sld [smem:$0x3FB2];
	_ =	sdelay $0x3  }
0x37: {  	[smem:$0x3FB2] =	sst s10  }
0x38: {  	s10 =	sld [smem:$0x3FB3]  }
0x39: {  	_ = 	snop;
	(pc) =	sbr.ind lr, $3  }
0x3a: {  	_ = 	snop  }
0x3b: {  	_ = 	snop  }
0x3c: {  	p2 =	seq.s32 s10, $0x1;
	s10 =	sld [smem:$0x3FB2]  }
0x3d: {  	_ =	shalt  }
0x3e: {  	_ =	shalt  }
0x3f: {  	_ =	shalt  }
0x40: {  	_ =	shalt  }
0x41: {  	_ =	shalt  }
0x42: {  	_ =	shalt  }
0x43: {  	_ =	shalt  }
0x44: {  	_ =	shalt  }
0x45: {  	_ =	shalt  }
0x46: {  	_ =	shalt  }
0x47: {  	_ =	shalt  }
0x48: {  	_ =	shalt  }
0x49: {  	_ =	shalt  }
0x4a: {  	_ =	shalt  }
0x4b: {  	_ =	shalt  }
0x4c: {  	_ =	shalt  }
0x4d: {  	_ =	shalt  }
0x4e: {  	_ =	shalt  }
0x4f: {  	_ =	shalt  }
0x50: {  	_ =	shalt  }
0x51: {  	_ =	shalt  }
0x52: {  	_ =	shalt  }
0x53: {  	_ =	shalt  }
0x54: {  	_ =	shalt  }
0x55: {  	_ =	shalt  }
0x56: {  	_ =	shalt  }
0x57: {  	_ =	shalt  }
0x58: {  	_ =	shalt  }
0x59: {  	_ =	shalt  }
0x5a: {  	_ =	shalt  }
0x5b: {  	_ =	shalt  }
0x5c: {  	_ =	shalt  }
0x5d: {  	_ =	shalt  }
0x5e: {  	_ =	shalt  }
0x5f: {  	_ =	shalt  }
0x60: {  	_ =	shalt  }
0x61: {  	_ =	shalt  }
0x62: {  	_ =	shalt  }
0x63: {  	_ =	shalt  }
0x64: {  	_ =	shalt  }
0x65: {  	_ =	shalt  }
0x66: {  	_ =	shalt  }
0x67: {  	_ =	shalt  }
0x68: {  	_ =	shalt  }
0x69: {  	_ =	shalt  }
0x6a: {  	_ =	shalt  }
0x6b: {  	_ =	shalt  }
0x6c: {  	_ =	shalt  }
0x6d: {  	_ =	shalt  }
0x6e: {  	_ =	shalt  }
0x6f: {  	_ =	shalt  }
0x70: {  	_ =	shalt  }
0x71: {  	_ =	shalt  }
0x72: {  	_ =	shalt  }
0x73: {  	_ =	shalt  }
0x74: {  	_ =	shalt  }
0x75: {  	_ =	shalt  }
0x76: {  	_ =	shalt  }
0x77: {  	_ =	shalt  }
0x78: {  	_ =	shalt  }
0x79: {  	_ =	shalt  }
0x7a: {  	_ =	shalt  }
0x7b: {  	_ =	shalt  }
0x7c: {  	_ =	shalt  }
0x7d: {  	_ =	shalt  }
0x7e: {  	_ =	shalt  }
0x7f: {  	_ =	shalt  }
0x80: {  	_ =	shalt  }
0x81: {  	_ =	shalt  }
0x82: {  	_ =	shalt  }
0x83: {  	_ =	shalt  }
0x84: {  	_ =	shalt  }
0x85: {  	_ =	shalt  }
0x86: {  	_ =	shalt  }
0x87: {  	_ =	shalt  }
.Lfunc_end0:
.L_simem_size_0:
called_computation_lowered:
.L_overlay_start_0:
0x88: {  	s2 =	sld [smem:$0x3FD9]  }
0x89: {  	s3 =	sld [smem:$0x3FFE];
	_ =	sdelay $0x1  }
0x8a: {  	s1 =	srdreg.scid  }
0x8b: {  	s0 =	sand.u32 $0x1, s1  }
0x8c: {  	s16 =	sshll.u32 s0, $0xA;
	s2 =	sadd.s32 s3, s2  }
0x8d: {  	s2 =	sadd.s32 s2, s16  }
0x8e: {  	[smem:$0x3FBE] =	sst s2  }
0x8f: {  	_ = 	snop  }
0x90: {  	(tm) =	ssettm $0x1  }
0x91: {  	s17 =	sld [smem:$0x3FFB];
	_ =	sdelay $0x3  }
0x92: {  	_ =	strace s17  }
0x93: {  	s2 =	sld [smem:$0x3FFC];
	_ =	sdelay $0x3  }
0x94: {  	_ =	strace s2  }
0x95: {  	s2 =	sld [smem:$0x3FFD];
	_ =	sdelay $0x3  }
0x96: {  	_ =	strace s2  }
0x97: {  	_ =	strace $0x8FFFFFFF  }
0x98: {  	s18 =	sld [smem:$0x3FDB];
	_ =	sdelay $0x1  }
0x99: {  	s19 =	simm.s32 $_scs_section_size  }
0x9a: {  	s4 =	simm.s32 $_size__tile_overlayer_lowered;
	s5 =	simm.s32 $_tile_overlayer_lowered  }
0x9b: {  	s22 =	simm.s32 $0x1BFF;
	s21 =	sshll.u32 s5, $0x1;
	s2 =	sadd.s32 s19, s18  }
0x9c: {  	s6 =	simm.s32 $0x0;
	s20 =	sshll.u32 s4, $0x1;
	s4 =	sadd.s32 s21, s2  }
0x9d: {  	[timem:s6], [sflag:s22] =	dma.local [hbm:s4], s20  }
0x9e: {  	_ =	swait.ge [sflag:s22], s20  }
0x9f: {  	s3 =	ssub.s32 $0x0, s20;
	[sflag:s22] =	ssyncset.done $0x0  }
0xa0: {  	[sflag:s22] =	ssyncadd.s32 s3;
	_ =	sdelay $0x1  }
0xa1: {  	s23 =	simm.s32 $0x1B8B  }
0xa2: {  	_ =	swait.ge [sflag:s23], $0x1  }
0xa3: {  	[sflag:s23] =	ssyncset.done $0x0  }
0xa4: {  	s25 =	simm.s32 $0x1B8E;
	s24 =	sld [smem:$0x3FFE];
	[sflag:s23] =	ssyncadd.s32 $0xFFFFFFFF  }
0xa5: {  	s26 =	simm.s32 $execute0_lowered;
	[smem:$0x3FD2] =	sst s25  }
0xa6: {  	s4 =	sshll.u32 s26, $0x1;
	_ =	strace $0x80000046;
	[dreg:$0x1] =	wrdreg $0xFFFFFFFF  }
0xa7: {  	s28 =	simm.s32 $_size_execute0_lowered;
	s2 =	sadd.s32 s2, s4;
	[dreg:$0x0] =	wrdreg $0x0  }
0xa8: {  	s4 =	sshll.u32 s28, $0x1;
	[dreg:$0x2] =	wrdreg s2  }
0xa9: {  	[dreg:$0x3] =	wrdreg s4  }
0xaa: {  	[dreg:$0x4] =	wrdreg $0xC0  }
0xab: {  	_ =	task [dreg:s6], $0x5FFFF  }
0xac: {  	[dreg:$0x1] =	wrdreg $0xFFFFFFFF  }
0xad: {  	[dreg:$0x0] =	wrdreg $0x60  }
0xae: {  	[dreg:$0x2] =	wrdreg s24  }
0xaf: {  	[dreg:$0x3] =	wrdreg $0x90000  }
0xb0: {  	[dreg:$0x4] =	wrdreg $0x9  }
0xb1: {  	_ =	task.clear_ibuf [dreg:s6], $0x5FFFF;
	_ =	strace $0x90000046  }
0xb2: {  	s29 =	simm.s32 $0x9;
	_ =	strace $0x80000048  }
0xb3: {  	_ =	swait.ge [sflag:s29], $0x1  }
0xb4: {  	[sflag:s29] =	ssyncadd.s32 $0xFFFFFFFF  }
0xb5: {  	_ =	strace $0x90000048  }
0xb6: {  	_ =	sfence  }
0xb7: {  	s30 =	sld [smem:$0x0];
	_ =	sdelay $0x2  }
0xb8: {  	s31 =	sshll.u32 s1, $0xD;
	s1 =	sshrl.u32 s1, $0x2  }
0xb9: {  	s3 =	sand.u32 $0x4000, s31;
	s1 =	sadd.s32 s1, s30  }
0xba: {  	s0 =	sor.u32 s3, s0;
	s1 =	sshll.u32 s1, $0x11  }
0xbb: {  	s0 =	sor.u32 s1, s0  }
0xbc: {  	s0 =	sadd.s32 $0x8F2B, s0  }
0xbd: {  	[sflag:s0] =	ssyncadd.remote.s32 $0x1  }
0xbe: {  	_ =	sfence.sel $0xFFFF  }
0xbf: {  	[dreg:$0x0] =	wrdreg $0xFFFFFFFF;
	(pc) =	sbr.abs _section_cstart, $3  }
0xc0: {  	[dreg:$0x1] =	wrdreg $0xFFFFFFFF  }
0xc1: {  	_ =	task.clear_ibuf [dreg:s6], $0x2FFFF;
	_ =	strace $0x9FFFFFFF  }
0xc2: {  	(tm) =	ssettm $0x7FFFFFFF  }
0xc3: {  	_ =	shalt  }
tec
execute0_lowered:
.L_overlay_start_1:
0x0: {  	(tag) =	ssettag $0x1  }
0x1: {  	s4 =	rddreg [dreg:$0x0]  }
0x2: {  	s0 =	srdreg.scid;
	s2 =	rddreg [dreg:$0x1]  }
0x3: {  	s1 =	rddreg [dreg:$0x2];
	s5 =	sand.u32 $0x1, s0  }
0x4: {  	s0 =	stileid.u32;
	s6 =	smul.u32 $0x50000, s5  }
0x5: {  	s3 =	simm.s32 $0x0;
	s12 =	simm.s32 $0x7D;
	s7 =	smul.u32 $0x5000, s0  }
0x6: {  	s15 =	simm.s32 $0x0;
	[smem:$0x7FF] =	sst s3;
	s8 =	smul.u32 $0xA4000, s5  }
0x7: {  	s30 =	smul.u32 $0xA400, s0;
	_ =	strace $0x80000047;
	s5 =	ssub.s32 $0x2, s5  }
0x8: {  	s9 =	smul.u32 $0x29000, s0;
	s13 =	sshll.u32 s0, $0x6;
	s31 =	sshrl.u32 s5, $0x1  }
0x9: {  	s13 =	sor.u32 $0x1C01, s13;
	s6 =	sadd.s32 s7, s6;
	s7 =	sadd.s32 s30, s8  }
0xa: {  	s9 =	sshrl.u32 s9, $0x2;
	s6 =	sshrl.u32 s6, $0x3;
	s7 =	sshrl.u32 s7, $0x3  }
0xb: {  	s11 =	ssub.s32 s5, s31;
	s6 =	sadd.s32 s6, s4;
	s10 =	sadd.s32 s7, s4  }
0xc: {  	s4 =	sadd.s32 s9, s2;
	s9 =	smax.u32 s11, $0x1;
	s11 =	simm.s32 $0x5000  }
0xd: {  	s5 =	sadd.s32 $0x1E00, s6;
	s6 =	sadd.s32 $0x3E80, s4;
	s7 =	sadd.s32 $0x7D00, s4  }
0xe: {  	v0 =	vimm.f32 $1.000000000e+00;
	s8 =	sadd.s32 $0x15E00, s10;
	s10 =	simm.s32 $0x1;
	s14 =	sshrl.u32 s4, $0x3  }
.LBB2_1:
0xf: {  	[tilespmem:s3], [sflag:$0x1] =	stream.linear.gather [hbm4b:s5+s3], $0x5000, $0x38;
	[tilespmem:$0xA480] =	vst v63  }
0x10: {  	_ =	swait.ge [sflag:s10], $0x5000  }
0x11: {  	[sflag:s10] =	ssyncset.done $0x0  }
0x12: {  	[sflag:s10] =	ssyncadd.s32 $0xFFFFB000  }
0x13: {  	[tilespmem:$0x5000] =	vst v0  }
0x14: {  	[tilespmem:$0x5080] =	vst v0  }
0x15: {  	[tilespmem:$0x5100] =	vst v0  }
0x16: {  	[tilespmem:$0x5180] =	vst v0  }
0x17: {  	[tilespmem:$0x5200] =	vst v0  }
0x18: {  	[tilespmem:$0x5280] =	vst v0  }
0x19: {  	[tilespmem:$0x5300] =	vst v0  }
0x1a: {  	[tilespmem:$0x5380] =	vst v0  }
0x1b: {  	[tilespmem:$0x5400] =	vst v0  }
0x1c: {  	[tilespmem:$0x5480] =	vst v0  }
0x1d: {  	[tilespmem:$0x5500] =	vst v0  }
0x1e: {  	[tilespmem:$0x5580] =	vst v0  }
0x1f: {  	[tilespmem:$0x5600] =	vst v0  }
0x20: {  	[tilespmem:$0x5680] =	vst v0  }
0x21: {  	[tilespmem:$0x5700] =	vst v0  }
0x22: {  	[tilespmem:$0x5780] =	vst v0  }
0x23: {  	[tilespmem:$0x5800] =	vst v0  }
0x24: {  	[tilespmem:$0x5880] =	vst v0  }
0x25: {  	[tilespmem:$0x5900] =	vst v0  }
0x26: {  	[tilespmem:$0x5980] =	vst v0  }
0x27: {  	[tilespmem:$0x5A00] =	vst v0  }
0x28: {  	[tilespmem:$0x5A80] =	vst v0  }
0x29: {  	[tilespmem:$0x5B00] =	vst v0  }
0x2a: {  	[tilespmem:$0x5B80] =	vst v0  }
0x2b: {  	[tilespmem:$0x5C00] =	vst v0  }
0x2c: {  	[tilespmem:$0x5C80] =	vst v0  }
0x2d: {  	[tilespmem:$0x5D00] =	vst v0  }
0x2e: {  	[tilespmem:$0x5D80] =	vst v0  }
0x2f: {  	[tilespmem:$0x5E00] =	vst v0  }
0x30: {  	[tilespmem:$0x5E80] =	vst v0  }
0x31: {  	[tilespmem:$0x5F00] =	vst v0  }
0x32: {  	[tilespmem:$0x5F80] =	vst v0  }
0x33: {  	[tilespmem:$0x6000] =	vst v0  }
0x34: {  	[tilespmem:$0x6080] =	vst v0  }
0x35: {  	[tilespmem:$0x6100] =	vst v0  }
0x36: {  	[tilespmem:$0x6180] =	vst v0  }
0x37: {  	[tilespmem:$0x6200] =	vst v0  }
0x38: {  	[tilespmem:$0x6280] =	vst v0  }
0x39: {  	[tilespmem:$0x6300] =	vst v0  }
0x3a: {  	[tilespmem:$0x6380] =	vst v0  }
0x3b: {  	[tilespmem:$0x6400] =	vst v0  }
0x3c: {  	[tilespmem:$0x6480] =	vst v0  }
0x3d: {  	[tilespmem:$0x6500] =	vst v0  }
0x3e: {  	[tilespmem:$0x6580] =	vst v0  }
0x3f: {  	[tilespmem:$0x6600] =	vst v0  }
0x40: {  	[tilespmem:$0x6680] =	vst v0  }
0x41: {  	[tilespmem:$0x6700] =	vst v0  }
0x42: {  	[tilespmem:$0x6780] =	vst v0  }
0x43: {  	[tilespmem:$0x6800] =	vst v0  }
0x44: {  	[tilespmem:$0x6880] =	vst v0  }
0x45: {  	[tilespmem:$0x6900] =	vst v0  }
0x46: {  	[tilespmem:$0x6980] =	vst v0  }
0x47: {  	[tilespmem:$0x6A00] =	vst v0  }
0x48: {  	[tilespmem:$0x6A80] =	vst v0  }
0x49: {  	[tilespmem:$0x6B00] =	vst v0  }
0x4a: {  	[tilespmem:$0x6B80] =	vst v0  }
0x4b: {  	[tilespmem:$0x6C00] =	vst v0  }
0x4c: {  	[tilespmem:$0x6C80] =	vst v0  }
0x4d: {  	[tilespmem:$0x6D00] =	vst v0  }
0x4e: {  	[tilespmem:$0x6D80] =	vst v0  }
0x4f: {  	[tilespmem:$0x6E00] =	vst v0  }
0x50: {  	[tilespmem:$0x6E80] =	vst v0  }
0x51: {  	[tilespmem:$0x6F00] =	vst v0  }
0x52: {  	[tilespmem:$0x6F80] =	vst v0  }
0x53: {  	[tilespmem:$0x7000] =	vst v0  }
0x54: {  	[tilespmem:$0x7080] =	vst v0  }
0x55: {  	[tilespmem:$0x7100] =	vst v0  }
0x56: {  	[tilespmem:$0x7180] =	vst v0  }
0x57: {  	[tilespmem:$0x7200] =	vst v0  }
0x58: {  	[tilespmem:$0x7280] =	vst v0  }
0x59: {  	[tilespmem:$0x7300] =	vst v0  }
0x5a: {  	[tilespmem:$0x7380] =	vst v0  }
0x5b: {  	[tilespmem:$0x7400] =	vst v0  }
0x5c: {  	[tilespmem:$0x7480] =	vst v0  }
0x5d: {  	[tilespmem:$0x7500] =	vst v0  }
0x5e: {  	[tilespmem:$0x7580] =	vst v0  }
0x5f: {  	[tilespmem:$0x7600] =	vst v0  }
0x60: {  	[tilespmem:$0x7680] =	vst v0  }
0x61: {  	[tilespmem:$0x7700] =	vst v0  }
0x62: {  	[tilespmem:$0x7780] =	vst v0  }
0x63: {  	[tilespmem:$0x7800] =	vst v0  }
0x64: {  	[tilespmem:$0x7880] =	vst v0  }
0x65: {  	[tilespmem:$0x7900] =	vst v0  }
0x66: {  	[tilespmem:$0x7980] =	vst v0  }
0x67: {  	[tilespmem:$0x7A00] =	vst v0  }
0x68: {  	[tilespmem:$0x7A80] =	vst v0  }
0x69: {  	[tilespmem:$0x7B00] =	vst v0  }
0x6a: {  	[tilespmem:$0x7B80] =	vst v0  }
0x6b: {  	[tilespmem:$0x7C00] =	vst v0  }
0x6c: {  	[tilespmem:$0x7C80] =	vst v0  }
0x6d: {  	[tilespmem:$0x7D00] =	vst v0  }
0x6e: {  	[tilespmem:$0x7D80] =	vst v0  }
0x6f: {  	[tilespmem:$0x7E00] =	vst v0  }
0x70: {  	[tilespmem:$0x7E80] =	vst v0  }
0x71: {  	[tilespmem:$0x7F00] =	vst v0  }
0x72: {  	[tilespmem:$0x7F80] =	vst v0  }
0x73: {  	[tilespmem:$0x8000] =	vst v0  }
0x74: {  	[tilespmem:$0x8080] =	vst v0  }
0x75: {  	[tilespmem:$0x8100] =	vst v0  }
0x76: {  	[tilespmem:$0x8180] =	vst v0  }
0x77: {  	[tilespmem:$0x8200] =	vst v0  }
0x78: {  	[tilespmem:$0x8280] =	vst v0  }
0x79: {  	[tilespmem:$0x8300] =	vst v0  }
0x7a: {  	[tilespmem:$0x8380] =	vst v0  }
0x7b: {  	[tilespmem:$0x8400] =	vst v0  }
0x7c: {  	[tilespmem:$0x8480] =	vst v0  }
0x7d: {  	[tilespmem:$0x8500] =	vst v0  }
0x7e: {  	[tilespmem:$0x8580] =	vst v0  }
0x7f: {  	[tilespmem:$0x8600] =	vst v0  }
0x80: {  	[tilespmem:$0x8680] =	vst v0  }
0x81: {  	[tilespmem:$0x8700] =	vst v0  }
0x82: {  	[tilespmem:$0x8780] =	vst v0  }
0x83: {  	[tilespmem:$0x8800] =	vst v0  }
0x84: {  	[tilespmem:$0x8880] =	vst v0  }
0x85: {  	[tilespmem:$0x8900] =	vst v0  }
0x86: {  	[tilespmem:$0x8980] =	vst v0  }
0x87: {  	[tilespmem:$0x8A00] =	vst v0  }
0x88: {  	[tilespmem:$0x8A80] =	vst v0  }
0x89: {  	[tilespmem:$0x8B00] =	vst v0  }
0x8a: {  	[tilespmem:$0x8B80] =	vst v0  }
0x8b: {  	[tilespmem:$0x8C00] =	vst v0  }
0x8c: {  	[tilespmem:$0x8C80] =	vst v0  }
0x8d: {  	[tilespmem:$0x8D00] =	vst v0  }
0x8e: {  	[tilespmem:$0x8D80] =	vst v0  }
0x8f: {  	[tilespmem:$0x8E00] =	vst v0  }
0x90: {  	[spmem:s4] =	stream.linear.scatter [tilespmem:s11], [sflag:$0x1], $0x3E80, $0x38;
	[tilespmem:$0xA480] =	vst v63  }
0x91: {  	_ =	swait.ge [sflag:s10], $0x3E80  }
0x92: {  	[sflag:s10] =	ssyncset.done $0x0  }
0x93: {  	[sflag:s10] =	ssyncadd.s32 $0xFFFFC180  }
0x94: {  	[spmem:s6] =	stream.linear.scatter [tilespmem:s11], [sflag:$0x1], $0x3E80, $0x38;
	[tilespmem:$0xA480] =	vst v63  }
0x95: {  	_ =	swait.ge [sflag:s10], $0x3E80  }
0x96: {  	[sflag:s10] =	ssyncset.done $0x0  }
0x97: {  	[sflag:s10] =	ssyncadd.s32 $0xFFFFC180  }
0x98: {  	[spmem:s7] =	stream.linear.scatter [tilespmem:s11], [sflag:$0x1], $0x2700, $0x38;
	[tilespmem:$0xA480] =	vst v63  }
0x99: {  	_ =	swait.ge [sflag:s10], $0x2700  }
0x9a: {  	[sflag:s10] =	ssyncset.done $0x0  }
0x9b: {  	[sflag:s10] =	ssyncadd.s32 $0xFFFFD900  }
0x9c: {  	s16 =	simm.s32 $0x0;
	[bflag:$0x0] =	sbarrier.arrive $0xFFFF  }
0x9d: {  	[spmem:s2] =	stream.indirect.scatter.add.f32 [tilespmem:s11], [sflag:$0x1], $0x10, s16, s12, $0xb8;
	[tilespmem:$0xA480] =	vst v63  }
0x9e: {  	_ =	swait.ge [sflag:s10], $0x7D0  }
0x9f: {  	s16 =	simm.s32 $0x200;
	[sflag:s10] =	ssyncset.done $0x0  }
.LBB2_2:
0xa0: {  	s17 =	sshra.s32 s16, $0x2;
	[sflag:s10] =	ssyncadd.s32 $0xFFFFF830;
	p0 =	sne.s32 s16, $0x13E00  }
0xa1: {  	[spmem:s2] =	stream.indirect.scatter.add.f32 [tilespmem:s11], [sflag:$0x1], $0x10, s17, s12, $0xb8;
	[tilespmem:$0xA480] =	vst v63  }
.Ltmp0:
0xa2: {  	_ = 	snop;
	(pc) =	sbr.rel @p0 .LBB2_2-.Ltmp0, $4  }
0xa3: {  	_ = 	snop  }
0xa4: {  	s16 =	sadd.s32 $0x200, s16  }
0xa5: {  	_ =	swait.ge [sflag:s10], $0x7D0  }
0xa6: {  	[sflag:s10] =	ssyncset.done $0x0  }
0xa7: {  	s15 =	sadd.s32 $0x1, s15  }
0xa8: {  	[sflag:s10] =	ssyncadd.s32 $0xFFFFF830;
	p0 =	sne.s32 s15, s9  }
.Ltmp1:
0xa9: {  	[bflag:$0x0] =	sbarrier.arrive $0xFFFF;
	(pc) =	sbr.rel @p0 .LBB2_1-.Ltmp1, $4  }
0xaa: {  	[hbm:s8], [sflag:s13] =	dma.local [spmem:s14], $0x1480  }
0xab: {  	_ =	swait.ge [sflag:s10], $0x1480  }
0xac: {  	[sflag:s10] =	ssyncset.done $0x0  }
0xad: {  	[sflag:s10] =	ssyncadd.s32 $0xFFFFEB80  }
0xae: {  	_ =	sfence.sel $0x180000  }
0xaf: {  	[bflag:$0x0] =	sbarrier.arrive $0xFFFF  }
0xb0: {  	p0 =	sne.s32 s0, $0x0;
	_ =	strace $0x90000047  }
0xb1: {  	s0 =	sadd.s32 @!p0 $0x100000, s1;
	[bflag:$0x2] =	sbarrier.arrive $0xFFFF  }
0xb2: {  	[sflag:s0] =	ssyncadd.tile.s32 @!p0 $0x1;
	_ =	shalt  }
.Lfunc_end2:
_tile_overlayer_lowered:
.L_overlay_start_2:
0xb3: {  	(tag) =	ssettag $0x2  }
0xb4: {  	s0 =	rddreg [dreg:$0x0];
	s2 =	stileid.u32  }
0xb5: {  	s1 =	rddreg [dreg:$0x1];
	p0 =	sne.s32 s2, $0x0  }
0xb6: {  	s3 =	rddreg [dreg:$0x2];
	[bflag:$0x3] =	sbarrier.arrive $0xFFFF;
	s2 =	simm.s32 @!p0 $0x1C01  }
0xb7: {  	[timem:s3], [sflag:s2] =	dma.local @!p0 [hbm:s0], s1  }
0xb8: {  	s0 =	simm.s32 @!p0 $0x1  }
0xb9: {  	_ =	swait.ge @!p0 [sflag:s0], s1  }
0xba: {  	s1 =	ssub.s32 @!p0 $0x0, s1;
	[sflag:s0] =	ssyncset.done @!p0 $0x0  }
0xbb: {  	[sflag:s0] =	ssyncadd.s32 @!p0 s1  }
0xbc: {  	[bflag:$0x3] =	sbarrier.arrive $0xFFFF  }
0xbd: {  	_ =	shalt  }

</sc_bundles>
